<compile_context>
chip_gen: v7x
topology: tpu7x:2x2x1
jax: 0.10.2.dev20260603
libtpu: 0.0.44.dev20260713+nightly
codegen_flags: <defaults>
</compile_context>

<pallas_src>
import functools

import jax
import jax.numpy as jnp
from jax import lax
from jax.experimental import pallas as pl
from jax.experimental.pallas import tpu as pltpu
from jax.experimental.pallas import tpu_sc as plsc

_HIDDEN = 128
_INV_SQRT_D = 1.0 / (128.0 ** 0.5)
_NW = 32
_CHUNK = 80
_ECHUNK = 40

def _zero_rows(zb, n_rows, width):
    @pl.loop(0, n_rows)
    def _(i):
        z = jnp.zeros((16,), jnp.float32)
        for j in range(width // 16):
            zb[i, pl.ds(j * 16, 16)] = z


def _owned_blocks(sid, n_blocks, body, rows=None):
    rows = _ECHUNK if rows is None else rows
    for j in range((n_blocks + 15) // 16):
        bid = sid + 16 * j

        @pl.when(bid < n_blocks)
        def _():
            body(bid * rows)


def _sc_compiler_params():
    import dataclasses
    cp = pltpu.CompilerParams()
    if "needs_layout_passes" in pltpu.CompilerParams.__dataclass_fields__:
        cp = dataclasses.replace(cp, needs_layout_passes=False)
    return cp


def _sc_edge(q, k, v, src, dst):
    n = q.shape[0]
    n_edges = src.shape[0]
    e_per_w = n_edges // _NW
    n_chunks = e_per_w // _ECHUNK
    n_blocks = n // _ECHUNK
    mesh = plsc.VectorSubcoreMesh(core_axis_name="c", subcore_axis_name="s")

    ibuf = pltpu.VMEM((_ECHUNK,), jnp.int32)
    fbuf = pltpu.VMEM((_ECHUNK, 128), jnp.float32)

    @functools.partial(
        pl.kernel,
        out_type=[jax.ShapeDtypeStruct((2, n, 128), jnp.float32),
                  jax.ShapeDtypeStruct((_NW, n), jnp.float32)],
        mesh=mesh,
        compiler_params=_sc_compiler_params(),
        scratch_types=[
            ibuf, ibuf, ibuf, ibuf,
            fbuf, fbuf, fbuf,
            fbuf, fbuf, fbuf,
            pltpu.VMEM((n,), jnp.float32),
            pltpu.VMEM_SHARED((n, 128), jnp.float32),
            pltpu.SemaphoreType.DMA,
            pltpu.SemaphoreType.DMA,
        ],
    )
    def sck(q_hbm, k_hbm, v_hbm, src_hbm, dst_hbm, out_hbm, den_hbm,
            srcb0, dstb0, srcb1, dstb1, qb0, kb0, vb0, qb1, kb1, vb1,
            denb, accs, sem0, sem1):
        cid = lax.axis_index("c")
        sid = lax.axis_index("s")
        wid = cid * 16 + sid

        _zero_rows(qb0, _ECHUNK, 128)
        _owned_blocks(sid, n_blocks,
                      lambda r0: pltpu.sync_copy(qb0, accs.at[pl.ds(r0, _ECHUNK)]))

        @pl.loop(0, n // 16)
        def _zd(i):
            denb[pl.ds(i * 16, 16)] = jnp.zeros((16,), jnp.float32)

        plsc.subcore_barrier()

        lanes = lax.iota(jnp.int32, 16)
        m0 = lanes == 0
        base0 = wid * e_per_w

        def issue(base, srcb, dstb, qb, kb, vb, sem):
            pltpu.sync_copy(src_hbm.at[pl.ds(base, _ECHUNK)], srcb)
            pltpu.sync_copy(dst_hbm.at[pl.ds(base, _ECHUNK)], dstb)
            return (pltpu.async_copy(q_hbm.at[dstb], qb, sem),
                    pltpu.async_copy(k_hbm.at[srcb], kb, sem),
                    pltpu.async_copy(v_hbm.at[srcb], vb, sem))

        def consume(hs, srcb, dstb, qb, kb, vb):
            for h in hs:
                h.wait()

            @pl.loop(0, _ECHUNK // 2)
            def _edge(ii):
                for u in range(2):
                    i = ii * 2 + u
                    acc = qb[i, pl.ds(0, 16)] * kb[i, pl.ds(0, 16)]
                    for b in range(1, 8):
                        acc = acc + (qb[i, pl.ds(b * 16, 16)]
                                     * kb[i, pl.ds(b * 16, 16)])
                    scl = jnp.exp(jnp.zeros((16,), jnp.float32) + jnp.sum(acc))
                    for b in range(8):
                        vb[i, pl.ds(b * 16, 16)] = vb[i, pl.ds(b * 16, 16)] * scl
                    isplat = jnp.zeros((16,), jnp.int32) + i
                    dsplat = plsc.load_gather(dstb, [isplat])
                    plsc.addupdate_scatter(denb, [dsplat], scl, mask=m0)

            pltpu.sync_copy(vb, accs.at[dstb], add=True)

        @pl.loop(0, n_chunks // 2)
        def _pair(t):
            base = base0 + t * (2 * _ECHUNK)
            hA = issue(base, srcb0, dstb0, qb0, kb0, vb0, sem0)
            hB = issue(base + _ECHUNK, srcb1, dstb1, qb1, kb1, vb1, sem1)
            consume(hA, srcb0, dstb0, qb0, kb0, vb0)
            consume(hB, srcb1, dstb1, qb1, kb1, vb1)

        pltpu.sync_copy(denb, den_hbm.at[wid])

        plsc.subcore_barrier()
        _owned_blocks(
            sid, n_blocks,
            lambda r0: pltpu.sync_copy(accs.at[pl.ds(r0, _ECHUNK)],
                                       out_hbm.at[cid, pl.ds(r0, _ECHUNK)]))

    return sck(q, k, v, src, dst)


_SLOTS = 264


def _sc_agg(out, src, dst, inv):
    n = out.shape[0]
    n_edges = src.shape[0]
    e_per_w = n_edges // _NW
    n_chunks = e_per_w // _CHUNK
    mesh = plsc.VectorSubcoreMesh(core_axis_name="c", subcore_axis_name="s")

    @functools.partial(
        pl.kernel,
        out_type=jax.ShapeDtypeStruct((2, _SLOTS, 128), jnp.float32),
        mesh=mesh,
        compiler_params=_sc_compiler_params(),
        scratch_types=[
            pltpu.VMEM((_CHUNK,), jnp.int32),
            pltpu.VMEM((_CHUNK,), jnp.int32),
            pltpu.VMEM((_CHUNK,), jnp.int32),
            pltpu.VMEM((_CHUNK,), jnp.int32),
            pltpu.VMEM((_CHUNK,), jnp.int32),
            pltpu.VMEM((_CHUNK,), jnp.int32),
            pltpu.VMEM((n,), jnp.int32),
            pltpu.VMEM((_CHUNK, 128), jnp.float32),
            pltpu.VMEM((_CHUNK, 128), jnp.float32),
            pltpu.VMEM_SHARED((_SLOTS, 128), jnp.float32),
            pltpu.SemaphoreType.DMA,
            pltpu.SemaphoreType.DMA,
        ],
    )
    def sck(out_arr_hbm, src_hbm, dst_hbm, inv_hbm, o_hbm,
            srcb0, dstb0, sb0, srcb1, dstb1, sb1, invb, gbuf0, gbuf1,
            aggs, sem0, sem1):
        cid = lax.axis_index("c")
        sid = lax.axis_index("s")
        wid = cid * 16 + sid

        _zero_rows(gbuf0, _CHUNK, 128)
        for b in range(4):
            nrows = min(_CHUNK, _SLOTS - b * _CHUNK)

            @pl.when(sid == b)
            def _():
                pltpu.sync_copy(gbuf0.at[pl.ds(0, nrows)],
                                aggs.at[pl.ds(b * _CHUNK, nrows)])

        pltpu.sync_copy(inv_hbm, invb)
        plsc.subcore_barrier()

        base0 = wid * e_per_w

        def issue(base, srcb, dstb, gbuf, sem):
            pltpu.sync_copy(src_hbm.at[pl.ds(base, _CHUNK)], srcb)
            pltpu.sync_copy(dst_hbm.at[pl.ds(base, _CHUNK)], dstb)
            return pltpu.async_copy(out_arr_hbm.at[dstb], gbuf, sem)

        def consume(h, srcb, sb, gbuf):
            for g in range(_CHUNK // 16):
                srcv = srcb[pl.ds(g * 16, 16)]
                sb[pl.ds(g * 16, 16)] = plsc.load_gather(invb, [srcv])
            h.wait()
            pltpu.sync_copy(gbuf, aggs.at[sb], add=True)

        @pl.loop(0, n_chunks // 2)
        def _pair(t):
            base = base0 + t * (2 * _CHUNK)
            hA = issue(base, srcb0, dstb0, gbuf0, sem0)
            hB = issue(base + _CHUNK, srcb1, dstb1, gbuf1, sem1)
            consume(hA, srcb0, sb0, gbuf0)
            consume(hB, srcb1, sb1, gbuf1)

        if n_chunks % 2:
            hT = issue(base0 + (n_chunks - 1) * _CHUNK,
                       srcb0, dstb0, gbuf0, sem0)
            consume(hT, srcb0, sb0, gbuf0)

        plsc.subcore_barrier()

        @pl.when(sid == 0)
        def _():
            pltpu.sync_copy(aggs, o_hbm.at[cid])

    return sck(out, src, dst, inv)


def _proj_kernel(h_ref, w_ref, b_ref, q_ref, k_ref, v_ref, s_ref):
    o = (jnp.dot(h_ref[...], w_ref[...], preferred_element_type=jnp.float32)
         + b_ref[...])
    q_ref[...] = o[:, 0:128]
    k_ref[...] = o[:, 128:256]
    v_ref[...] = o[:, 256:384]
    s_ref[...] = o[:, 384:512]


def _project(h, Wcat, bcat):
    n = h.shape[0]
    blk = 1000
    o = jax.ShapeDtypeStruct((n, _HIDDEN), jnp.float32)
    return pl.pallas_call(
        _proj_kernel,
        grid=(n // blk,),
        in_specs=[
            pl.BlockSpec((blk, _HIDDEN), lambda i: (i, 0)),
            pl.BlockSpec((_HIDDEN, 4 * _HIDDEN), lambda i: (0, 0)),
            pl.BlockSpec((1, 4 * _HIDDEN), lambda i: (0, 0)),
        ],
        out_specs=[pl.BlockSpec((blk, _HIDDEN), lambda i: (i, 0))] * 4,
        out_shape=[o, o, o, o],
    )(h, Wcat, bcat)


def _finalize_kernel(a0_ref, a1_ref, den_ref, skip_ref, o_ref):
    num = a0_ref[...] + a1_ref[...]
    o_ref[...] = num / (den_ref[...] + 1e-16) + skip_ref[...]


def _finalize(acc, dens, skip):
    n = skip.shape[0]
    blk = 1000
    den = jnp.sum(dens, axis=0).reshape(n, 1)
    return pl.pallas_call(
        _finalize_kernel,
        grid=(n // blk,),
        in_specs=[
            pl.BlockSpec((None, blk, _HIDDEN), lambda i: (0, i, 0)),
            pl.BlockSpec((None, blk, _HIDDEN), lambda i: (1, i, 0)),
            pl.BlockSpec((blk, 1), lambda i: (i, 0)),
            pl.BlockSpec((blk, _HIDDEN), lambda i: (i, 0)),
        ],
        out_specs=pl.BlockSpec((blk, _HIDDEN), lambda i: (i, 0)),
        out_shape=jax.ShapeDtypeStruct((n, _HIDDEN), jnp.float32),
    )(acc, acc, den, skip)


def _head_kernel(nx_ref, w1_ref, b1_ref, o_ref):
    logits = (
        jnp.dot(nx_ref[...], w1_ref[...], preferred_element_type=jnp.float32)
        + b1_ref[...]
    )
    m = jnp.max(logits, axis=1, keepdims=True)
    e = jnp.exp(logits - m)
    o_ref[...] = e / jnp.sum(e, axis=1, keepdims=True)


def _head(new_x, W1, b1):
    nq = new_x.shape[0]
    nv = W1.shape[1]
    return pl.pallas_call(
        _head_kernel,
        out_shape=jax.ShapeDtypeStruct((nq, nv), jnp.float32),
    )(new_x, W1, b1.reshape(1, nv))


def kernel(x, edge_index, y, emb, Wq, bq, Wk, bk, Wv, bv, Wskip, bskip, W1, b1):
    h = emb
    Wcat = jnp.concatenate([Wq * _INV_SQRT_D, Wk, Wv, Wskip], axis=1)
    bcat = jnp.concatenate([bq * _INV_SQRT_D, bk, bv, bskip]).reshape(
        1, 4 * _HIDDEN)
    q, k, v, skip = _project(h, Wcat, bcat)

    src = edge_index[0]
    dst = edge_index[1]

    acc, dens = _sc_edge(q, k, v, src, dst)
    out = _finalize(acc, dens, skip)

    n = emb.shape[0]
    slots = jnp.arange(y.shape[0], dtype=jnp.int32)
    inv = (jnp.arange(n, dtype=jnp.int32) % 8 + 256).at[y].set(slots)
    aggp = _sc_agg(out, src, dst, inv)
    agg = aggp[0] + aggp[1]
    new_x = jnp.take(agg, jnp.take(inv, y), axis=0)
    return _head(new_x, W1, b1)

# --- scband reference (transcript-rebuilt; emitter-appended) ---
"""Pipeline reference for scband-pre-gnn-3169685864863 (READ-ONLY COPY).

The authoritative reference and input builder live on the scoring server;
editing this copy changes nothing except your own understanding.
"""

import jax, jax.numpy as jnp
import numpy as np

N_NODES = 10000
HIDDEN = 128
N_EDGES = 320000
N_QUERY = 256


def setup_inputs(seed: int = 0) -> dict:
    key = jax.random.key(seed)
    ks = jax.random.split(key, 12)
    x = jnp.arange(N_NODES, dtype=jnp.int32)
    edge_index = jax.random.randint(ks[0], (2, N_EDGES), 0, N_NODES, dtype=jnp.int32)
    y = jax.random.randint(ks[1], (N_QUERY,), 0, N_NODES, dtype=jnp.int32)
    s = 1.0 / np.sqrt(HIDDEN)
    emb = jax.random.normal(ks[2], (N_NODES, HIDDEN), dtype=jnp.float32) * 0.1
    Wq = jax.random.normal(ks[3], (HIDDEN, HIDDEN), dtype=jnp.float32) * s
    bq = jnp.zeros((HIDDEN,), dtype=jnp.float32)
    Wk = jax.random.normal(ks[4], (HIDDEN, HIDDEN), dtype=jnp.float32) * s
    bk = jnp.zeros((HIDDEN,), dtype=jnp.float32)
    Wv = jax.random.normal(ks[5], (HIDDEN, HIDDEN), dtype=jnp.float32) * s
    bv = jnp.zeros((HIDDEN,), dtype=jnp.float32)
    Wskip = jax.random.normal(ks[6], (HIDDEN, HIDDEN), dtype=jnp.float32) * s
    bskip = jnp.zeros((HIDDEN,), dtype=jnp.float32)
    W1 = jax.random.normal(ks[7], (HIDDEN, N_NODES), dtype=jnp.float32) * s
    b1 = jnp.zeros((N_NODES,), dtype=jnp.float32)
    return {"x": x, "edge_index": edge_index, "y": y, "emb": emb,
            "Wq": Wq, "bq": bq, "Wk": Wk, "bk": bk, "Wv": Wv, "bv": bv,
            "Wskip": Wskip, "bskip": bskip, "W1": W1, "b1": b1}


def reference(x, edge_index, y, emb, Wq, bq, Wk, bk, Wv, bv, Wskip, bskip, W1, b1):
    # MyGAT: embedding lookup + TransformerConv(heads=1, concat=True, root_weight=True)
    h = jnp.take(emb, x, axis=0)
    src = edge_index[0]
    dst = edge_index[1]
    q = h @ Wq + bq
    k = h @ Wk + bk
    v = h @ Wv + bv
    alpha = jnp.sum(q[dst] * k[src], axis=-1) / jnp.sqrt(jnp.float32(HIDDEN))
    # softmax over incoming edges of each dst node
    amax = jax.ops.segment_max(alpha, dst, num_segments=N_NODES)
    amax = jnp.where(jnp.isfinite(amax), amax, 0.0)
    amax = jax.lax.stop_gradient(amax)
    ex = jnp.exp(alpha - amax[dst])
    denom = jax.ops.segment_sum(ex, dst, num_segments=N_NODES)
    attn = ex / (denom[dst] + 1e-16)
    out = jax.ops.segment_sum(v[src] * attn[:, None], dst, num_segments=N_NODES)
    out = out + (h @ Wskip + bskip)
    # PreGnn: for each y_id, sum out[edge_index[1][edge_index[0]==y_id]]
    agg = jax.ops.segment_sum(out[dst], src, num_segments=N_NODES)
    new_x = jnp.take(agg, y, axis=0)
    logits = new_x @ W1 + b1
    return jax.nn.softmax(logits, axis=-1)

if __name__ == "__main__":
    import jax
    _d = setup_inputs()
    print(jax.jit(kernel)(*tuple(_d.values())))

</pallas_src>

<mosaic_0001>
#map = affine_map<(d0, d1) -> (0, 0)>
#map1 = affine_map<(d0, d1) -> (0)>
#map2 = affine_map<(d0, d1) -> (0, 0, 0)>
module attributes {stable_mosaic.version = 14 : i64} {
  func.func @sck(%arg0: i32, %arg1: i32, %arg2: memref<10000x128xf32, #tpu.memory_space<hbm>>, %arg3: memref<10000x128xf32, #tpu.memory_space<hbm>>, %arg4: memref<10000x128xf32, #tpu.memory_space<hbm>>, %arg5: memref<320000xi32, #tpu.memory_space<hbm>>, %arg6: memref<320000xi32, #tpu.memory_space<hbm>>, %arg7: memref<2x10000x128xf32, #tpu.memory_space<hbm>>, %arg8: memref<32x10000xf32, #tpu.memory_space<hbm>>, %arg9: memref<40xi32, #tpu.memory_space<vmem>>, %arg10: memref<40xi32, #tpu.memory_space<vmem>>, %arg11: memref<40xi32, #tpu.memory_space<vmem>>, %arg12: memref<40xi32, #tpu.memory_space<vmem>>, %arg13: memref<40x128xf32, #tpu.memory_space<vmem>>, %arg14: memref<40x128xf32, #tpu.memory_space<vmem>>, %arg15: memref<40x128xf32, #tpu.memory_space<vmem>>, %arg16: memref<40x128xf32, #tpu.memory_space<vmem>>, %arg17: memref<40x128xf32, #tpu.memory_space<vmem>>, %arg18: memref<40x128xf32, #tpu.memory_space<vmem>>, %arg19: memref<10000xf32, #tpu.memory_space<vmem>>, %arg20: memref<10000x128xf32, #tpu.memory_space<vmem_shared>>, %arg21: memref<!tpu.dma_semaphore, #tpu.memory_space<semaphore_mem>>, %arg22: memref<!tpu.dma_semaphore, #tpu.memory_space<semaphore_mem>>) attributes {dimension_semantics = [#tpu.dimension_semantics<core_parallel>, #tpu.dimension_semantics<subcore_parallel>], iteration_bounds = array<i64: 2, 16>, scalar_prefetch = 0 : i64, scratch_operands = 14 : i64, tpu.core_type = #tpu.core_type<sc_vector_subcore>, window_params = [{transform_indices = #map}, {transform_indices = #map}, {transform_indices = #map}, {transform_indices = #map1}, {transform_indices = #map1}, {transform_indices = #map2}, {transform_indices = #map}]} {
    %mul3A = arith.constant 16 : i32
    %mul3A_0 = arith.muli %arg0, %mul3A : i32
    %add3A = arith.addi %mul3A_0, %arg1 : i32
    %scan3A = arith.constant 0 : i32
    %scan3A_1 = arith.constant 40 : i32
    %scan3A_2 = arith.addi %scan3A, %scan3A_1 : i32
    %scan3A_3 = arith.constant 1 : i32
    scf.for %scan3A_241 = %scan3A to %scan3A_2 step %scan3A_3  : i32 {
      %mul3A_242 = arith.constant 1 : i32
      %mul3A_243 = arith.muli %scan3A_241, %mul3A_242 : i32
      %add3A_244 = arith.constant 0 : i32
      %add3A_245 = arith.addi %add3A_244, %mul3A_243 : i32
      %broadcast_in_dim3A = arith.constant 0.000000e+00 : f32
      %broadcast_in_dim3A_246 = vector.broadcast %broadcast_in_dim3A : f32 to vector<16xf32>
      %swap3A = arith.index_cast %add3A_245 : i32 to index
      %swap3A_247 = arith.constant 0 : index
      %swap3A_248 = tpu.vector_load %arg13[%swap3A, %swap3A_247] {strides = array<i32>} : memref<40x128xf32, #tpu.memory_space<vmem>>, vector<16xf32>,
      tpu.vector_store %arg13[%swap3A, %swap3A_247], %broadcast_in_dim3A_246 {strides = array<i32>} : memref<40x128xf32, #tpu.memory_space<vmem>>, vector<16xf32>,
      %swap3A_249 = arith.index_cast %add3A_245 : i32 to index
      %swap3A_250 = arith.constant 16 : index
      %swap3A_251 = tpu.vector_load %arg13[%swap3A_249, %swap3A_250] {strides = array<i32>} : memref<40x128xf32, #tpu.memory_space<vmem>>, vector<16xf32>,
      tpu.vector_store %arg13[%swap3A_249, %swap3A_250], %broadcast_in_dim3A_246 {strides = array<i32>} : memref<40x128xf32, #tpu.memory_space<vmem>>, vector<16xf32>,
      %swap3A_252 = arith.index_cast %add3A_245 : i32 to index
      %swap3A_253 = arith.constant 32 : index
      %swap3A_254 = tpu.vector_load %arg13[%swap3A_252, %swap3A_253] {strides = array<i32>} : memref<40x128xf32, #tpu.memory_space<vmem>>, vector<16xf32>,
      tpu.vector_store %arg13[%swap3A_252, %swap3A_253], %broadcast_in_dim3A_246 {strides = array<i32>} : memref<40x128xf32, #tpu.memory_space<vmem>>, vector<16xf32>,
      %swap3A_255 = arith.index_cast %add3A_245 : i32 to index
      %swap3A_256 = arith.constant 48 : index
      %swap3A_257 = tpu.vector_load %arg13[%swap3A_255, %swap3A_256] {strides = array<i32>} : memref<40x128xf32, #tpu.memory_space<vmem>>, vector<16xf32>,
      tpu.vector_store %arg13[%swap3A_255, %swap3A_256], %broadcast_in_dim3A_246 {strides = array<i32>} : memref<40x128xf32, #tpu.memory_space<vmem>>, vector<16xf32>,
      %swap3A_258 = arith.index_cast %add3A_245 : i32 to index
      %swap3A_259 = arith.constant 64 : index
      %swap3A_260 = tpu.vector_load %arg13[%swap3A_258, %swap3A_259] {strides = array<i32>} : memref<40x128xf32, #tpu.memory_space<vmem>>, vector<16xf32>,
      tpu.vector_store %arg13[%swap3A_258, %swap3A_259], %broadcast_in_dim3A_246 {strides = array<i32>} : memref<40x128xf32, #tpu.memory_space<vmem>>, vector<16xf32>,
      %swap3A_261 = arith.index_cast %add3A_245 : i32 to index
      %swap3A_262 = arith.constant 80 : index
      %swap3A_263 = tpu.vector_load %arg13[%swap3A_261, %swap3A_262] {strides = array<i32>} : memref<40x128xf32, #tpu.memory_space<vmem>>, vector<16xf32>,
      tpu.vector_store %arg13[%swap3A_261, %swap3A_262], %broadcast_in_dim3A_246 {strides = array<i32>} : memref<40x128xf32, #tpu.memory_space<vmem>>, vector<16xf32>,
      %swap3A_264 = arith.index_cast %add3A_245 : i32 to index
      %swap3A_265 = arith.constant 96 : index
      %swap3A_266 = tpu.vector_load %arg13[%swap3A_264, %swap3A_265] {strides = array<i32>} : memref<40x128xf32, #tpu.memory_space<vmem>>, vector<16xf32>,
      tpu.vector_store %arg13[%swap3A_264, %swap3A_265], %broadcast_in_dim3A_246 {strides = array<i32>} : memref<40x128xf32, #tpu.memory_space<vmem>>, vector<16xf32>,
      %swap3A_267 = arith.index_cast %add3A_245 : i32 to index
      %swap3A_268 = arith.constant 112 : index
      %swap3A_269 = tpu.vector_load %arg13[%swap3A_267, %swap3A_268] {strides = array<i32>} : memref<40x128xf32, #tpu.memory_space<vmem>>, vector<16xf32>,
      tpu.vector_store %arg13[%swap3A_267, %swap3A_268], %broadcast_in_dim3A_246 {strides = array<i32>} : memref<40x128xf32, #tpu.memory_space<vmem>>, vector<16xf32>,
    }
    %scan3A_4 = arith.constant 40 : i32
    %add3A_5 = arith.constant 0 : i32
    %add3A_6 = arith.addi %arg1, %add3A_5 : i32
    %lt3A = arith.constant 250 : i32
    %lt3A_7 = arith.cmpi slt, %add3A_6, %lt3A : i32
    %convert_element_type3A = arith.extui %lt3A_7 : i1 to i32
    %cond3A = arith.constant 0 : i32
    %cond3A_8 = arith.cmpi ne, %convert_element_type3A, %cond3A : i32
    scf.if %cond3A_8 {
      %mul3A_241 = arith.constant 40 : i32
      %mul3A_242 = arith.muli %add3A_6, %mul3A_241 : i32
      "tpu.region"() ({
        %run_scoped3A = tpu.sem_alloc : memref<!tpu.dma_semaphore, #tpu.memory_space<semaphore_mem>>
        %dma_start3A = arith.constant 0 : i32
        %dma_start3A_243 = tpu.memref_slice %arg20[%mul3A_242, %dma_start3A] : memref<10000x128xf32, #tpu.memory_space<vmem_shared>> -> memref<40x128xf32, #tpu.memory_space<vmem_shared>>
        %dma_start3A_244 = arith.constant 0 : i32
        %dma_start3A_245 = tpu.memref_slice %arg20[%mul3A_242, %dma_start3A_244] : memref<10000x128xf32, #tpu.memory_space<vmem_shared>> -> memref<40x128xf32, #tpu.memory_space<vmem_shared>>
        tpu.enqueue_dma source(%arg13 : memref<40x128xf32, #tpu.memory_space<vmem>>) target(%dma_start3A_245 : memref<40x128xf32, #tpu.memory_space<vmem_shared>>) target_semaphore(%run_scoped3A : memref<!tpu.dma_semaphore, #tpu.memory_space<semaphore_mem>>)
        %dma_wait3A = arith.constant 0 : i32
        %dma_wait3A_246 = tpu.memref_slice %arg20[%mul3A_242, %dma_wait3A] : memref<10000x128xf32, #tpu.memory_space<vmem_shared>> -> memref<40x128xf32, #tpu.memory_space<vmem_shared>>
        %dma_wait3A_247 = arith.constant 0 : i32
        %dma_wait3A_248 = tpu.memref_slice %arg20[%mul3A_242, %dma_wait3A_247] : memref<10000x128xf32, #tpu.memory_space<vmem_shared>> -> memref<40x128xf32, #tpu.memory_space<vmem_shared>>
        tpu.wait_dma2 semaphore(%run_scoped3A : memref<!tpu.dma_semaphore, #tpu.memory_space<semaphore_mem>>) src(%arg13 : memref<40x128xf32, #tpu.memory_space<vmem>>) dst(%dma_wait3A_248 : memref<40x128xf32, #tpu.memory_space<vmem_shared>>)
        tpu.yield
      }) : () -> ()
    } else {
    }
    %add3A_9 = arith.constant 16 : i32
    %add3A_10 = arith.addi %arg1, %add3A_9 : i32
    %lt3A_11 = arith.constant 250 : i32
    %lt3A_12 = arith.cmpi slt, %add3A_10, %lt3A_11 : i32
    %convert_element_type3A_13 = arith.extui %lt3A_12 : i1 to i32
    %cond3A_14 = arith.constant 0 : i32
    %cond3A_15 = arith.cmpi ne, %convert_element_type3A_13, %cond3A_14 : i32
    scf.if %cond3A_15 {
      %mul3A_241 = arith.constant 40 : i32
      %mul3A_242 = arith.muli %add3A_10, %mul3A_241 : i32
      "tpu.region"() ({
        %run_scoped3A = tpu.sem_alloc : memref<!tpu.dma_semaphore, #tpu.memory_space<semaphore_mem>>
        %dma_start3A = arith.constant 0 : i32
        %dma_start3A_243 = tpu.memref_slice %arg20[%mul3A_242, %dma_start3A] : memref<10000x128xf32, #tpu.memory_space<vmem_shared>> -> memref<40x128xf32, #tpu.memory_space<vmem_shared>>
        %dma_start3A_244 = arith.constant 0 : i32
        %dma_start3A_245 = tpu.memref_slice %arg20[%mul3A_242, %dma_start3A_244] : memref<10000x128xf32, #tpu.memory_space<vmem_shared>> -> memref<40x128xf32, #tpu.memory_space<vmem_shared>>
        tpu.enqueue_dma source(%arg13 : memref<40x128xf32, #tpu.memory_space<vmem>>) target(%dma_start3A_245 : memref<40x128xf32, #tpu.memory_space<vmem_shared>>) target_semaphore(%run_scoped3A : memref<!tpu.dma_semaphore, #tpu.memory_space<semaphore_mem>>)
        %dma_wait3A = arith.constant 0 : i32
        %dma_wait3A_246 = tpu.memref_slice %arg20[%mul3A_242, %dma_wait3A] : memref<10000x128xf32, #tpu.memory_space<vmem_shared>> -> memref<40x128xf32, #tpu.memory_space<vmem_shared>>
        %dma_wait3A_247 = arith.constant 0 : i32
        %dma_wait3A_248 = tpu.memref_slice %arg20[%mul3A_242, %dma_wait3A_247] : memref<10000x128xf32, #tpu.memory_space<vmem_shared>> -> memref<40x128xf32, #tpu.memory_space<vmem_shared>>
        tpu.wait_dma2 semaphore(%run_scoped3A : memref<!tpu.dma_semaphore, #tpu.memory_space<semaphore_mem>>) src(%arg13 : memref<40x128xf32, #tpu.memory_space<vmem>>) dst(%dma_wait3A_248 : memref<40x128xf32, #tpu.memory_space<vmem_shared>>)
        tpu.yield
      }) : () -> ()
    } else {
    }
    %add3A_16 = arith.constant 32 : i32
    %add3A_17 = arith.addi %arg1, %add3A_16 : i32
    %lt3A_18 = arith.constant 250 : i32
    %lt3A_19 = arith.cmpi slt, %add3A_17, %lt3A_18 : i32
    %convert_element_type3A_20 = arith.extui %lt3A_19 : i1 to i32
    %cond3A_21 = arith.constant 0 : i32
    %cond3A_22 = arith.cmpi ne, %convert_element_type3A_20, %cond3A_21 : i32
    scf.if %cond3A_22 {
      %mul3A_241 = arith.constant 40 : i32
      %mul3A_242 = arith.muli %add3A_17, %mul3A_241 : i32
      "tpu.region"() ({
        %run_scoped3A = tpu.sem_alloc : memref<!tpu.dma_semaphore, #tpu.memory_space<semaphore_mem>>
        %dma_start3A = arith.constant 0 : i32
        %dma_start3A_243 = tpu.memref_slice %arg20[%mul3A_242, %dma_start3A] : memref<10000x128xf32, #tpu.memory_space<vmem_shared>> -> memref<40x128xf32, #tpu.memory_space<vmem_shared>>
        %dma_start3A_244 = arith.constant 0 : i32
        %dma_start3A_245 = tpu.memref_slice %arg20[%mul3A_242, %dma_start3A_244] : memref<10000x128xf32, #tpu.memory_space<vmem_shared>> -> memref<40x128xf32, #tpu.memory_space<vmem_shared>>
        tpu.enqueue_dma source(%arg13 : memref<40x128xf32, #tpu.memory_space<vmem>>) target(%dma_start3A_245 : memref<40x128xf32, #tpu.memory_space<vmem_shared>>) target_semaphore(%run_scoped3A : memref<!tpu.dma_semaphore, #tpu.memory_space<semaphore_mem>>)
        %dma_wait3A = arith.constant 0 : i32
        %dma_wait3A_246 = tpu.memref_slice %arg20[%mul3A_242, %dma_wait3A] : memref<10000x128xf32, #tpu.memory_space<vmem_shared>> -> memref<40x128xf32, #tpu.memory_space<vmem_shared>>
        %dma_wait3A_247 = arith.constant 0 : i32
        %dma_wait3A_248 = tpu.memref_slice %arg20[%mul3A_242, %dma_wait3A_247] : memref<10000x128xf32, #tpu.memory_space<vmem_shared>> -> memref<40x128xf32, #tpu.memory_space<vmem_shared>>
        tpu.wait_dma2 semaphore(%run_scoped3A : memref<!tpu.dma_semaphore, #tpu.memory_space<semaphore_mem>>) src(%arg13 : memref<40x128xf32, #tpu.memory_space<vmem>>) dst(%dma_wait3A_248 : memref<40x128xf32, #tpu.memory_space<vmem_shared>>)
        tpu.yield
      }) : () -> ()
    } else {
    }
    %add3A_23 = arith.constant 48 : i32
    %add3A_24 = arith.addi %arg1, %add3A_23 : i32
    %lt3A_25 = arith.constant 250 : i32
    %lt3A_26 = arith.cmpi slt, %add3A_24, %lt3A_25 : i32
    %convert_element_type3A_27 = arith.extui %lt3A_26 : i1 to i32
    %cond3A_28 = arith.constant 0 : i32
    %cond3A_29 = arith.cmpi ne, %convert_element_type3A_27, %cond3A_28 : i32
    scf.if %cond3A_29 {
      %mul3A_241 = arith.constant 40 : i32
      %mul3A_242 = arith.muli %add3A_24, %mul3A_241 : i32
      "tpu.region"() ({
        %run_scoped3A = tpu.sem_alloc : memref<!tpu.dma_semaphore, #tpu.memory_space<semaphore_mem>>
        %dma_start3A = arith.constant 0 : i32
        %dma_start3A_243 = tpu.memref_slice %arg20[%mul3A_242, %dma_start3A] : memref<10000x128xf32, #tpu.memory_space<vmem_shared>> -> memref<40x128xf32, #tpu.memory_space<vmem_shared>>
        %dma_start3A_244 = arith.constant 0 : i32
        %dma_start3A_245 = tpu.memref_slice %arg20[%mul3A_242, %dma_start3A_244] : memref<10000x128xf32, #tpu.memory_space<vmem_shared>> -> memref<40x128xf32, #tpu.memory_space<vmem_shared>>
        tpu.enqueue_dma source(%arg13 : memref<40x128xf32, #tpu.memory_space<vmem>>) target(%dma_start3A_245 : memref<40x128xf32, #tpu.memory_space<vmem_shared>>) target_semaphore(%run_scoped3A : memref<!tpu.dma_semaphore, #tpu.memory_space<semaphore_mem>>)
        %dma_wait3A = arith.constant 0 : i32
        %dma_wait3A_246 = tpu.memref_slice %arg20[%mul3A_242, %dma_wait3A] : memref<10000x128xf32, #tpu.memory_space<vmem_shared>> -> memref<40x128xf32, #tpu.memory_space<vmem_shared>>
        %dma_wait3A_247 = arith.constant 0 : i32
        %dma_wait3A_248 = tpu.memref_slice %arg20[%mul3A_242, %dma_wait3A_247] : memref<10000x128xf32, #tpu.memory_space<vmem_shared>> -> memref<40x128xf32, #tpu.memory_space<vmem_shared>>
        tpu.wait_dma2 semaphore(%run_scoped3A : memref<!tpu.dma_semaphore, #tpu.memory_space<semaphore_mem>>) src(%arg13 : memref<40x128xf32, #tpu.memory_space<vmem>>) dst(%dma_wait3A_248 : memref<40x128xf32, #tpu.memory_space<vmem_shared>>)
        tpu.yield
      }) : () -> ()
    } else {
    }
    %add3A_30 = arith.constant 64 : i32
    %add3A_31 = arith.addi %arg1, %add3A_30 : i32
    %lt3A_32 = arith.constant 250 : i32
    %lt3A_33 = arith.cmpi slt, %add3A_31, %lt3A_32 : i32
    %convert_element_type3A_34 = arith.extui %lt3A_33 : i1 to i32
    %cond3A_35 = arith.constant 0 : i32
    %cond3A_36 = arith.cmpi ne, %convert_element_type3A_34, %cond3A_35 : i32
    scf.if %cond3A_36 {
      %mul3A_241 = arith.constant 40 : i32
      %mul3A_242 = arith.muli %add3A_31, %mul3A_241 : i32
      "tpu.region"() ({
        %run_scoped3A = tpu.sem_alloc : memref<!tpu.dma_semaphore, #tpu.memory_space<semaphore_mem>>
        %dma_start3A = arith.constant 0 : i32
        %dma_start3A_243 = tpu.memref_slice %arg20[%mul3A_242, %dma_start3A] : memref<10000x128xf32, #tpu.memory_space<vmem_shared>> -> memref<40x128xf32, #tpu.memory_space<vmem_shared>>
        %dma_start3A_244 = arith.constant 0 : i32
        %dma_start3A_245 = tpu.memref_slice %arg20[%mul3A_242, %dma_start3A_244] : memref<10000x128xf32, #tpu.memory_space<vmem_shared>> -> memref<40x128xf32, #tpu.memory_space<vmem_shared>>
        tpu.enqueue_dma source(%arg13 : memref<40x128xf32, #tpu.memory_space<vmem>>) target(%dma_start3A_245 : memref<40x128xf32, #tpu.memory_space<vmem_shared>>) target_semaphore(%run_scoped3A : memref<!tpu.dma_semaphore, #tpu.memory_space<semaphore_mem>>)
        %dma_wait3A = arith.constant 0 : i32
        %dma_wait3A_246 = tpu.memref_slice %arg20[%mul3A_242, %dma_wait3A] : memref<10000x128xf32, #tpu.memory_space<vmem_shared>> -> memref<40x128xf32, #tpu.memory_space<vmem_shared>>
        %dma_wait3A_247 = arith.constant 0 : i32
        %dma_wait3A_248 = tpu.memref_slice %arg20[%mul3A_242, %dma_wait3A_247] : memref<10000x128xf32, #tpu.memory_space<vmem_shared>> -> memref<40x128xf32, #tpu.memory_space<vmem_shared>>
        tpu.wait_dma2 semaphore(%run_scoped3A : memref<!tpu.dma_semaphore, #tpu.memory_space<semaphore_mem>>) src(%arg13 : memref<40x128xf32, #tpu.memory_space<vmem>>) dst(%dma_wait3A_248 : memref<40x128xf32, #tpu.memory_space<vmem_shared>>)
        tpu.yield
      }) : () -> ()
    } else {
    }
    %add3A_37 = arith.constant 80 : i32
    %add3A_38 = arith.addi %arg1, %add3A_37 : i32
    %lt3A_39 = arith.constant 250 : i32
    %lt3A_40 = arith.cmpi slt, %add3A_38, %lt3A_39 : i32
    %convert_element_type3A_41 = arith.extui %lt3A_40 : i1 to i32
    %cond3A_42 = arith.constant 0 : i32
    %cond3A_43 = arith.cmpi ne, %convert_element_type3A_41, %cond3A_42 : i32
    scf.if %cond3A_43 {
      %mul3A_241 = arith.constant 40 : i32
      %mul3A_242 = arith.muli %add3A_38, %mul3A_241 : i32
      "tpu.region"() ({
        %run_scoped3A = tpu.sem_alloc : memref<!tpu.dma_semaphore, #tpu.memory_space<semaphore_mem>>
        %dma_start3A = arith.constant 0 : i32
        %dma_start3A_243 = tpu.memref_slice %arg20[%mul3A_242, %dma_start3A] : memref<10000x128xf32, #tpu.memory_space<vmem_shared>> -> memref<40x128xf32, #tpu.memory_space<vmem_shared>>
        %dma_start3A_244 = arith.constant 0 : i32
        %dma_start3A_245 = tpu.memref_slice %arg20[%mul3A_242, %dma_start3A_244] : memref<10000x128xf32, #tpu.memory_space<vmem_shared>> -> memref<40x128xf32, #tpu.memory_space<vmem_shared>>
        tpu.enqueue_dma source(%arg13 : memref<40x128xf32, #tpu.memory_space<vmem>>) target(%dma_start3A_245 : memref<40x128xf32, #tpu.memory_space<vmem_shared>>) target_semaphore(%run_scoped3A : memref<!tpu.dma_semaphore, #tpu.memory_space<semaphore_mem>>)
        %dma_wait3A = arith.constant 0 : i32
        %dma_wait3A_246 = tpu.memref_slice %arg20[%mul3A_242, %dma_wait3A] : memref<10000x128xf32, #tpu.memory_space<vmem_shared>> -> memref<40x128xf32, #tpu.memory_space<vmem_shared>>
        %dma_wait3A_247 = arith.constant 0 : i32
        %dma_wait3A_248 = tpu.memref_slice %arg20[%mul3A_242, %dma_wait3A_247] : memref<10000x128xf32, #tpu.memory_space<vmem_shared>> -> memref<40x128xf32, #tpu.memory_space<vmem_shared>>
        tpu.wait_dma2 semaphore(%run_scoped3A : memref<!tpu.dma_semaphore, #tpu.memory_space<semaphore_mem>>) src(%arg13 : memref<40x128xf32, #tpu.memory_space<vmem>>) dst(%dma_wait3A_248 : memref<40x128xf32, #tpu.memory_space<vmem_shared>>)
        tpu.yield
      }) : () -> ()
    } else {
    }
    %add3A_44 = arith.constant 96 : i32
    %add3A_45 = arith.addi %arg1, %add3A_44 : i32
    %lt3A_46 = arith.constant 250 : i32
    %lt3A_47 = arith.cmpi slt, %add3A_45, %lt3A_46 : i32
    %convert_element_type3A_48 = arith.extui %lt3A_47 : i1 to i32
    %cond3A_49 = arith.constant 0 : i32
    %cond3A_50 = arith.cmpi ne, %convert_element_type3A_48, %cond3A_49 : i32
    scf.if %cond3A_50 {
      %mul3A_241 = arith.constant 40 : i32
      %mul3A_242 = arith.muli %add3A_45, %mul3A_241 : i32
      "tpu.region"() ({
        %run_scoped3A = tpu.sem_alloc : memref<!tpu.dma_semaphore, #tpu.memory_space<semaphore_mem>>
        %dma_start3A = arith.constant 0 : i32
        %dma_start3A_243 = tpu.memref_slice %arg20[%mul3A_242, %dma_start3A] : memref<10000x128xf32, #tpu.memory_space<vmem_shared>> -> memref<40x128xf32, #tpu.memory_space<vmem_shared>>
        %dma_start3A_244 = arith.constant 0 : i32
        %dma_start3A_245 = tpu.memref_slice %arg20[%mul3A_242, %dma_start3A_244] : memref<10000x128xf32, #tpu.memory_space<vmem_shared>> -> memref<40x128xf32, #tpu.memory_space<vmem_shared>>
        tpu.enqueue_dma source(%arg13 : memref<40x128xf32, #tpu.memory_space<vmem>>) target(%dma_start3A_245 : memref<40x128xf32, #tpu.memory_space<vmem_shared>>) target_semaphore(%run_scoped3A : memref<!tpu.dma_semaphore, #tpu.memory_space<semaphore_mem>>)
        %dma_wait3A = arith.constant 0 : i32
        %dma_wait3A_246 = tpu.memref_slice %arg20[%mul3A_242, %dma_wait3A] : memref<10000x128xf32, #tpu.memory_space<vmem_shared>> -> memref<40x128xf32, #tpu.memory_space<vmem_shared>>
        %dma_wait3A_247 = arith.constant 0 : i32
        %dma_wait3A_248 = tpu.memref_slice %arg20[%mul3A_242, %dma_wait3A_247] : memref<10000x128xf32, #tpu.memory_space<vmem_shared>> -> memref<40x128xf32, #tpu.memory_space<vmem_shared>>
        tpu.wait_dma2 semaphore(%run_scoped3A : memref<!tpu.dma_semaphore, #tpu.memory_space<semaphore_mem>>) src(%arg13 : memref<40x128xf32, #tpu.memory_space<vmem>>) dst(%dma_wait3A_248 : memref<40x128xf32, #tpu.memory_space<vmem_shared>>)
        tpu.yield
      }) : () -> ()
    } else {
    }
    %add3A_51 = arith.constant 112 : i32
    %add3A_52 = arith.addi %arg1, %add3A_51 : i32
    %lt3A_53 = arith.constant 250 : i32
    %lt3A_54 = arith.cmpi slt, %add3A_52, %lt3A_53 : i32
    %convert_element_type3A_55 = arith.extui %lt3A_54 : i1 to i32
    %cond3A_56 = arith.constant 0 : i32
    %cond3A_57 = arith.cmpi ne, %convert_element_type3A_55, %cond3A_56 : i32
    scf.if %cond3A_57 {
      %mul3A_241 = arith.constant 40 : i32
      %mul3A_242 = arith.muli %add3A_52, %mul3A_241 : i32
      "tpu.region"() ({
        %run_scoped3A = tpu.sem_alloc : memref<!tpu.dma_semaphore, #tpu.memory_space<semaphore_mem>>
        %dma_start3A = arith.constant 0 : i32
        %dma_start3A_243 = tpu.memref_slice %arg20[%mul3A_242, %dma_start3A] : memref<10000x128xf32, #tpu.memory_space<vmem_shared>> -> memref<40x128xf32, #tpu.memory_space<vmem_shared>>
        %dma_start3A_244 = arith.constant 0 : i32
        %dma_start3A_245 = tpu.memref_slice %arg20[%mul3A_242, %dma_start3A_244] : memref<10000x128xf32, #tpu.memory_space<vmem_shared>> -> memref<40x128xf32, #tpu.memory_space<vmem_shared>>
        tpu.enqueue_dma source(%arg13 : memref<40x128xf32, #tpu.memory_space<vmem>>) target(%dma_start3A_245 : memref<40x128xf32, #tpu.memory_space<vmem_shared>>) target_semaphore(%run_scoped3A : memref<!tpu.dma_semaphore, #tpu.memory_space<semaphore_mem>>)
        %dma_wait3A = arith.constant 0 : i32
        %dma_wait3A_246 = tpu.memref_slice %arg20[%mul3A_242, %dma_wait3A] : memref<10000x128xf32, #tpu.memory_space<vmem_shared>> -> memref<40x128xf32, #tpu.memory_space<vmem_shared>>
        %dma_wait3A_247 = arith.constant 0 : i32
        %dma_wait3A_248 = tpu.memref_slice %arg20[%mul3A_242, %dma_wait3A_247] : memref<10000x128xf32, #tpu.memory_space<vmem_shared>> -> memref<40x128xf32, #tpu.memory_space<vmem_shared>>
        tpu.wait_dma2 semaphore(%run_scoped3A : memref<!tpu.dma_semaphore, #tpu.memory_space<semaphore_mem>>) src(%arg13 : memref<40x128xf32, #tpu.memory_space<vmem>>) dst(%dma_wait3A_248 : memref<40x128xf32, #tpu.memory_space<vmem_shared>>)
        tpu.yield
      }) : () -> ()
    } else {
    }
    %add3A_58 = arith.constant 128 : i32
    %add3A_59 = arith.addi %arg1, %add3A_58 : i32
    %lt3A_60 = arith.constant 250 : i32
    %lt3A_61 = arith.cmpi slt, %add3A_59, %lt3A_60 : i32
    %convert_element_type3A_62 = arith.extui %lt3A_61 : i1 to i32
    %cond3A_63 = arith.constant 0 : i32
    %cond3A_64 = arith.cmpi ne, %convert_element_type3A_62, %cond3A_63 : i32
    scf.if %cond3A_64 {
      %mul3A_241 = arith.constant 40 : i32
      %mul3A_242 = arith.muli %add3A_59, %mul3A_241 : i32
      "tpu.region"() ({
        %run_scoped3A = tpu.sem_alloc : memref<!tpu.dma_semaphore, #tpu.memory_space<semaphore_mem>>
        %dma_start3A = arith.constant 0 : i32
        %dma_start3A_243 = tpu.memref_slice %arg20[%mul3A_242, %dma_start3A] : memref<10000x128xf32, #tpu.memory_space<vmem_shared>> -> memref<40x128xf32, #tpu.memory_space<vmem_shared>>
        %dma_start3A_244 = arith.constant 0 : i32
        %dma_start3A_245 = tpu.memref_slice %arg20[%mul3A_242, %dma_start3A_244] : memref<10000x128xf32, #tpu.memory_space<vmem_shared>> -> memref<40x128xf32, #tpu.memory_space<vmem_shared>>
        tpu.enqueue_dma source(%arg13 : memref<40x128xf32, #tpu.memory_space<vmem>>) target(%dma_start3A_245 : memref<40x128xf32, #tpu.memory_space<vmem_shared>>) target_semaphore(%run_scoped3A : memref<!tpu.dma_semaphore, #tpu.memory_space<semaphore_mem>>)
        %dma_wait3A = arith.constant 0 : i32
        %dma_wait3A_246 = tpu.memref_slice %arg20[%mul3A_242, %dma_wait3A] : memref<10000x128xf32, #tpu.memory_space<vmem_shared>> -> memref<40x128xf32, #tpu.memory_space<vmem_shared>>
        %dma_wait3A_247 = arith.constant 0 : i32
        %dma_wait3A_248 = tpu.memref_slice %arg20[%mul3A_242, %dma_wait3A_247] : memref<10000x128xf32, #tpu.memory_space<vmem_shared>> -> memref<40x128xf32, #tpu.memory_space<vmem_shared>>
        tpu.wait_dma2 semaphore(%run_scoped3A : memref<!tpu.dma_semaphore, #tpu.memory_space<semaphore_mem>>) src(%arg13 : memref<40x128xf32, #tpu.memory_space<vmem>>) dst(%dma_wait3A_248 : memref<40x128xf32, #tpu.memory_space<vmem_shared>>)
        tpu.yield
      }) : () -> ()
    } else {
    }
    %add3A_65 = arith.constant 144 : i32
    %add3A_66 = arith.addi %arg1, %add3A_65 : i32
    %lt3A_67 = arith.constant 250 : i32
    %lt3A_68 = arith.cmpi slt, %add3A_66, %lt3A_67 : i32
    %convert_element_type3A_69 = arith.extui %lt3A_68 : i1 to i32
    %cond3A_70 = arith.constant 0 : i32
    %cond3A_71 = arith.cmpi ne, %convert_element_type3A_69, %cond3A_70 : i32
    scf.if %cond3A_71 {
      %mul3A_241 = arith.constant 40 : i32
      %mul3A_242 = arith.muli %add3A_66, %mul3A_241 : i32
      "tpu.region"() ({
        %run_scoped3A = tpu.sem_alloc : memref<!tpu.dma_semaphore, #tpu.memory_space<semaphore_mem>>
        %dma_start3A = arith.constant 0 : i32
        %dma_start3A_243 = tpu.memref_slice %arg20[%mul3A_242, %dma_start3A] : memref<10000x128xf32, #tpu.memory_space<vmem_shared>> -> memref<40x128xf32, #tpu.memory_space<vmem_shared>>
        %dma_start3A_244 = arith.constant 0 : i32
        %dma_start3A_245 = tpu.memref_slice %arg20[%mul3A_242, %dma_start3A_244] : memref<10000x128xf32, #tpu.memory_space<vmem_shared>> -> memref<40x128xf32, #tpu.memory_space<vmem_shared>>
        tpu.enqueue_dma source(%arg13 : memref<40x128xf32, #tpu.memory_space<vmem>>) target(%dma_start3A_245 : memref<40x128xf32, #tpu.memory_space<vmem_shared>>) target_semaphore(%run_scoped3A : memref<!tpu.dma_semaphore, #tpu.memory_space<semaphore_mem>>)
        %dma_wait3A = arith.constant 0 : i32
        %dma_wait3A_246 = tpu.memref_slice %arg20[%mul3A_242, %dma_wait3A] : memref<10000x128xf32, #tpu.memory_space<vmem_shared>> -> memref<40x128xf32, #tpu.memory_space<vmem_shared>>
        %dma_wait3A_247 = arith.constant 0 : i32
        %dma_wait3A_248 = tpu.memref_slice %arg20[%mul3A_242, %dma_wait3A_247] : memref<10000x128xf32, #tpu.memory_space<vmem_shared>> -> memref<40x128xf32, #tpu.memory_space<vmem_shared>>
        tpu.wait_dma2 semaphore(%run_scoped3A : memref<!tpu.dma_semaphore, #tpu.memory_space<semaphore_mem>>) src(%arg13 : memref<40x128xf32, #tpu.memory_space<vmem>>) dst(%dma_wait3A_248 : memref<40x128xf32, #tpu.memory_space<vmem_shared>>)
        tpu.yield
      }) : () -> ()
    } else {
    }
    %add3A_72 = arith.constant 160 : i32
    %add3A_73 = arith.addi %arg1, %add3A_72 : i32
    %lt3A_74 = arith.constant 250 : i32
    %lt3A_75 = arith.cmpi slt, %add3A_73, %lt3A_74 : i32
    %convert_element_type3A_76 = arith.extui %lt3A_75 : i1 to i32
    %cond3A_77 = arith.constant 0 : i32
    %cond3A_78 = arith.cmpi ne, %convert_element_type3A_76, %cond3A_77 : i32
    scf.if %cond3A_78 {
      %mul3A_241 = arith.constant 40 : i32
      %mul3A_242 = arith.muli %add3A_73, %mul3A_241 : i32
      "tpu.region"() ({
        %run_scoped3A = tpu.sem_alloc : memref<!tpu.dma_semaphore, #tpu.memory_space<semaphore_mem>>
        %dma_start3A = arith.constant 0 : i32
        %dma_start3A_243 = tpu.memref_slice %arg20[%mul3A_242, %dma_start3A] : memref<10000x128xf32, #tpu.memory_space<vmem_shared>> -> memref<40x128xf32, #tpu.memory_space<vmem_shared>>
        %dma_start3A_244 = arith.constant 0 : i32
        %dma_start3A_245 = tpu.memref_slice %arg20[%mul3A_242, %dma_start3A_244] : memref<10000x128xf32, #tpu.memory_space<vmem_shared>> -> memref<40x128xf32, #tpu.memory_space<vmem_shared>>
        tpu.enqueue_dma source(%arg13 : memref<40x128xf32, #tpu.memory_space<vmem>>) target(%dma_start3A_245 : memref<40x128xf32, #tpu.memory_space<vmem_shared>>) target_semaphore(%run_scoped3A : memref<!tpu.dma_semaphore, #tpu.memory_space<semaphore_mem>>)
        %dma_wait3A = arith.constant 0 : i32
        %dma_wait3A_246 = tpu.memref_slice %arg20[%mul3A_242, %dma_wait3A] : memref<10000x128xf32, #tpu.memory_space<vmem_shared>> -> memref<40x128xf32, #tpu.memory_space<vmem_shared>>
        %dma_wait3A_247 = arith.constant 0 : i32
        %dma_wait3A_248 = tpu.memref_slice %arg20[%mul3A_242, %dma_wait3A_247] : memref<10000x128xf32, #tpu.memory_space<vmem_shared>> -> memref<40x128xf32, #tpu.memory_space<vmem_shared>>
        tpu.wait_dma2 semaphore(%run_scoped3A : memref<!tpu.dma_semaphore, #tpu.memory_space<semaphore_mem>>) src(%arg13 : memref<40x128xf32, #tpu.memory_space<vmem>>) dst(%dma_wait3A_248 : memref<40x128xf32, #tpu.memory_space<vmem_shared>>)
        tpu.yield
      }) : () -> ()
    } else {
    }
    %add3A_79 = arith.constant 176 : i32
    %add3A_80 = arith.addi %arg1, %add3A_79 : i32
    %lt3A_81 = arith.constant 250 : i32
    %lt3A_82 = arith.cmpi slt, %add3A_80, %lt3A_81 : i32
    %convert_element_type3A_83 = arith.extui %lt3A_82 : i1 to i32
    %cond3A_84 = arith.constant 0 : i32
    %cond3A_85 = arith.cmpi ne, %convert_element_type3A_83, %cond3A_84 : i32
    scf.if %cond3A_85 {
      %mul3A_241 = arith.constant 40 : i32
      %mul3A_242 = arith.muli %add3A_80, %mul3A_241 : i32
      "tpu.region"() ({
        %run_scoped3A = tpu.sem_alloc : memref<!tpu.dma_semaphore, #tpu.memory_space<semaphore_mem>>
        %dma_start3A = arith.constant 0 : i32
        %dma_start3A_243 = tpu.memref_slice %arg20[%mul3A_242, %dma_start3A] : memref<10000x128xf32, #tpu.memory_space<vmem_shared>> -> memref<40x128xf32, #tpu.memory_space<vmem_shared>>
        %dma_start3A_244 = arith.constant 0 : i32
        %dma_start3A_245 = tpu.memref_slice %arg20[%mul3A_242, %dma_start3A_244] : memref<10000x128xf32, #tpu.memory_space<vmem_shared>> -> memref<40x128xf32, #tpu.memory_space<vmem_shared>>
        tpu.enqueue_dma source(%arg13 : memref<40x128xf32, #tpu.memory_space<vmem>>) target(%dma_start3A_245 : memref<40x128xf32, #tpu.memory_space<vmem_shared>>) target_semaphore(%run_scoped3A : memref<!tpu.dma_semaphore, #tpu.memory_space<semaphore_mem>>)
        %dma_wait3A = arith.constant 0 : i32
        %dma_wait3A_246 = tpu.memref_slice %arg20[%mul3A_242, %dma_wait3A] : memref<10000x128xf32, #tpu.memory_space<vmem_shared>> -> memref<40x128xf32, #tpu.memory_space<vmem_shared>>
        %dma_wait3A_247 = arith.constant 0 : i32
        %dma_wait3A_248 = tpu.memref_slice %arg20[%mul3A_242, %dma_wait3A_247] : memref<10000x128xf32, #tpu.memory_space<vmem_shared>> -> memref<40x128xf32, #tpu.memory_space<vmem_shared>>
        tpu.wait_dma2 semaphore(%run_scoped3A : memref<!tpu.dma_semaphore, #tpu.memory_space<semaphore_mem>>) src(%arg13 : memref<40x128xf32, #tpu.memory_space<vmem>>) dst(%dma_wait3A_248 : memref<40x128xf32, #tpu.memory_space<vmem_shared>>)
        tpu.yield
      }) : () -> ()
    } else {
    }
    %add3A_86 = arith.constant 192 : i32
    %add3A_87 = arith.addi %arg1, %add3A_86 : i32
    %lt3A_88 = arith.constant 250 : i32
    %lt3A_89 = arith.cmpi slt, %add3A_87, %lt3A_88 : i32
    %convert_element_type3A_90 = arith.extui %lt3A_89 : i1 to i32
    %cond3A_91 = arith.constant 0 : i32
    %cond3A_92 = arith.cmpi ne, %convert_element_type3A_90, %cond3A_91 : i32
    scf.if %cond3A_92 {
      %mul3A_241 = arith.constant 40 : i32
      %mul3A_242 = arith.muli %add3A_87, %mul3A_241 : i32
      "tpu.region"() ({
        %run_scoped3A = tpu.sem_alloc : memref<!tpu.dma_semaphore, #tpu.memory_space<semaphore_mem>>
        %dma_start3A = arith.constant 0 : i32
        %dma_start3A_243 = tpu.memref_slice %arg20[%mul3A_242, %dma_start3A] : memref<10000x128xf32, #tpu.memory_space<vmem_shared>> -> memref<40x128xf32, #tpu.memory_space<vmem_shared>>
        %dma_start3A_244 = arith.constant 0 : i32
        %dma_start3A_245 = tpu.memref_slice %arg20[%mul3A_242, %dma_start3A_244] : memref<10000x128xf32, #tpu.memory_space<vmem_shared>> -> memref<40x128xf32, #tpu.memory_space<vmem_shared>>
        tpu.enqueue_dma source(%arg13 : memref<40x128xf32, #tpu.memory_space<vmem>>) target(%dma_start3A_245 : memref<40x128xf32, #tpu.memory_space<vmem_shared>>) target_semaphore(%run_scoped3A : memref<!tpu.dma_semaphore, #tpu.memory_space<semaphore_mem>>)
        %dma_wait3A = arith.constant 0 : i32
        %dma_wait3A_246 = tpu.memref_slice %arg20[%mul3A_242, %dma_wait3A] : memref<10000x128xf32, #tpu.memory_space<vmem_shared>> -> memref<40x128xf32, #tpu.memory_space<vmem_shared>>
        %dma_wait3A_247 = arith.constant 0 : i32
        %dma_wait3A_248 = tpu.memref_slice %arg20[%mul3A_242, %dma_wait3A_247] : memref<10000x128xf32, #tpu.memory_space<vmem_shared>> -> memref<40x128xf32, #tpu.memory_space<vmem_shared>>
        tpu.wait_dma2 semaphore(%run_scoped3A : memref<!tpu.dma_semaphore, #tpu.memory_space<semaphore_mem>>) src(%arg13 : memref<40x128xf32, #tpu.memory_space<vmem>>) dst(%dma_wait3A_248 : memref<40x128xf32, #tpu.memory_space<vmem_shared>>)
        tpu.yield
      }) : () -> ()
    } else {
    }
    %add3A_93 = arith.constant 208 : i32
    %add3A_94 = arith.addi %arg1, %add3A_93 : i32
    %lt3A_95 = arith.constant 250 : i32
    %lt3A_96 = arith.cmpi slt, %add3A_94, %lt3A_95 : i32
    %convert_element_type3A_97 = arith.extui %lt3A_96 : i1 to i32
    %cond3A_98 = arith.constant 0 : i32
    %cond3A_99 = arith.cmpi ne, %convert_element_type3A_97, %cond3A_98 : i32
    scf.if %cond3A_99 {
      %mul3A_241 = arith.constant 40 : i32
      %mul3A_242 = arith.muli %add3A_94, %mul3A_241 : i32
      "tpu.region"() ({
        %run_scoped3A = tpu.sem_alloc : memref<!tpu.dma_semaphore, #tpu.memory_space<semaphore_mem>>
        %dma_start3A = arith.constant 0 : i32
        %dma_start3A_243 = tpu.memref_slice %arg20[%mul3A_242, %dma_start3A] : memref<10000x128xf32, #tpu.memory_space<vmem_shared>> -> memref<40x128xf32, #tpu.memory_space<vmem_shared>>
        %dma_start3A_244 = arith.constant 0 : i32
        %dma_start3A_245 = tpu.memref_slice %arg20[%mul3A_242, %dma_start3A_244] : memref<10000x128xf32, #tpu.memory_space<vmem_shared>> -> memref<40x128xf32, #tpu.memory_space<vmem_shared>>
        tpu.enqueue_dma source(%arg13 : memref<40x128xf32, #tpu.memory_space<vmem>>) target(%dma_start3A_245 : memref<40x128xf32, #tpu.memory_space<vmem_shared>>) target_semaphore(%run_scoped3A : memref<!tpu.dma_semaphore, #tpu.memory_space<semaphore_mem>>)
        %dma_wait3A = arith.constant 0 : i32
        %dma_wait3A_246 = tpu.memref_slice %arg20[%mul3A_242, %dma_wait3A] : memref<10000x128xf32, #tpu.memory_space<vmem_shared>> -> memref<40x128xf32, #tpu.memory_space<vmem_shared>>
        %dma_wait3A_247 = arith.constant 0 : i32
        %dma_wait3A_248 = tpu.memref_slice %arg20[%mul3A_242, %dma_wait3A_247] : memref<10000x128xf32, #tpu.memory_space<vmem_shared>> -> memref<40x128xf32, #tpu.memory_space<vmem_shared>>
        tpu.wait_dma2 semaphore(%run_scoped3A : memref<!tpu.dma_semaphore, #tpu.memory_space<semaphore_mem>>) src(%arg13 : memref<40x128xf32, #tpu.memory_space<vmem>>) dst(%dma_wait3A_248 : memref<40x128xf32, #tpu.memory_space<vmem_shared>>)
        tpu.yield
      }) : () -> ()
    } else {
    }
    %add3A_100 = arith.constant 224 : i32
    %add3A_101 = arith.addi %arg1, %add3A_100 : i32
    %lt3A_102 = arith.constant 250 : i32
    %lt3A_103 = arith.cmpi slt, %add3A_101, %lt3A_102 : i32
    %convert_element_type3A_104 = arith.extui %lt3A_103 : i1 to i32
    %cond3A_105 = arith.constant 0 : i32
    %cond3A_106 = arith.cmpi ne, %convert_element_type3A_104, %cond3A_105 : i32
    scf.if %cond3A_106 {
      %mul3A_241 = arith.constant 40 : i32
      %mul3A_242 = arith.muli %add3A_101, %mul3A_241 : i32
      "tpu.region"() ({
        %run_scoped3A = tpu.sem_alloc : memref<!tpu.dma_semaphore, #tpu.memory_space<semaphore_mem>>
        %dma_start3A = arith.constant 0 : i32
        %dma_start3A_243 = tpu.memref_slice %arg20[%mul3A_242, %dma_start3A] : memref<10000x128xf32, #tpu.memory_space<vmem_shared>> -> memref<40x128xf32, #tpu.memory_space<vmem_shared>>
        %dma_start3A_244 = arith.constant 0 : i32
        %dma_start3A_245 = tpu.memref_slice %arg20[%mul3A_242, %dma_start3A_244] : memref<10000x128xf32, #tpu.memory_space<vmem_shared>> -> memref<40x128xf32, #tpu.memory_space<vmem_shared>>
        tpu.enqueue_dma source(%arg13 : memref<40x128xf32, #tpu.memory_space<vmem>>) target(%dma_start3A_245 : memref<40x128xf32, #tpu.memory_space<vmem_shared>>) target_semaphore(%run_scoped3A : memref<!tpu.dma_semaphore, #tpu.memory_space<semaphore_mem>>)
        %dma_wait3A = arith.constant 0 : i32
        %dma_wait3A_246 = tpu.memref_slice %arg20[%mul3A_242, %dma_wait3A] : memref<10000x128xf32, #tpu.memory_space<vmem_shared>> -> memref<40x128xf32, #tpu.memory_space<vmem_shared>>
        %dma_wait3A_247 = arith.constant 0 : i32
        %dma_wait3A_248 = tpu.memref_slice %arg20[%mul3A_242, %dma_wait3A_247] : memref<10000x128xf32, #tpu.memory_space<vmem_shared>> -> memref<40x128xf32, #tpu.memory_space<vmem_shared>>
        tpu.wait_dma2 semaphore(%run_scoped3A : memref<!tpu.dma_semaphore, #tpu.memory_space<semaphore_mem>>) src(%arg13 : memref<40x128xf32, #tpu.memory_space<vmem>>) dst(%dma_wait3A_248 : memref<40x128xf32, #tpu.memory_space<vmem_shared>>)
        tpu.yield
      }) : () -> ()
    } else {
    }
    %add3A_107 = arith.constant 240 : i32
    %add3A_108 = arith.addi %arg1, %add3A_107 : i32
    %lt3A_109 = arith.constant 250 : i32
    %lt3A_110 = arith.cmpi slt, %add3A_108, %lt3A_109 : i32
    %convert_element_type3A_111 = arith.extui %lt3A_110 : i1 to i32
    %cond3A_112 = arith.constant 0 : i32
    %cond3A_113 = arith.cmpi ne, %convert_element_type3A_111, %cond3A_112 : i32
    scf.if %cond3A_113 {
      %mul3A_241 = arith.constant 40 : i32
      %mul3A_242 = arith.muli %add3A_108, %mul3A_241 : i32
      "tpu.region"() ({
        %run_scoped3A = tpu.sem_alloc : memref<!tpu.dma_semaphore, #tpu.memory_space<semaphore_mem>>
        %dma_start3A = arith.constant 0 : i32
        %dma_start3A_243 = tpu.memref_slice %arg20[%mul3A_242, %dma_start3A] : memref<10000x128xf32, #tpu.memory_space<vmem_shared>> -> memref<40x128xf32, #tpu.memory_space<vmem_shared>>
        %dma_start3A_244 = arith.constant 0 : i32
        %dma_start3A_245 = tpu.memref_slice %arg20[%mul3A_242, %dma_start3A_244] : memref<10000x128xf32, #tpu.memory_space<vmem_shared>> -> memref<40x128xf32, #tpu.memory_space<vmem_shared>>
        tpu.enqueue_dma source(%arg13 : memref<40x128xf32, #tpu.memory_space<vmem>>) target(%dma_start3A_245 : memref<40x128xf32, #tpu.memory_space<vmem_shared>>) target_semaphore(%run_scoped3A : memref<!tpu.dma_semaphore, #tpu.memory_space<semaphore_mem>>)
        %dma_wait3A = arith.constant 0 : i32
        %dma_wait3A_246 = tpu.memref_slice %arg20[%mul3A_242, %dma_wait3A] : memref<10000x128xf32, #tpu.memory_space<vmem_shared>> -> memref<40x128xf32, #tpu.memory_space<vmem_shared>>
        %dma_wait3A_247 = arith.constant 0 : i32
        %dma_wait3A_248 = tpu.memref_slice %arg20[%mul3A_242, %dma_wait3A_247] : memref<10000x128xf32, #tpu.memory_space<vmem_shared>> -> memref<40x128xf32, #tpu.memory_space<vmem_shared>>
        tpu.wait_dma2 semaphore(%run_scoped3A : memref<!tpu.dma_semaphore, #tpu.memory_space<semaphore_mem>>) src(%arg13 : memref<40x128xf32, #tpu.memory_space<vmem>>) dst(%dma_wait3A_248 : memref<40x128xf32, #tpu.memory_space<vmem_shared>>)
        tpu.yield
      }) : () -> ()
    } else {
    }
    %scan3A_114 = arith.constant 0 : i32
    %scan3A_115 = arith.constant 625 : i32
    %scan3A_116 = arith.addi %scan3A_114, %scan3A_115 : i32
    %scan3A_117 = arith.constant 1 : i32
    scf.for %scan3A_241 = %scan3A_114 to %scan3A_116 step %scan3A_117  : i32 {
      %mul3A_242 = arith.constant 1 : i32
      %mul3A_243 = arith.muli %scan3A_241, %mul3A_242 : i32
      %add3A_244 = arith.constant 0 : i32
      %add3A_245 = arith.addi %add3A_244, %mul3A_243 : i32
      %broadcast_in_dim3A = arith.constant 0.000000e+00 : f32
      %broadcast_in_dim3A_246 = vector.broadcast %broadcast_in_dim3A : f32 to vector<16xf32>
      %mul3A_247 = arith.constant 16 : i32
      %mul3A_248 = arith.muli %add3A_245, %mul3A_247 : i32
      %swap3A = arith.index_cast %mul3A_248 : i32 to index
      %swap3A_249 = tpu.vector_load %arg19[%swap3A] {strides = array<i32>} : memref<10000xf32, #tpu.memory_space<vmem>>, vector<16xf32>,
      tpu.vector_store %arg19[%swap3A], %broadcast_in_dim3A_246 {strides = array<i32>} : memref<10000xf32, #tpu.memory_space<vmem>>, vector<16xf32>,
    }
    %scan3A_118 = arith.constant 625 : i32
    %barrier3A = arith.constant 0 : index
    tpu.barrier barrier_id(%barrier3A)
    %iota3A = tpu.iota {dimensions = array<i32: 0>} : vector<16xi32>
    %eq3A = arith.constant 0 : i32
    %eq3A_119 = vector.broadcast %eq3A : i32 to vector<16xi32>
    %eq3A_120 = arith.cmpi eq, %iota3A, %eq3A_119 : vector<16xi32>
    %mul3A_121 = arith.constant 10000 : i32
    %mul3A_122 = arith.muli %add3A, %mul3A_121 : i32
    %scan3A_123 = arith.constant 0 : i32
    %scan3A_124 = arith.constant 125 : i32
    %scan3A_125 = arith.addi %scan3A_123, %scan3A_124 : i32
    %scan3A_126 = arith.constant 1 : i32
    scf.for %scan3A_241 = %scan3A_123 to %scan3A_125 step %scan3A_126  : i32 {
      %mul3A_242 = arith.constant 1 : i32
      %mul3A_243 = arith.muli %scan3A_241, %mul3A_242 : i32
      %add3A_244 = arith.constant 0 : i32
      %add3A_245 = arith.addi %add3A_244, %mul3A_243 : i32
      %mul3A_246 = arith.constant 80 : i32
      %mul3A_247 = arith.muli %add3A_245, %mul3A_246 : i32
      %add3A_248 = arith.addi %mul3A_122, %mul3A_247 : i32
      "tpu.region"() ({
        %run_scoped3A = tpu.sem_alloc : memref<!tpu.dma_semaphore, #tpu.memory_space<semaphore_mem>>
        %dma_start3A_295 = tpu.memref_slice %arg5[%add3A_248] : memref<320000xi32, #tpu.memory_space<hbm>> -> memref<40xi32, #tpu.memory_space<hbm>>
        %dma_start3A_296 = tpu.memref_slice %arg5[%add3A_248] : memref<320000xi32, #tpu.memory_space<hbm>> -> memref<40xi32, #tpu.memory_space<hbm>>
        tpu.enqueue_dma source(%dma_start3A_296 : memref<40xi32, #tpu.memory_space<hbm>>) target(%arg9 : memref<40xi32, #tpu.memory_space<vmem>>) target_semaphore(%run_scoped3A : memref<!tpu.dma_semaphore, #tpu.memory_space<semaphore_mem>>)
        %dma_wait3A_297 = tpu.memref_slice %arg5[%add3A_248] : memref<320000xi32, #tpu.memory_space<hbm>> -> memref<40xi32, #tpu.memory_space<hbm>>
        %dma_wait3A_298 = tpu.memref_slice %arg5[%add3A_248] : memref<320000xi32, #tpu.memory_space<hbm>> -> memref<40xi32, #tpu.memory_space<hbm>>
        tpu.wait_dma2 semaphore(%run_scoped3A : memref<!tpu.dma_semaphore, #tpu.memory_space<semaphore_mem>>) src(%dma_wait3A_298 : memref<40xi32, #tpu.memory_space<hbm>>) dst(%arg9 : memref<40xi32, #tpu.memory_space<vmem>>)
        tpu.yield
      }) : () -> ()
      "tpu.region"() ({
        %run_scoped3A = tpu.sem_alloc : memref<!tpu.dma_semaphore, #tpu.memory_space<semaphore_mem>>
        %dma_start3A_295 = tpu.memref_slice %arg6[%add3A_248] : memref<320000xi32, #tpu.memory_space<hbm>> -> memref<40xi32, #tpu.memory_space<hbm>>
        %dma_start3A_296 = tpu.memref_slice %arg6[%add3A_248] : memref<320000xi32, #tpu.memory_space<hbm>> -> memref<40xi32, #tpu.memory_space<hbm>>
        tpu.enqueue_dma source(%dma_start3A_296 : memref<40xi32, #tpu.memory_space<hbm>>) target(%arg10 : memref<40xi32, #tpu.memory_space<vmem>>) target_semaphore(%run_scoped3A : memref<!tpu.dma_semaphore, #tpu.memory_space<semaphore_mem>>)
        %dma_wait3A_297 = tpu.memref_slice %arg6[%add3A_248] : memref<320000xi32, #tpu.memory_space<hbm>> -> memref<40xi32, #tpu.memory_space<hbm>>
        %dma_wait3A_298 = tpu.memref_slice %arg6[%add3A_248] : memref<320000xi32, #tpu.memory_space<hbm>> -> memref<40xi32, #tpu.memory_space<hbm>>
        tpu.wait_dma2 semaphore(%run_scoped3A : memref<!tpu.dma_semaphore, #tpu.memory_space<semaphore_mem>>) src(%dma_wait3A_298 : memref<40xi32, #tpu.memory_space<hbm>>) dst(%arg10 : memref<40xi32, #tpu.memory_space<vmem>>)
        tpu.yield
      }) : () -> ()
      %dma_start3A = arith.constant 0 : i32
      %dma_start3A_249 = arith.constant 0 : i32
      %dma_start3A_250 = tpu.memref_slice %arg2[%dma_start3A, %dma_start3A_249] : memref<10000x128xf32, #tpu.memory_space<hbm>> -> memref<10000x128xf32, #tpu.memory_space<hbm>>
      tpu.enqueue_indirect_dma source(%dma_start3A_250 : memref<10000x128xf32, #tpu.memory_space<hbm>>) target(%arg13 : memref<40x128xf32, #tpu.memory_space<vmem>>) offsets(%arg10 : memref<40xi32, #tpu.memory_space<vmem>>) semaphore(%arg21 : memref<!tpu.dma_semaphore, #tpu.memory_space<semaphore_mem>>)
      %dma_start3A_251 = arith.constant 0 : i32
      %dma_start3A_252 = arith.constant 0 : i32
      %dma_start3A_253 = tpu.memref_slice %arg3[%dma_start3A_251, %dma_start3A_252] : memref<10000x128xf32, #tpu.memory_space<hbm>> -> memref<10000x128xf32, #tpu.memory_space<hbm>>
      tpu.enqueue_indirect_dma source(%dma_start3A_253 : memref<10000x128xf32, #tpu.memory_space<hbm>>) target(%arg14 : memref<40x128xf32, #tpu.memory_space<vmem>>) offsets(%arg9 : memref<40xi32, #tpu.memory_space<vmem>>) semaphore(%arg21 : memref<!tpu.dma_semaphore, #tpu.memory_space<semaphore_mem>>)
      %dma_start3A_254 = arith.constant 0 : i32
      %dma_start3A_255 = arith.constant 0 : i32
      %dma_start3A_256 = tpu.memref_slice %arg4[%dma_start3A_254, %dma_start3A_255] : memref<10000x128xf32, #tpu.memory_space<hbm>> -> memref<10000x128xf32, #tpu.memory_space<hbm>>
      tpu.enqueue_indirect_dma source(%dma_start3A_256 : memref<10000x128xf32, #tpu.memory_space<hbm>>) target(%arg15 : memref<40x128xf32, #tpu.memory_space<vmem>>) offsets(%arg9 : memref<40xi32, #tpu.memory_space<vmem>>) semaphore(%arg21 : memref<!tpu.dma_semaphore, #tpu.memory_space<semaphore_mem>>)
      %add3A_257 = arith.constant 40 : i32
      %add3A_258 = arith.addi %add3A_248, %add3A_257 : i32
      "tpu.region"() ({
        %run_scoped3A = tpu.sem_alloc : memref<!tpu.dma_semaphore, #tpu.memory_space<semaphore_mem>>
        %dma_start3A_295 = tpu.memref_slice %arg5[%add3A_258] : memref<320000xi32, #tpu.memory_space<hbm>> -> memref<40xi32, #tpu.memory_space<hbm>>
        %dma_start3A_296 = tpu.memref_slice %arg5[%add3A_258] : memref<320000xi32, #tpu.memory_space<hbm>> -> memref<40xi32, #tpu.memory_space<hbm>>
        tpu.enqueue_dma source(%dma_start3A_296 : memref<40xi32, #tpu.memory_space<hbm>>) target(%arg11 : memref<40xi32, #tpu.memory_space<vmem>>) target_semaphore(%run_scoped3A : memref<!tpu.dma_semaphore, #tpu.memory_space<semaphore_mem>>)
        %dma_wait3A_297 = tpu.memref_slice %arg5[%add3A_258] : memref<320000xi32, #tpu.memory_space<hbm>> -> memref<40xi32, #tpu.memory_space<hbm>>
        %dma_wait3A_298 = tpu.memref_slice %arg5[%add3A_258] : memref<320000xi32, #tpu.memory_space<hbm>> -> memref<40xi32, #tpu.memory_space<hbm>>
        tpu.wait_dma2 semaphore(%run_scoped3A : memref<!tpu.dma_semaphore, #tpu.memory_space<semaphore_mem>>) src(%dma_wait3A_298 : memref<40xi32, #tpu.memory_space<hbm>>) dst(%arg11 : memref<40xi32, #tpu.memory_space<vmem>>)
        tpu.yield
      }) : () -> ()
      "tpu.region"() ({
        %run_scoped3A = tpu.sem_alloc : memref<!tpu.dma_semaphore, #tpu.memory_space<semaphore_mem>>
        %dma_start3A_295 = tpu.memref_slice %arg6[%add3A_258] : memref<320000xi32, #tpu.memory_space<hbm>> -> memref<40xi32, #tpu.memory_space<hbm>>
        %dma_start3A_296 = tpu.memref_slice %arg6[%add3A_258] : memref<320000xi32, #tpu.memory_space<hbm>> -> memref<40xi32, #tpu.memory_space<hbm>>
        tpu.enqueue_dma source(%dma_start3A_296 : memref<40xi32, #tpu.memory_space<hbm>>) target(%arg12 : memref<40xi32, #tpu.memory_space<vmem>>) target_semaphore(%run_scoped3A : memref<!tpu.dma_semaphore, #tpu.memory_space<semaphore_mem>>)
        %dma_wait3A_297 = tpu.memref_slice %arg6[%add3A_258] : memref<320000xi32, #tpu.memory_space<hbm>> -> memref<40xi32, #tpu.memory_space<hbm>>
        %dma_wait3A_298 = tpu.memref_slice %arg6[%add3A_258] : memref<320000xi32, #tpu.memory_space<hbm>> -> memref<40xi32, #tpu.memory_space<hbm>>
        tpu.wait_dma2 semaphore(%run_scoped3A : memref<!tpu.dma_semaphore, #tpu.memory_space<semaphore_mem>>) src(%dma_wait3A_298 : memref<40xi32, #tpu.memory_space<hbm>>) dst(%arg12 : memref<40xi32, #tpu.memory_space<vmem>>)
        tpu.yield
      }) : () -> ()
      %dma_start3A_259 = arith.constant 0 : i32
      %dma_start3A_260 = arith.constant 0 : i32
      %dma_start3A_261 = tpu.memref_slice %arg2[%dma_start3A_259, %dma_start3A_260] : memref<10000x128xf32, #tpu.memory_space<hbm>> -> memref<10000x128xf32, #tpu.memory_space<hbm>>
      tpu.enqueue_indirect_dma source(%dma_start3A_261 : memref<10000x128xf32, #tpu.memory_space<hbm>>) target(%arg16 : memref<40x128xf32, #tpu.memory_space<vmem>>) offsets(%arg12 : memref<40xi32, #tpu.memory_space<vmem>>) semaphore(%arg22 : memref<!tpu.dma_semaphore, #tpu.memory_space<semaphore_mem>>)
      %dma_start3A_262 = arith.constant 0 : i32
      %dma_start3A_263 = arith.constant 0 : i32
      %dma_start3A_264 = tpu.memref_slice %arg3[%dma_start3A_262, %dma_start3A_263] : memref<10000x128xf32, #tpu.memory_space<hbm>> -> memref<10000x128xf32, #tpu.memory_space<hbm>>
      tpu.enqueue_indirect_dma source(%dma_start3A_264 : memref<10000x128xf32, #tpu.memory_space<hbm>>) target(%arg17 : memref<40x128xf32, #tpu.memory_space<vmem>>) offsets(%arg11 : memref<40xi32, #tpu.memory_space<vmem>>) semaphore(%arg22 : memref<!tpu.dma_semaphore, #tpu.memory_space<semaphore_mem>>)
      %dma_start3A_265 = arith.constant 0 : i32
      %dma_start3A_266 = arith.constant 0 : i32
      %dma_start3A_267 = tpu.memref_slice %arg4[%dma_start3A_265, %dma_start3A_266] : memref<10000x128xf32, #tpu.memory_space<hbm>> -> memref<10000x128xf32, #tpu.memory_space<hbm>>
      tpu.enqueue_indirect_dma source(%dma_start3A_267 : memref<10000x128xf32, #tpu.memory_space<hbm>>) target(%arg18 : memref<40x128xf32, #tpu.memory_space<vmem>>) offsets(%arg11 : memref<40xi32, #tpu.memory_space<vmem>>) semaphore(%arg22 : memref<!tpu.dma_semaphore, #tpu.memory_space<semaphore_mem>>)
      %dma_wait3A = arith.constant 0 : i32
      %dma_wait3A_268 = arith.constant 0 : i32
      %dma_wait3A_269 = tpu.memref_slice %arg2[%dma_wait3A, %dma_wait3A_268] : memref<10000x128xf32, #tpu.memory_space<hbm>> -> memref<10000x128xf32, #tpu.memory_space<hbm>>
      tpu.wait_indirect_dma semaphore(%arg21 : memref<!tpu.dma_semaphore, #tpu.memory_space<semaphore_mem>>) src(%dma_wait3A_269 : memref<10000x128xf32, #tpu.memory_space<hbm>>) dst(%arg13 : memref<40x128xf32, #tpu.memory_space<vmem>>)
      %dma_wait3A_270 = arith.constant 0 : i32
      %dma_wait3A_271 = arith.constant 0 : i32
      %dma_wait3A_272 = tpu.memref_slice %arg3[%dma_wait3A_270, %dma_wait3A_271] : memref<10000x128xf32, #tpu.memory_space<hbm>> -> memref<10000x128xf32, #tpu.memory_space<hbm>>
      tpu.wait_indirect_dma semaphore(%arg21 : memref<!tpu.dma_semaphore, #tpu.memory_space<semaphore_mem>>) src(%dma_wait3A_272 : memref<10000x128xf32, #tpu.memory_space<hbm>>) dst(%arg14 : memref<40x128xf32, #tpu.memory_space<vmem>>)
      %dma_wait3A_273 = arith.constant 0 : i32
      %dma_wait3A_274 = arith.constant 0 : i32
      %dma_wait3A_275 = tpu.memref_slice %arg4[%dma_wait3A_273, %dma_wait3A_274] : memref<10000x128xf32, #tpu.memory_space<hbm>> -> memref<10000x128xf32, #tpu.memory_space<hbm>>
      tpu.wait_indirect_dma semaphore(%arg21 : memref<!tpu.dma_semaphore, #tpu.memory_space<semaphore_mem>>) src(%dma_wait3A_275 : memref<10000x128xf32, #tpu.memory_space<hbm>>) dst(%arg15 : memref<40x128xf32, #tpu.memory_space<vmem>>)
      %scan3A_276 = arith.constant 0 : i32
      %scan3A_277 = arith.constant 20 : i32
      %scan3A_278 = arith.addi %scan3A_276, %scan3A_277 : i32
      %scan3A_279 = arith.constant 1 : i32
      scf.for %scan3A_295 = %scan3A_276 to %scan3A_278 step %scan3A_279  : i32 {
        %mul3A_296 = arith.constant 1 : i32
        %mul3A_297 = arith.muli %scan3A_295, %mul3A_296 : i32
        %add3A_298 = arith.constant 0 : i32
        %add3A_299 = arith.addi %add3A_298, %mul3A_297 : i32
        %mul3A_300 = arith.constant 2 : i32
        %mul3A_301 = arith.muli %add3A_299, %mul3A_300 : i32
        %add3A_302 = arith.constant 0 : i32
        %add3A_303 = arith.addi %mul3A_301, %add3A_302 : i32
        %get3A = arith.index_cast %add3A_303 : i32 to index
        %get3A_304 = arith.constant 0 : index
        %get3A_305 = tpu.vector_load %arg13[%get3A, %get3A_304] {strides = array<i32>} : memref<40x128xf32, #tpu.memory_space<vmem>>, vector<16xf32>,
        %get3A_306 = arith.index_cast %add3A_303 : i32 to index
        %get3A_307 = arith.constant 0 : index
        %get3A_308 = tpu.vector_load %arg14[%get3A_306, %get3A_307] {strides = array<i32>} : memref<40x128xf32, #tpu.memory_space<vmem>>, vector<16xf32>,
        %mul3A_309 = arith.mulf %get3A_305, %get3A_308 : vector<16xf32>
        %get3A_310 = arith.index_cast %add3A_303 : i32 to index
        %get3A_311 = arith.constant 16 : index
        %get3A_312 = tpu.vector_load %arg13[%get3A_310, %get3A_311] {strides = array<i32>} : memref<40x128xf32, #tpu.memory_space<vmem>>, vector<16xf32>,
        %get3A_313 = arith.index_cast %add3A_303 : i32 to index
        %get3A_314 = arith.constant 16 : index
        %get3A_315 = tpu.vector_load %arg14[%get3A_313, %get3A_314] {strides = array<i32>} : memref<40x128xf32, #tpu.memory_space<vmem>>, vector<16xf32>,
        %mul3A_316 = arith.mulf %get3A_312, %get3A_315 : vector<16xf32>
        %add3A_317 = arith.addf %mul3A_309, %mul3A_316 : vector<16xf32>
        %get3A_318 = arith.index_cast %add3A_303 : i32 to index
        %get3A_319 = arith.constant 32 : index
        %get3A_320 = tpu.vector_load %arg13[%get3A_318, %get3A_319] {strides = array<i32>} : memref<40x128xf32, #tpu.memory_space<vmem>>, vector<16xf32>,
        %get3A_321 = arith.index_cast %add3A_303 : i32 to index
        %get3A_322 = arith.constant 32 : index
        %get3A_323 = tpu.vector_load %arg14[%get3A_321, %get3A_322] {strides = array<i32>} : memref<40x128xf32, #tpu.memory_space<vmem>>, vector<16xf32>,
        %mul3A_324 = arith.mulf %get3A_320, %get3A_323 : vector<16xf32>
        %add3A_325 = arith.addf %add3A_317, %mul3A_324 : vector<16xf32>
        %get3A_326 = arith.index_cast %add3A_303 : i32 to index
        %get3A_327 = arith.constant 48 : index
        %get3A_328 = tpu.vector_load %arg13[%get3A_326, %get3A_327] {strides = array<i32>} : memref<40x128xf32, #tpu.memory_space<vmem>>, vector<16xf32>,
        %get3A_329 = arith.index_cast %add3A_303 : i32 to index
        %get3A_330 = arith.constant 48 : index
        %get3A_331 = tpu.vector_load %arg14[%get3A_329, %get3A_330] {strides = array<i32>} : memref<40x128xf32, #tpu.memory_space<vmem>>, vector<16xf32>,
        %mul3A_332 = arith.mulf %get3A_328, %get3A_331 : vector<16xf32>
        %add3A_333 = arith.addf %add3A_325, %mul3A_332 : vector<16xf32>
        %get3A_334 = arith.index_cast %add3A_303 : i32 to index
        %get3A_335 = arith.constant 64 : index
        %get3A_336 = tpu.vector_load %arg13[%get3A_334, %get3A_335] {strides = array<i32>} : memref<40x128xf32, #tpu.memory_space<vmem>>, vector<16xf32>,
        %get3A_337 = arith.index_cast %add3A_303 : i32 to index
        %get3A_338 = arith.constant 64 : index
        %get3A_339 = tpu.vector_load %arg14[%get3A_337, %get3A_338] {strides = array<i32>} : memref<40x128xf32, #tpu.memory_space<vmem>>, vector<16xf32>,
        %mul3A_340 = arith.mulf %get3A_336, %get3A_339 : vector<16xf32>
        %add3A_341 = arith.addf %add3A_333, %mul3A_340 : vector<16xf32>
        %get3A_342 = arith.index_cast %add3A_303 : i32 to index
        %get3A_343 = arith.constant 80 : index
        %get3A_344 = tpu.vector_load %arg13[%get3A_342, %get3A_343] {strides = array<i32>} : memref<40x128xf32, #tpu.memory_space<vmem>>, vector<16xf32>,
        %get3A_345 = arith.index_cast %add3A_303 : i32 to index
        %get3A_346 = arith.constant 80 : index
        %get3A_347 = tpu.vector_load %arg14[%get3A_345, %get3A_346] {strides = array<i32>} : memref<40x128xf32, #tpu.memory_space<vmem>>, vector<16xf32>,
        %mul3A_348 = arith.mulf %get3A_344, %get3A_347 : vector<16xf32>
        %add3A_349 = arith.addf %add3A_341, %mul3A_348 : vector<16xf32>
        %get3A_350 = arith.index_cast %add3A_303 : i32 to index
        %get3A_351 = arith.constant 96 : index
        %get3A_352 = tpu.vector_load %arg13[%get3A_350, %get3A_351] {strides = array<i32>} : memref<40x128xf32, #tpu.memory_space<vmem>>, vector<16xf32>,
        %get3A_353 = arith.index_cast %add3A_303 : i32 to index
        %get3A_354 = arith.constant 96 : index
        %get3A_355 = tpu.vector_load %arg14[%get3A_353, %get3A_354] {strides = array<i32>} : memref<40x128xf32, #tpu.memory_space<vmem>>, vector<16xf32>,
        %mul3A_356 = arith.mulf %get3A_352, %get3A_355 : vector<16xf32>
        %add3A_357 = arith.addf %add3A_349, %mul3A_356 : vector<16xf32>
        %get3A_358 = arith.index_cast %add3A_303 : i32 to index
        %get3A_359 = arith.constant 112 : index
        %get3A_360 = tpu.vector_load %arg13[%get3A_358, %get3A_359] {strides = array<i32>} : memref<40x128xf32, #tpu.memory_space<vmem>>, vector<16xf32>,
        %get3A_361 = arith.index_cast %add3A_303 : i32 to index
        %get3A_362 = arith.constant 112 : index
        %get3A_363 = tpu.vector_load %arg14[%get3A_361, %get3A_362] {strides = array<i32>} : memref<40x128xf32, #tpu.memory_space<vmem>>, vector<16xf32>,
        %mul3A_364 = arith.mulf %get3A_360, %get3A_363 : vector<16xf32>
        %add3A_365 = arith.addf %add3A_357, %mul3A_364 : vector<16xf32>
        %broadcast_in_dim3A = arith.constant 0.000000e+00 : f32
        %broadcast_in_dim3A_366 = vector.broadcast %broadcast_in_dim3A : f32 to vector<16xf32>
        %reduce_sum3A = arith.constant true
        %reduce_sum3A_367 = vector.broadcast %reduce_sum3A : i1 to vector<16xi1>
        %reduce_sum3A_368 = tpu.scan <sum>, %add3A_365 masked %reduce_sum3A_367 : vector<16xf32>, vector<16xi1> -> vector<16xf32>
        %reduce_sum3A_369 = vector.extract %reduce_sum3A_368[15] : f32 from vector<16xf32>
        %add3A_370 = vector.broadcast %reduce_sum3A_369 : f32 to vector<16xf32>
        %add3A_371 = arith.addf %broadcast_in_dim3A_366, %add3A_370 : vector<16xf32>
        %exp3A = math.exp %add3A_371 : vector<16xf32>
        %get3A_372 = arith.index_cast %add3A_303 : i32 to index
        %get3A_373 = arith.constant 0 : index
        %get3A_374 = tpu.vector_load %arg15[%get3A_372, %get3A_373] {strides = array<i32>} : memref<40x128xf32, #tpu.memory_space<vmem>>, vector<16xf32>,
        %mul3A_375 = arith.mulf %get3A_374, %exp3A : vector<16xf32>
        %swap3A = arith.index_cast %add3A_303 : i32 to index
        %swap3A_376 = arith.constant 0 : index
        %swap3A_377 = tpu.vector_load %arg15[%swap3A, %swap3A_376] {strides = array<i32>} : memref<40x128xf32, #tpu.memory_space<vmem>>, vector<16xf32>,
        tpu.vector_store %arg15[%swap3A, %swap3A_376], %mul3A_375 {strides = array<i32>} : memref<40x128xf32, #tpu.memory_space<vmem>>, vector<16xf32>,
        %get3A_378 = arith.index_cast %add3A_303 : i32 to index
        %get3A_379 = arith.constant 16 : index
        %get3A_380 = tpu.vector_load %arg15[%get3A_378, %get3A_379] {strides = array<i32>} : memref<40x128xf32, #tpu.memory_space<vmem>>, vector<16xf32>,
        %mul3A_381 = arith.mulf %get3A_380, %exp3A : vector<16xf32>
        %swap3A_382 = arith.index_cast %add3A_303 : i32 to index
        %swap3A_383 = arith.constant 16 : index
        %swap3A_384 = tpu.vector_load %arg15[%swap3A_382, %swap3A_383] {strides = array<i32>} : memref<40x128xf32, #tpu.memory_space<vmem>>, vector<16xf32>,
        tpu.vector_store %arg15[%swap3A_382, %swap3A_383], %mul3A_381 {strides = array<i32>} : memref<40x128xf32, #tpu.memory_space<vmem>>, vector<16xf32>,
        %get3A_385 = arith.index_cast %add3A_303 : i32 to index
        %get3A_386 = arith.constant 32 : index
        %get3A_387 = tpu.vector_load %arg15[%get3A_385, %get3A_386] {strides = array<i32>} : memref<40x128xf32, #tpu.memory_space<vmem>>, vector<16xf32>,
        %mul3A_388 = arith.mulf %get3A_387, %exp3A : vector<16xf32>
        %swap3A_389 = arith.index_cast %add3A_303 : i32 to index
        %swap3A_390 = arith.constant 32 : index
        %swap3A_391 = tpu.vector_load %arg15[%swap3A_389, %swap3A_390] {strides = array<i32>} : memref<40x128xf32, #tpu.memory_space<vmem>>, vector<16xf32>,
        tpu.vector_store %arg15[%swap3A_389, %swap3A_390], %mul3A_388 {strides = array<i32>} : memref<40x128xf32, #tpu.memory_space<vmem>>, vector<16xf32>,
        %get3A_392 = arith.index_cast %add3A_303 : i32 to index
        %get3A_393 = arith.constant 48 : index
        %get3A_394 = tpu.vector_load %arg15[%get3A_392, %get3A_393] {strides = array<i32>} : memref<40x128xf32, #tpu.memory_space<vmem>>, vector<16xf32>,
        %mul3A_395 = arith.mulf %get3A_394, %exp3A : vector<16xf32>
        %swap3A_396 = arith.index_cast %add3A_303 : i32 to index
        %swap3A_397 = arith.constant 48 : index
        %swap3A_398 = tpu.vector_load %arg15[%swap3A_396, %swap3A_397] {strides = array<i32>} : memref<40x128xf32, #tpu.memory_space<vmem>>, vector<16xf32>,
        tpu.vector_store %arg15[%swap3A_396, %swap3A_397], %mul3A_395 {strides = array<i32>} : memref<40x128xf32, #tpu.memory_space<vmem>>, vector<16xf32>,
        %get3A_399 = arith.index_cast %add3A_303 : i32 to index
        %get3A_400 = arith.constant 64 : index
        %get3A_401 = tpu.vector_load %arg15[%get3A_399, %get3A_400] {strides = array<i32>} : memref<40x128xf32, #tpu.memory_space<vmem>>, vector<16xf32>,
        %mul3A_402 = arith.mulf %get3A_401, %exp3A : vector<16xf32>
        %swap3A_403 = arith.index_cast %add3A_303 : i32 to index
        %swap3A_404 = arith.constant 64 : index
        %swap3A_405 = tpu.vector_load %arg15[%swap3A_403, %swap3A_404] {strides = array<i32>} : memref<40x128xf32, #tpu.memory_space<vmem>>, vector<16xf32>,
        tpu.vector_store %arg15[%swap3A_403, %swap3A_404], %mul3A_402 {strides = array<i32>} : memref<40x128xf32, #tpu.memory_space<vmem>>, vector<16xf32>,
        %get3A_406 = arith.index_cast %add3A_303 : i32 to index
        %get3A_407 = arith.constant 80 : index
        %get3A_408 = tpu.vector_load %arg15[%get3A_406, %get3A_407] {strides = array<i32>} : memref<40x128xf32, #tpu.memory_space<vmem>>, vector<16xf32>,
        %mul3A_409 = arith.mulf %get3A_408, %exp3A : vector<16xf32>
        %swap3A_410 = arith.index_cast %add3A_303 : i32 to index
        %swap3A_411 = arith.constant 80 : index
        %swap3A_412 = tpu.vector_load %arg15[%swap3A_410, %swap3A_411] {strides = array<i32>} : memref<40x128xf32, #tpu.memory_space<vmem>>, vector<16xf32>,
        tpu.vector_store %arg15[%swap3A_410, %swap3A_411], %mul3A_409 {strides = array<i32>} : memref<40x128xf32, #tpu.memory_space<vmem>>, vector<16xf32>,
        %get3A_413 = arith.index_cast %add3A_303 : i32 to index
        %get3A_414 = arith.constant 96 : index
        %get3A_415 = tpu.vector_load %arg15[%get3A_413, %get3A_414] {strides = array<i32>} : memref<40x128xf32, #tpu.memory_space<vmem>>, vector<16xf32>,
        %mul3A_416 = arith.mulf %get3A_415, %exp3A : vector<16xf32>
        %swap3A_417 = arith.index_cast %add3A_303 : i32 to index
        %swap3A_418 = arith.constant 96 : index
        %swap3A_419 = tpu.vector_load %arg15[%swap3A_417, %swap3A_418] {strides = array<i32>} : memref<40x128xf32, #tpu.memory_space<vmem>>, vector<16xf32>,
        tpu.vector_store %arg15[%swap3A_417, %swap3A_418], %mul3A_416 {strides = array<i32>} : memref<40x128xf32, #tpu.memory_space<vmem>>, vector<16xf32>,
        %get3A_420 = arith.index_cast %add3A_303 : i32 to index
        %get3A_421 = arith.constant 112 : index
        %get3A_422 = tpu.vector_load %arg15[%get3A_420, %get3A_421] {strides = array<i32>} : memref<40x128xf32, #tpu.memory_space<vmem>>, vector<16xf32>,
        %mul3A_423 = arith.mulf %get3A_422, %exp3A : vector<16xf32>
        %swap3A_424 = arith.index_cast %add3A_303 : i32 to index
        %swap3A_425 = arith.constant 112 : index
        %swap3A_426 = tpu.vector_load %arg15[%swap3A_424, %swap3A_425] {strides = array<i32>} : memref<40x128xf32, #tpu.memory_space<vmem>>, vector<16xf32>,
        tpu.vector_store %arg15[%swap3A_424, %swap3A_425], %mul3A_423 {strides = array<i32>} : memref<40x128xf32, #tpu.memory_space<vmem>>, vector<16xf32>,
        %broadcast_in_dim3A_427 = arith.constant 0 : i32
        %broadcast_in_dim3A_428 = vector.broadcast %broadcast_in_dim3A_427 : i32 to vector<16xi32>
        %add3A_429 = vector.broadcast %add3A_303 : i32 to vector<16xi32>
        %add3A_430 = arith.addi %broadcast_in_dim3A_428, %add3A_429 : vector<16xi32>
        %gather3A = tpu.vector_load_idx %arg10[%add3A_430] : memref<40xi32, #tpu.memory_space<vmem>>[vector<16xi32>], vector<16xi32>,
        tpu.vector_store_idx %arg19[%gather3A], %exp3A masked %eq3A_120 {add = true} : memref<10000xf32, #tpu.memory_space<vmem>>[vector<16xi32>], vector<16xf32>, vector<16xi1>
        %mul3A_431 = arith.constant 2 : i32
        %mul3A_432 = arith.muli %add3A_299, %mul3A_431 : i32
        %add3A_433 = arith.constant 1 : i32
        %add3A_434 = arith.addi %mul3A_432, %add3A_433 : i32
        %get3A_435 = arith.index_cast %add3A_434 : i32 to index
        %get3A_436 = arith.constant 0 : index
        %get3A_437 = tpu.vector_load %arg13[%get3A_435, %get3A_436] {strides = array<i32>} : memref<40x128xf32, #tpu.memory_space<vmem>>, vector<16xf32>,
        %get3A_438 = arith.index_cast %add3A_434 : i32 to index
        %get3A_439 = arith.constant 0 : index
        %get3A_440 = tpu.vector_load %arg14[%get3A_438, %get3A_439] {strides = array<i32>} : memref<40x128xf32, #tpu.memory_space<vmem>>, vector<16xf32>,
        %mul3A_441 = arith.mulf %get3A_437, %get3A_440 : vector<16xf32>
        %get3A_442 = arith.index_cast %add3A_434 : i32 to index
        %get3A_443 = arith.constant 16 : index
        %get3A_444 = tpu.vector_load %arg13[%get3A_442, %get3A_443] {strides = array<i32>} : memref<40x128xf32, #tpu.memory_space<vmem>>, vector<16xf32>,
        %get3A_445 = arith.index_cast %add3A_434 : i32 to index
        %get3A_446 = arith.constant 16 : index
        %get3A_447 = tpu.vector_load %arg14[%get3A_445, %get3A_446] {strides = array<i32>} : memref<40x128xf32, #tpu.memory_space<vmem>>, vector<16xf32>,
        %mul3A_448 = arith.mulf %get3A_444, %get3A_447 : vector<16xf32>
        %add3A_449 = arith.addf %mul3A_441, %mul3A_448 : vector<16xf32>
        %get3A_450 = arith.index_cast %add3A_434 : i32 to index
        %get3A_451 = arith.constant 32 : index
        %get3A_452 = tpu.vector_load %arg13[%get3A_450, %get3A_451] {strides = array<i32>} : memref<40x128xf32, #tpu.memory_space<vmem>>, vector<16xf32>,
        %get3A_453 = arith.index_cast %add3A_434 : i32 to index
        %get3A_454 = arith.constant 32 : index
        %get3A_455 = tpu.vector_load %arg14[%get3A_453, %get3A_454] {strides = array<i32>} : memref<40x128xf32, #tpu.memory_space<vmem>>, vector<16xf32>,
        %mul3A_456 = arith.mulf %get3A_452, %get3A_455 : vector<16xf32>
        %add3A_457 = arith.addf %add3A_449, %mul3A_456 : vector<16xf32>
        %get3A_458 = arith.index_cast %add3A_434 : i32 to index
        %get3A_459 = arith.constant 48 : index
        %get3A_460 = tpu.vector_load %arg13[%get3A_458, %get3A_459] {strides = array<i32>} : memref<40x128xf32, #tpu.memory_space<vmem>>, vector<16xf32>,
        %get3A_461 = arith.index_cast %add3A_434 : i32 to index
        %get3A_462 = arith.constant 48 : index
        %get3A_463 = tpu.vector_load %arg14[%get3A_461, %get3A_462] {strides = array<i32>} : memref<40x128xf32, #tpu.memory_space<vmem>>, vector<16xf32>,
        %mul3A_464 = arith.mulf %get3A_460, %get3A_463 : vector<16xf32>
        %add3A_465 = arith.addf %add3A_457, %mul3A_464 : vector<16xf32>
        %get3A_466 = arith.index_cast %add3A_434 : i32 to index
        %get3A_467 = arith.constant 64 : index
        %get3A_468 = tpu.vector_load %arg13[%get3A_466, %get3A_467] {strides = array<i32>} : memref<40x128xf32, #tpu.memory_space<vmem>>, vector<16xf32>,
        %get3A_469 = arith.index_cast %add3A_434 : i32 to index
        %get3A_470 = arith.constant 64 : index
        %get3A_471 = tpu.vector_load %arg14[%get3A_469, %get3A_470] {strides = array<i32>} : memref<40x128xf32, #tpu.memory_space<vmem>>, vector<16xf32>,
        %mul3A_472 = arith.mulf %get3A_468, %get3A_471 : vector<16xf32>
        %add3A_473 = arith.addf %add3A_465, %mul3A_472 : vector<16xf32>
        %get3A_474 = arith.index_cast %add3A_434 : i32 to index
        %get3A_475 = arith.constant 80 : index
        %get3A_476 = tpu.vector_load %arg13[%get3A_474, %get3A_475] {strides = array<i32>} : memref<40x128xf32, #tpu.memory_space<vmem>>, vector<16xf32>,
        %get3A_477 = arith.index_cast %add3A_434 : i32 to index
        %get3A_478 = arith.constant 80 : index
        %get3A_479 = tpu.vector_load %arg14[%get3A_477, %get3A_478] {strides = array<i32>} : memref<40x128xf32, #tpu.memory_space<vmem>>, vector<16xf32>,
        %mul3A_480 = arith.mulf %get3A_476, %get3A_479 : vector<16xf32>
        %add3A_481 = arith.addf %add3A_473, %mul3A_480 : vector<16xf32>
        %get3A_482 = arith.index_cast %add3A_434 : i32 to index
        %get3A_483 = arith.constant 96 : index
        %get3A_484 = tpu.vector_load %arg13[%get3A_482, %get3A_483] {strides = array<i32>} : memref<40x128xf32, #tpu.memory_space<vmem>>, vector<16xf32>,
        %get3A_485 = arith.index_cast %add3A_434 : i32 to index
        %get3A_486 = arith.constant 96 : index
        %get3A_487 = tpu.vector_load %arg14[%get3A_485, %get3A_486] {strides = array<i32>} : memref<40x128xf32, #tpu.memory_space<vmem>>, vector<16xf32>,
        %mul3A_488 = arith.mulf %get3A_484, %get3A_487 : vector<16xf32>
        %add3A_489 = arith.addf %add3A_481, %mul3A_488 : vector<16xf32>
        %get3A_490 = arith.index_cast %add3A_434 : i32 to index
        %get3A_491 = arith.constant 112 : index
        %get3A_492 = tpu.vector_load %arg13[%get3A_490, %get3A_491] {strides = array<i32>} : memref<40x128xf32, #tpu.memory_space<vmem>>, vector<16xf32>,
        %get3A_493 = arith.index_cast %add3A_434 : i32 to index
        %get3A_494 = arith.constant 112 : index
        %get3A_495 = tpu.vector_load %arg14[%get3A_493, %get3A_494] {strides = array<i32>} : memref<40x128xf32, #tpu.memory_space<vmem>>, vector<16xf32>,
        %mul3A_496 = arith.mulf %get3A_492, %get3A_495 : vector<16xf32>
        %add3A_497 = arith.addf %add3A_489, %mul3A_496 : vector<16xf32>
        %broadcast_in_dim3A_498 = arith.constant 0.000000e+00 : f32
        %broadcast_in_dim3A_499 = vector.broadcast %broadcast_in_dim3A_498 : f32 to vector<16xf32>
        %reduce_sum3A_500 = arith.constant true
        %reduce_sum3A_501 = vector.broadcast %reduce_sum3A_500 : i1 to vector<16xi1>
        %reduce_sum3A_502 = tpu.scan <sum>, %add3A_497 masked %reduce_sum3A_501 : vector<16xf32>, vector<16xi1> -> vector<16xf32>
        %reduce_sum3A_503 = vector.extract %reduce_sum3A_502[15] : f32 from vector<16xf32>
        %add3A_504 = vector.broadcast %reduce_sum3A_503 : f32 to vector<16xf32>
        %add3A_505 = arith.addf %broadcast_in_dim3A_499, %add3A_504 : vector<16xf32>
        %exp3A_506 = math.exp %add3A_505 : vector<16xf32>
        %get3A_507 = arith.index_cast %add3A_434 : i32 to index
        %get3A_508 = arith.constant 0 : index
        %get3A_509 = tpu.vector_load %arg15[%get3A_507, %get3A_508] {strides = array<i32>} : memref<40x128xf32, #tpu.memory_space<vmem>>, vector<16xf32>,
        %mul3A_510 = arith.mulf %get3A_509, %exp3A_506 : vector<16xf32>
        %swap3A_511 = arith.index_cast %add3A_434 : i32 to index
        %swap3A_512 = arith.constant 0 : index
        %swap3A_513 = tpu.vector_load %arg15[%swap3A_511, %swap3A_512] {strides = array<i32>} : memref<40x128xf32, #tpu.memory_space<vmem>>, vector<16xf32>,
        tpu.vector_store %arg15[%swap3A_511, %swap3A_512], %mul3A_510 {strides = array<i32>} : memref<40x128xf32, #tpu.memory_space<vmem>>, vector<16xf32>,
        %get3A_514 = arith.index_cast %add3A_434 : i32 to index
        %get3A_515 = arith.constant 16 : index
        %get3A_516 = tpu.vector_load %arg15[%get3A_514, %get3A_515] {strides = array<i32>} : memref<40x128xf32, #tpu.memory_space<vmem>>, vector<16xf32>,
        %mul3A_517 = arith.mulf %get3A_516, %exp3A_506 : vector<16xf32>
        %swap3A_518 = arith.index_cast %add3A_434 : i32 to index
        %swap3A_519 = arith.constant 16 : index
        %swap3A_520 = tpu.vector_load %arg15[%swap3A_518, %swap3A_519] {strides = array<i32>} : memref<40x128xf32, #tpu.memory_space<vmem>>, vector<16xf32>,
        tpu.vector_store %arg15[%swap3A_518, %swap3A_519], %mul3A_517 {strides = array<i32>} : memref<40x128xf32, #tpu.memory_space<vmem>>, vector<16xf32>,
        %get3A_521 = arith.index_cast %add3A_434 : i32 to index
        %get3A_522 = arith.constant 32 : index
        %get3A_523 = tpu.vector_load %arg15[%get3A_521, %get3A_522] {strides = array<i32>} : memref<40x128xf32, #tpu.memory_space<vmem>>, vector<16xf32>,
        %mul3A_524 = arith.mulf %get3A_523, %exp3A_506 : vector<16xf32>
        %swap3A_525 = arith.index_cast %add3A_434 : i32 to index
        %swap3A_526 = arith.constant 32 : index
        %swap3A_527 = tpu.vector_load %arg15[%swap3A_525, %swap3A_526] {strides = array<i32>} : memref<40x128xf32, #tpu.memory_space<vmem>>, vector<16xf32>,
        tpu.vector_store %arg15[%swap3A_525, %swap3A_526], %mul3A_524 {strides = array<i32>} : memref<40x128xf32, #tpu.memory_space<vmem>>, vector<16xf32>,
        %get3A_528 = arith.index_cast %add3A_434 : i32 to index
        %get3A_529 = arith.constant 48 : index
        %get3A_530 = tpu.vector_load %arg15[%get3A_528, %get3A_529] {strides = array<i32>} : memref<40x128xf32, #tpu.memory_space<vmem>>, vector<16xf32>,
        %mul3A_531 = arith.mulf %get3A_530, %exp3A_506 : vector<16xf32>
        %swap3A_532 = arith.index_cast %add3A_434 : i32 to index
        %swap3A_533 = arith.constant 48 : index
        %swap3A_534 = tpu.vector_load %arg15[%swap3A_532, %swap3A_533] {strides = array<i32>} : memref<40x128xf32, #tpu.memory_space<vmem>>, vector<16xf32>,
        tpu.vector_store %arg15[%swap3A_532, %swap3A_533], %mul3A_531 {strides = array<i32>} : memref<40x128xf32, #tpu.memory_space<vmem>>, vector<16xf32>,
        %get3A_535 = arith.index_cast %add3A_434 : i32 to index
        %get3A_536 = arith.constant 64 : index
        %get3A_537 = tpu.vector_load %arg15[%get3A_535, %get3A_536] {strides = array<i32>} : memref<40x128xf32, #tpu.memory_space<vmem>>, vector<16xf32>,
        %mul3A_538 = arith.mulf %get3A_537, %exp3A_506 : vector<16xf32>
        %swap3A_539 = arith.index_cast %add3A_434 : i32 to index
        %swap3A_540 = arith.constant 64 : index
        %swap3A_541 = tpu.vector_load %arg15[%swap3A_539, %swap3A_540] {strides = array<i32>} : memref<40x128xf32, #tpu.memory_space<vmem>>, vector<16xf32>,
        tpu.vector_store %arg15[%swap3A_539, %swap3A_540], %mul3A_538 {strides = array<i32>} : memref<40x128xf32, #tpu.memory_space<vmem>>, vector<16xf32>,
        %get3A_542 = arith.index_cast %add3A_434 : i32 to index
        %get3A_543 = arith.constant 80 : index
        %get3A_544 = tpu.vector_load %arg15[%get3A_542, %get3A_543] {strides = array<i32>} : memref<40x128xf32, #tpu.memory_space<vmem>>, vector<16xf32>,
        %mul3A_545 = arith.mulf %get3A_544, %exp3A_506 : vector<16xf32>
        %swap3A_546 = arith.index_cast %add3A_434 : i32 to index
        %swap3A_547 = arith.constant 80 : index
        %swap3A_548 = tpu.vector_load %arg15[%swap3A_546, %swap3A_547] {strides = array<i32>} : memref<40x128xf32, #tpu.memory_space<vmem>>, vector<16xf32>,
        tpu.vector_store %arg15[%swap3A_546, %swap3A_547], %mul3A_545 {strides = array<i32>} : memref<40x128xf32, #tpu.memory_space<vmem>>, vector<16xf32>,
        %get3A_549 = arith.index_cast %add3A_434 : i32 to index
        %get3A_550 = arith.constant 96 : index
        %get3A_551 = tpu.vector_load %arg15[%get3A_549, %get3A_550] {strides = array<i32>} : memref<40x128xf32, #tpu.memory_space<vmem>>, vector<16xf32>,
        %mul3A_552 = arith.mulf %get3A_551, %exp3A_506 : vector<16xf32>
        %swap3A_553 = arith.index_cast %add3A_434 : i32 to index
        %swap3A_554 = arith.constant 96 : index
        %swap3A_555 = tpu.vector_load %arg15[%swap3A_553, %swap3A_554] {strides = array<i32>} : memref<40x128xf32, #tpu.memory_space<vmem>>, vector<16xf32>,
        tpu.vector_store %arg15[%swap3A_553, %swap3A_554], %mul3A_552 {strides = array<i32>} : memref<40x128xf32, #tpu.memory_space<vmem>>, vector<16xf32>,
        %get3A_556 = arith.index_cast %add3A_434 : i32 to index
        %get3A_557 = arith.constant 112 : index
        %get3A_558 = tpu.vector_load %arg15[%get3A_556, %get3A_557] {strides = array<i32>} : memref<40x128xf32, #tpu.memory_space<vmem>>, vector<16xf32>,
        %mul3A_559 = arith.mulf %get3A_558, %exp3A_506 : vector<16xf32>
        %swap3A_560 = arith.index_cast %add3A_434 : i32 to index
        %swap3A_561 = arith.constant 112 : index
        %swap3A_562 = tpu.vector_load %arg15[%swap3A_560, %swap3A_561] {strides = array<i32>} : memref<40x128xf32, #tpu.memory_space<vmem>>, vector<16xf32>,
        tpu.vector_store %arg15[%swap3A_560, %swap3A_561], %mul3A_559 {strides = array<i32>} : memref<40x128xf32, #tpu.memory_space<vmem>>, vector<16xf32>,
        %broadcast_in_dim3A_563 = arith.constant 0 : i32
        %broadcast_in_dim3A_564 = vector.broadcast %broadcast_in_dim3A_563 : i32 to vector<16xi32>
        %add3A_565 = vector.broadcast %add3A_434 : i32 to vector<16xi32>
        %add3A_566 = arith.addi %broadcast_in_dim3A_564, %add3A_565 : vector<16xi32>
        %gather3A_567 = tpu.vector_load_idx %arg10[%add3A_566] : memref<40xi32, #tpu.memory_space<vmem>>[vector<16xi32>], vector<16xi32>,
        tpu.vector_store_idx %arg19[%gather3A_567], %exp3A_506 masked %eq3A_120 {add = true} : memref<10000xf32, #tpu.memory_space<vmem>>[vector<16xi32>], vector<16xf32>, vector<16xi1>
      }
      %scan3A_280 = arith.constant 20 : i32
      "tpu.region"() ({
        %run_scoped3A = tpu.sem_alloc : memref<!tpu.dma_semaphore, #tpu.memory_space<semaphore_mem>>
        %dma_start3A_295 = arith.constant 0 : i32
        %dma_start3A_296 = arith.constant 0 : i32
        %dma_start3A_297 = tpu.memref_slice %arg20[%dma_start3A_295, %dma_start3A_296] : memref<10000x128xf32, #tpu.memory_space<vmem_shared>> -> memref<10000x128xf32, #tpu.memory_space<vmem_shared>>
        tpu.enqueue_indirect_dma source(%arg15 : memref<40x128xf32, #tpu.memory_space<vmem>>) target(%dma_start3A_297 : memref<10000x128xf32, #tpu.memory_space<vmem_shared>>) offsets(%arg10 : memref<40xi32, #tpu.memory_space<vmem>>) semaphore(%run_scoped3A : memref<!tpu.dma_semaphore, #tpu.memory_space<semaphore_mem>>) {add = true}
        %dma_wait3A_298 = arith.constant 0 : i32
        %dma_wait3A_299 = arith.constant 0 : i32
        %dma_wait3A_300 = tpu.memref_slice %arg20[%dma_wait3A_298, %dma_wait3A_299] : memref<10000x128xf32, #tpu.memory_space<vmem_shared>> -> memref<10000x128xf32, #tpu.memory_space<vmem_shared>>
        tpu.wait_indirect_dma semaphore(%run_scoped3A : memref<!tpu.dma_semaphore, #tpu.memory_space<semaphore_mem>>) src(%arg15 : memref<40x128xf32, #tpu.memory_space<vmem>>) dst(%dma_wait3A_300 : memref<10000x128xf32, #tpu.memory_space<vmem_shared>>)
        tpu.yield
      }) : () -> ()
      %dma_wait3A_281 = arith.constant 0 : i32
      %dma_wait3A_282 = arith.constant 0 : i32
      %dma_wait3A_283 = tpu.memref_slice %arg2[%dma_wait3A_281, %dma_wait3A_282] : memref<10000x128xf32, #tpu.memory_space<hbm>> -> memref<10000x128xf32, #tpu.memory_space<hbm>>
      tpu.wait_indirect_dma semaphore(%arg22 : memref<!tpu.dma_semaphore, #tpu.memory_space<semaphore_mem>>) src(%dma_wait3A_283 : memref<10000x128xf32, #tpu.memory_space<hbm>>) dst(%arg16 : memref<40x128xf32, #tpu.memory_space<vmem>>)
      %dma_wait3A_284 = arith.constant 0 : i32
      %dma_wait3A_285 = arith.constant 0 : i32
      %dma_wait3A_286 = tpu.memref_slice %arg3[%dma_wait3A_284, %dma_wait3A_285] : memref<10000x128xf32, #tpu.memory_space<hbm>> -> memref<10000x128xf32, #tpu.memory_space<hbm>>
      tpu.wait_indirect_dma semaphore(%arg22 : memref<!tpu.dma_semaphore, #tpu.memory_space<semaphore_mem>>) src(%dma_wait3A_286 : memref<10000x128xf32, #tpu.memory_space<hbm>>) dst(%arg17 : memref<40x128xf32, #tpu.memory_space<vmem>>)
      %dma_wait3A_287 = arith.constant 0 : i32
      %dma_wait3A_288 = arith.constant 0 : i32
      %dma_wait3A_289 = tpu.memref_slice %arg4[%dma_wait3A_287, %dma_wait3A_288] : memref<10000x128xf32, #tpu.memory_space<hbm>> -> memref<10000x128xf32, #tpu.memory_space<hbm>>
      tpu.wait_indirect_dma semaphore(%arg22 : memref<!tpu.dma_semaphore, #tpu.memory_space<semaphore_mem>>) src(%dma_wait3A_289 : memref<10000x128xf32, #tpu.memory_space<hbm>>) dst(%arg18 : memref<40x128xf32, #tpu.memory_space<vmem>>)
      %scan3A_290 = arith.constant 0 : i32
      %scan3A_291 = arith.constant 20 : i32
      %scan3A_292 = arith.addi %scan3A_290, %scan3A_291 : i32
      %scan3A_293 = arith.constant 1 : i32
      scf.for %scan3A_295 = %scan3A_290 to %scan3A_292 step %scan3A_293  : i32 {
        %mul3A_296 = arith.constant 1 : i32
        %mul3A_297 = arith.muli %scan3A_295, %mul3A_296 : i32
        %add3A_298 = arith.constant 0 : i32
        %add3A_299 = arith.addi %add3A_298, %mul3A_297 : i32
        %mul3A_300 = arith.constant 2 : i32
        %mul3A_301 = arith.muli %add3A_299, %mul3A_300 : i32
        %add3A_302 = arith.constant 0 : i32
        %add3A_303 = arith.addi %mul3A_301, %add3A_302 : i32
        %get3A = arith.index_cast %add3A_303 : i32 to index
        %get3A_304 = arith.constant 0 : index
        %get3A_305 = tpu.vector_load %arg16[%get3A, %get3A_304] {strides = array<i32>} : memref<40x128xf32, #tpu.memory_space<vmem>>, vector<16xf32>,
        %get3A_306 = arith.index_cast %add3A_303 : i32 to index
        %get3A_307 = arith.constant 0 : index
        %get3A_308 = tpu.vector_load %arg17[%get3A_306, %get3A_307] {strides = array<i32>} : memref<40x128xf32, #tpu.memory_space<vmem>>, vector<16xf32>,
        %mul3A_309 = arith.mulf %get3A_305, %get3A_308 : vector<16xf32>
        %get3A_310 = arith.index_cast %add3A_303 : i32 to index
        %get3A_311 = arith.constant 16 : index
        %get3A_312 = tpu.vector_load %arg16[%get3A_310, %get3A_311] {strides = array<i32>} : memref<40x128xf32, #tpu.memory_space<vmem>>, vector<16xf32>,
        %get3A_313 = arith.index_cast %add3A_303 : i32 to index
        %get3A_314 = arith.constant 16 : index
        %get3A_315 = tpu.vector_load %arg17[%get3A_313, %get3A_314] {strides = array<i32>} : memref<40x128xf32, #tpu.memory_space<vmem>>, vector<16xf32>,
        %mul3A_316 = arith.mulf %get3A_312, %get3A_315 : vector<16xf32>
        %add3A_317 = arith.addf %mul3A_309, %mul3A_316 : vector<16xf32>
        %get3A_318 = arith.index_cast %add3A_303 : i32 to index
        %get3A_319 = arith.constant 32 : index
        %get3A_320 = tpu.vector_load %arg16[%get3A_318, %get3A_319] {strides = array<i32>} : memref<40x128xf32, #tpu.memory_space<vmem>>, vector<16xf32>,
        %get3A_321 = arith.index_cast %add3A_303 : i32 to index
        %get3A_322 = arith.constant 32 : index
        %get3A_323 = tpu.vector_load %arg17[%get3A_321, %get3A_322] {strides = array<i32>} : memref<40x128xf32, #tpu.memory_space<vmem>>, vector<16xf32>,
        %mul3A_324 = arith.mulf %get3A_320, %get3A_323 : vector<16xf32>
        %add3A_325 = arith.addf %add3A_317, %mul3A_324 : vector<16xf32>
        %get3A_326 = arith.index_cast %add3A_303 : i32 to index
        %get3A_327 = arith.constant 48 : index
        %get3A_328 = tpu.vector_load %arg16[%get3A_326, %get3A_327] {strides = array<i32>} : memref<40x128xf32, #tpu.memory_space<vmem>>, vector<16xf32>,
        %get3A_329 = arith.index_cast %add3A_303 : i32 to index
        %get3A_330 = arith.constant 48 : index
        %get3A_331 = tpu.vector_load %arg17[%get3A_329, %get3A_330] {strides = array<i32>} : memref<40x128xf32, #tpu.memory_space<vmem>>, vector<16xf32>,
        %mul3A_332 = arith.mulf %get3A_328, %get3A_331 : vector<16xf32>
        %add3A_333 = arith.addf %add3A_325, %mul3A_332 : vector<16xf32>
        %get3A_334 = arith.index_cast %add3A_303 : i32 to index
        %get3A_335 = arith.constant 64 : index
        %get3A_336 = tpu.vector_load %arg16[%get3A_334, %get3A_335] {strides = array<i32>} : memref<40x128xf32, #tpu.memory_space<vmem>>, vector<16xf32>,
        %get3A_337 = arith.index_cast %add3A_303 : i32 to index
        %get3A_338 = arith.constant 64 : index
        %get3A_339 = tpu.vector_load %arg17[%get3A_337, %get3A_338] {strides = array<i32>} : memref<40x128xf32, #tpu.memory_space<vmem>>, vector<16xf32>,
        %mul3A_340 = arith.mulf %get3A_336, %get3A_339 : vector<16xf32>
        %add3A_341 = arith.addf %add3A_333, %mul3A_340 : vector<16xf32>
        %get3A_342 = arith.index_cast %add3A_303 : i32 to index
        %get3A_343 = arith.constant 80 : index
        %get3A_344 = tpu.vector_load %arg16[%get3A_342, %get3A_343] {strides = array<i32>} : memref<40x128xf32, #tpu.memory_space<vmem>>, vector<16xf32>,
        %get3A_345 = arith.index_cast %add3A_303 : i32 to index
        %get3A_346 = arith.constant 80 : index
        %get3A_347 = tpu.vector_load %arg17[%get3A_345, %get3A_346] {strides = array<i32>} : memref<40x128xf32, #tpu.memory_space<vmem>>, vector<16xf32>,
        %mul3A_348 = arith.mulf %get3A_344, %get3A_347 : vector<16xf32>
        %add3A_349 = arith.addf %add3A_341, %mul3A_348 : vector<16xf32>
        %get3A_350 = arith.index_cast %add3A_303 : i32 to index
        %get3A_351 = arith.constant 96 : index
        %get3A_352 = tpu.vector_load %arg16[%get3A_350, %get3A_351] {strides = array<i32>} : memref<40x128xf32, #tpu.memory_space<vmem>>, vector<16xf32>,
        %get3A_353 = arith.index_cast %add3A_303 : i32 to index
        %get3A_354 = arith.constant 96 : index
        %get3A_355 = tpu.vector_load %arg17[%get3A_353, %get3A_354] {strides = array<i32>} : memref<40x128xf32, #tpu.memory_space<vmem>>, vector<16xf32>,
        %mul3A_356 = arith.mulf %get3A_352, %get3A_355 : vector<16xf32>
        %add3A_357 = arith.addf %add3A_349, %mul3A_356 : vector<16xf32>
        %get3A_358 = arith.index_cast %add3A_303 : i32 to index
        %get3A_359 = arith.constant 112 : index
        %get3A_360 = tpu.vector_load %arg16[%get3A_358, %get3A_359] {strides = array<i32>} : memref<40x128xf32, #tpu.memory_space<vmem>>, vector<16xf32>,
        %get3A_361 = arith.index_cast %add3A_303 : i32 to index
        %get3A_362 = arith.constant 112 : index
        %get3A_363 = tpu.vector_load %arg17[%get3A_361, %get3A_362] {strides = array<i32>} : memref<40x128xf32, #tpu.memory_space<vmem>>, vector<16xf32>,
        %mul3A_364 = arith.mulf %get3A_360, %get3A_363 : vector<16xf32>
        %add3A_365 = arith.addf %add3A_357, %mul3A_364 : vector<16xf32>
        %broadcast_in_dim3A = arith.constant 0.000000e+00 : f32
        %broadcast_in_dim3A_366 = vector.broadcast %broadcast_in_dim3A : f32 to vector<16xf32>
        %reduce_sum3A = arith.constant true
        %reduce_sum3A_367 = vector.broadcast %reduce_sum3A : i1 to vector<16xi1>
        %reduce_sum3A_368 = tpu.scan <sum>, %add3A_365 masked %reduce_sum3A_367 : vector<16xf32>, vector<16xi1> -> vector<16xf32>
        %reduce_sum3A_369 = vector.extract %reduce_sum3A_368[15] : f32 from vector<16xf32>
        %add3A_370 = vector.broadcast %reduce_sum3A_369 : f32 to vector<16xf32>
        %add3A_371 = arith.addf %broadcast_in_dim3A_366, %add3A_370 : vector<16xf32>
        %exp3A = math.exp %add3A_371 : vector<16xf32>
        %get3A_372 = arith.index_cast %add3A_303 : i32 to index
        %get3A_373 = arith.constant 0 : index
        %get3A_374 = tpu.vector_load %arg18[%get3A_372, %get3A_373] {strides = array<i32>} : memref<40x128xf32, #tpu.memory_space<vmem>>, vector<16xf32>,
        %mul3A_375 = arith.mulf %get3A_374, %exp3A : vector<16xf32>
        %swap3A = arith.index_cast %add3A_303 : i32 to index
        %swap3A_376 = arith.constant 0 : index
        %swap3A_377 = tpu.vector_load %arg18[%swap3A, %swap3A_376] {strides = array<i32>} : memref<40x128xf32, #tpu.memory_space<vmem>>, vector<16xf32>,
        tpu.vector_store %arg18[%swap3A, %swap3A_376], %mul3A_375 {strides = array<i32>} : memref<40x128xf32, #tpu.memory_space<vmem>>, vector<16xf32>,
        %get3A_378 = arith.index_cast %add3A_303 : i32 to index
        %get3A_379 = arith.constant 16 : index
        %get3A_380 = tpu.vector_load %arg18[%get3A_378, %get3A_379] {strides = array<i32>} : memref<40x128xf32, #tpu.memory_space<vmem>>, vector<16xf32>,
        %mul3A_381 = arith.mulf %get3A_380, %exp3A : vector<16xf32>
        %swap3A_382 = arith.index_cast %add3A_303 : i32 to index
        %swap3A_383 = arith.constant 16 : index
        %swap3A_384 = tpu.vector_load %arg18[%swap3A_382, %swap3A_383] {strides = array<i32>} : memref<40x128xf32, #tpu.memory_space<vmem>>, vector<16xf32>,
        tpu.vector_store %arg18[%swap3A_382, %swap3A_383], %mul3A_381 {strides = array<i32>} : memref<40x128xf32, #tpu.memory_space<vmem>>, vector<16xf32>,
        %get3A_385 = arith.index_cast %add3A_303 : i32 to index
        %get3A_386 = arith.constant 32 : index
        %get3A_387 = tpu.vector_load %arg18[%get3A_385, %get3A_386] {strides = array<i32>} : memref<40x128xf32, #tpu.memory_space<vmem>>, vector<16xf32>,
        %mul3A_388 = arith.mulf %get3A_387, %exp3A : vector<16xf32>
        %swap3A_389 = arith.index_cast %add3A_303 : i32 to index
        %swap3A_390 = arith.constant 32 : index
        %swap3A_391 = tpu.vector_load %arg18[%swap3A_389, %swap3A_390] {strides = array<i32>} : memref<40x128xf32, #tpu.memory_space<vmem>>, vector<16xf32>,
        tpu.vector_store %arg18[%swap3A_389, %swap3A_390], %mul3A_388 {strides = array<i32>} : memref<40x128xf32, #tpu.memory_space<vmem>>, vector<16xf32>,
        %get3A_392 = arith.index_cast %add3A_303 : i32 to index
        %get3A_393 = arith.constant 48 : index
        %get3A_394 = tpu.vector_load %arg18[%get3A_392, %get3A_393] {strides = array<i32>} : memref<40x128xf32, #tpu.memory_space<vmem>>, vector<16xf32>,
        %mul3A_395 = arith.mulf %get3A_394, %exp3A : vector<16xf32>
        %swap3A_396 = arith.index_cast %add3A_303 : i32 to index
        %swap3A_397 = arith.constant 48 : index
        %swap3A_398 = tpu.vector_load %arg18[%swap3A_396, %swap3A_397] {strides = array<i32>} : memref<40x128xf32, #tpu.memory_space<vmem>>, vector<16xf32>,
        tpu.vector_store %arg18[%swap3A_396, %swap3A_397], %mul3A_395 {strides = array<i32>} : memref<40x128xf32, #tpu.memory_space<vmem>>, vector<16xf32>,
        %get3A_399 = arith.index_cast %add3A_303 : i32 to index
        %get3A_400 = arith.constant 64 : index
        %get3A_401 = tpu.vector_load %arg18[%get3A_399, %get3A_400] {strides = array<i32>} : memref<40x128xf32, #tpu.memory_space<vmem>>, vector<16xf32>,
        %mul3A_402 = arith.mulf %get3A_401, %exp3A : vector<16xf32>
        %swap3A_403 = arith.index_cast %add3A_303 : i32 to index
        %swap3A_404 = arith.constant 64 : index
        %swap3A_405 = tpu.vector_load %arg18[%swap3A_403, %swap3A_404] {strides = array<i32>} : memref<40x128xf32, #tpu.memory_space<vmem>>, vector<16xf32>,
        tpu.vector_store %arg18[%swap3A_403, %swap3A_404], %mul3A_402 {strides = array<i32>} : memref<40x128xf32, #tpu.memory_space<vmem>>, vector<16xf32>,
        %get3A_406 = arith.index_cast %add3A_303 : i32 to index
        %get3A_407 = arith.constant 80 : index
        %get3A_408 = tpu.vector_load %arg18[%get3A_406, %get3A_407] {strides = array<i32>} : memref<40x128xf32, #tpu.memory_space<vmem>>, vector<16xf32>,
        %mul3A_409 = arith.mulf %get3A_408, %exp3A : vector<16xf32>
        %swap3A_410 = arith.index_cast %add3A_303 : i32 to index
        %swap3A_411 = arith.constant 80 : index
        %swap3A_412 = tpu.vector_load %arg18[%swap3A_410, %swap3A_411] {strides = array<i32>} : memref<40x128xf32, #tpu.memory_space<vmem>>, vector<16xf32>,
        tpu.vector_store %arg18[%swap3A_410, %swap3A_411], %mul3A_409 {strides = array<i32>} : memref<40x128xf32, #tpu.memory_space<vmem>>, vector<16xf32>,
        %get3A_413 = arith.index_cast %add3A_303 : i32 to index
        %get3A_414 = arith.constant 96 : index
        %get3A_415 = tpu.vector_load %arg18[%get3A_413, %get3A_414] {strides = array<i32>} : memref<40x128xf32, #tpu.memory_space<vmem>>, vector<16xf32>,
        %mul3A_416 = arith.mulf %get3A_415, %exp3A : vector<16xf32>
        %swap3A_417 = arith.index_cast %add3A_303 : i32 to index
        %swap3A_418 = arith.constant 96 : index
        %swap3A_419 = tpu.vector_load %arg18[%swap3A_417, %swap3A_418] {strides = array<i32>} : memref<40x128xf32, #tpu.memory_space<vmem>>, vector<16xf32>,
        tpu.vector_store %arg18[%swap3A_417, %swap3A_418], %mul3A_416 {strides = array<i32>} : memref<40x128xf32, #tpu.memory_space<vmem>>, vector<16xf32>,
        %get3A_420 = arith.index_cast %add3A_303 : i32 to index
        %get3A_421 = arith.constant 112 : index
        %get3A_422 = tpu.vector_load %arg18[%get3A_420, %get3A_421] {strides = array<i32>} : memref<40x128xf32, #tpu.memory_space<vmem>>, vector<16xf32>,
        %mul3A_423 = arith.mulf %get3A_422, %exp3A : vector<16xf32>
        %swap3A_424 = arith.index_cast %add3A_303 : i32 to index
        %swap3A_425 = arith.constant 112 : index
        %swap3A_426 = tpu.vector_load %arg18[%swap3A_424, %swap3A_425] {strides = array<i32>} : memref<40x128xf32, #tpu.memory_space<vmem>>, vector<16xf32>,
        tpu.vector_store %arg18[%swap3A_424, %swap3A_425], %mul3A_423 {strides = array<i32>} : memref<40x128xf32, #tpu.memory_space<vmem>>, vector<16xf32>,
        %broadcast_in_dim3A_427 = arith.constant 0 : i32
        %broadcast_in_dim3A_428 = vector.broadcast %broadcast_in_dim3A_427 : i32 to vector<16xi32>
        %add3A_429 = vector.broadcast %add3A_303 : i32 to vector<16xi32>
        %add3A_430 = arith.addi %broadcast_in_dim3A_428, %add3A_429 : vector<16xi32>
        %gather3A = tpu.vector_load_idx %arg12[%add3A_430] : memref<40xi32, #tpu.memory_space<vmem>>[vector<16xi32>], vector<16xi32>,
        tpu.vector_store_idx %arg19[%gather3A], %exp3A masked %eq3A_120 {add = true} : memref<10000xf32, #tpu.memory_space<vmem>>[vector<16xi32>], vector<16xf32>, vector<16xi1>
        %mul3A_431 = arith.constant 2 : i32
        %mul3A_432 = arith.muli %add3A_299, %mul3A_431 : i32
        %add3A_433 = arith.constant 1 : i32
        %add3A_434 = arith.addi %mul3A_432, %add3A_433 : i32
        %get3A_435 = arith.index_cast %add3A_434 : i32 to index
        %get3A_436 = arith.constant 0 : index
        %get3A_437 = tpu.vector_load %arg16[%get3A_435, %get3A_436] {strides = array<i32>} : memref<40x128xf32, #tpu.memory_space<vmem>>, vector<16xf32>,
        %get3A_438 = arith.index_cast %add3A_434 : i32 to index
        %get3A_439 = arith.constant 0 : index
        %get3A_440 = tpu.vector_load %arg17[%get3A_438, %get3A_439] {strides = array<i32>} : memref<40x128xf32, #tpu.memory_space<vmem>>, vector<16xf32>,
        %mul3A_441 = arith.mulf %get3A_437, %get3A_440 : vector<16xf32>
        %get3A_442 = arith.index_cast %add3A_434 : i32 to index
        %get3A_443 = arith.constant 16 : index
        %get3A_444 = tpu.vector_load %arg16[%get3A_442, %get3A_443] {strides = array<i32>} : memref<40x128xf32, #tpu.memory_space<vmem>>, vector<16xf32>,
        %get3A_445 = arith.index_cast %add3A_434 : i32 to index
        %get3A_446 = arith.constant 16 : index
        %get3A_447 = tpu.vector_load %arg17[%get3A_445, %get3A_446] {strides = array<i32>} : memref<40x128xf32, #tpu.memory_space<vmem>>, vector<16xf32>,
        %mul3A_448 = arith.mulf %get3A_444, %get3A_447 : vector<16xf32>
        %add3A_449 = arith.addf %mul3A_441, %mul3A_448 : vector<16xf32>
        %get3A_450 = arith.index_cast %add3A_434 : i32 to index
        %get3A_451 = arith.constant 32 : index
        %get3A_452 = tpu.vector_load %arg16[%get3A_450, %get3A_451] {strides = array<i32>} : memref<40x128xf32, #tpu.memory_space<vmem>>, vector<16xf32>,
        %get3A_453 = arith.index_cast %add3A_434 : i32 to index
        %get3A_454 = arith.constant 32 : index
        %get3A_455 = tpu.vector_load %arg17[%get3A_453, %get3A_454] {strides = array<i32>} : memref<40x128xf32, #tpu.memory_space<vmem>>, vector<16xf32>,
        %mul3A_456 = arith.mulf %get3A_452, %get3A_455 : vector<16xf32>
        %add3A_457 = arith.addf %add3A_449, %mul3A_456 : vector<16xf32>
        %get3A_458 = arith.index_cast %add3A_434 : i32 to index
        %get3A_459 = arith.constant 48 : index
        %get3A_460 = tpu.vector_load %arg16[%get3A_458, %get3A_459] {strides = array<i32>} : memref<40x128xf32, #tpu.memory_space<vmem>>, vector<16xf32>,
        %get3A_461 = arith.index_cast %add3A_434 : i32 to index
        %get3A_462 = arith.constant 48 : index
        %get3A_463 = tpu.vector_load %arg17[%get3A_461, %get3A_462] {strides = array<i32>} : memref<40x128xf32, #tpu.memory_space<vmem>>, vector<16xf32>,
        %mul3A_464 = arith.mulf %get3A_460, %get3A_463 : vector<16xf32>
        %add3A_465 = arith.addf %add3A_457, %mul3A_464 : vector<16xf32>
        %get3A_466 = arith.index_cast %add3A_434 : i32 to index
        %get3A_467 = arith.constant 64 : index
        %get3A_468 = tpu.vector_load %arg16[%get3A_466, %get3A_467] {strides = array<i32>} : memref<40x128xf32, #tpu.memory_space<vmem>>, vector<16xf32>,
        %get3A_469 = arith.index_cast %add3A_434 : i32 to index
        %get3A_470 = arith.constant 64 : index
        %get3A_471 = tpu.vector_load %arg17[%get3A_469, %get3A_470] {strides = array<i32>} : memref<40x128xf32, #tpu.memory_space<vmem>>, vector<16xf32>,
        %mul3A_472 = arith.mulf %get3A_468, %get3A_471 : vector<16xf32>
        %add3A_473 = arith.addf %add3A_465, %mul3A_472 : vector<16xf32>
        %get3A_474 = arith.index_cast %add3A_434 : i32 to index
        %get3A_475 = arith.constant 80 : index
        %get3A_476 = tpu.vector_load %arg16[%get3A_474, %get3A_475] {strides = array<i32>} : memref<40x128xf32, #tpu.memory_space<vmem>>, vector<16xf32>,
        %get3A_477 = arith.index_cast %add3A_434 : i32 to index
        %get3A_478 = arith.constant 80 : index
        %get3A_479 = tpu.vector_load %arg17[%get3A_477, %get3A_478] {strides = array<i32>} : memref<40x128xf32, #tpu.memory_space<vmem>>, vector<16xf32>,
        %mul3A_480 = arith.mulf %get3A_476, %get3A_479 : vector<16xf32>
        %add3A_481 = arith.addf %add3A_473, %mul3A_480 : vector<16xf32>
        %get3A_482 = arith.index_cast %add3A_434 : i32 to index
        %get3A_483 = arith.constant 96 : index
        %get3A_484 = tpu.vector_load %arg16[%get3A_482, %get3A_483] {strides = array<i32>} : memref<40x128xf32, #tpu.memory_space<vmem>>, vector<16xf32>,
        %get3A_485 = arith.index_cast %add3A_434 : i32 to index
        %get3A_486 = arith.constant 96 : index
        %get3A_487 = tpu.vector_load %arg17[%get3A_485, %get3A_486] {strides = array<i32>} : memref<40x128xf32, #tpu.memory_space<vmem>>, vector<16xf32>,
        %mul3A_488 = arith.mulf %get3A_484, %get3A_487 : vector<16xf32>
        %add3A_489 = arith.addf %add3A_481, %mul3A_488 : vector<16xf32>
        %get3A_490 = arith.index_cast %add3A_434 : i32 to index
        %get3A_491 = arith.constant 112 : index
        %get3A_492 = tpu.vector_load %arg16[%get3A_490, %get3A_491] {strides = array<i32>} : memref<40x128xf32, #tpu.memory_space<vmem>>, vector<16xf32>,
        %get3A_493 = arith.index_cast %add3A_434 : i32 to index
        %get3A_494 = arith.constant 112 : index
        %get3A_495 = tpu.vector_load %arg17[%get3A_493, %get3A_494] {strides = array<i32>} : memref<40x128xf32, #tpu.memory_space<vmem>>, vector<16xf32>,
        %mul3A_496 = arith.mulf %get3A_492, %get3A_495 : vector<16xf32>
        %add3A_497 = arith.addf %add3A_489, %mul3A_496 : vector<16xf32>
        %broadcast_in_dim3A_498 = arith.constant 0.000000e+00 : f32
        %broadcast_in_dim3A_499 = vector.broadcast %broadcast_in_dim3A_498 : f32 to vector<16xf32>
        %reduce_sum3A_500 = arith.constant true
        %reduce_sum3A_501 = vector.broadcast %reduce_sum3A_500 : i1 to vector<16xi1>
        %reduce_sum3A_502 = tpu.scan <sum>, %add3A_497 masked %reduce_sum3A_501 : vector<16xf32>, vector<16xi1> -> vector<16xf32>
        %reduce_sum3A_503 = vector.extract %reduce_sum3A_502[15] : f32 from vector<16xf32>
        %add3A_504 = vector.broadcast %reduce_sum3A_503 : f32 to vector<16xf32>
        %add3A_505 = arith.addf %broadcast_in_dim3A_499, %add3A_504 : vector<16xf32>
        %exp3A_506 = math.exp %add3A_505 : vector<16xf32>
        %get3A_507 = arith.index_cast %add3A_434 : i32 to index
        %get3A_508 = arith.constant 0 : index
        %get3A_509 = tpu.vector_load %arg18[%get3A_507, %get3A_508] {strides = array<i32>} : memref<40x128xf32, #tpu.memory_space<vmem>>, vector<16xf32>,
        %mul3A_510 = arith.mulf %get3A_509, %exp3A_506 : vector<16xf32>
        %swap3A_511 = arith.index_cast %add3A_434 : i32 to index
        %swap3A_512 = arith.constant 0 : index
        %swap3A_513 = tpu.vector_load %arg18[%swap3A_511, %swap3A_512] {strides = array<i32>} : memref<40x128xf32, #tpu.memory_space<vmem>>, vector<16xf32>,
        tpu.vector_store %arg18[%swap3A_511, %swap3A_512], %mul3A_510 {strides = array<i32>} : memref<40x128xf32, #tpu.memory_space<vmem>>, vector<16xf32>,
        %get3A_514 = arith.index_cast %add3A_434 : i32 to index
        %get3A_515 = arith.constant 16 : index
        %get3A_516 = tpu.vector_load %arg18[%get3A_514, %get3A_515] {strides = array<i32>} : memref<40x128xf32, #tpu.memory_space<vmem>>, vector<16xf32>,
        %mul3A_517 = arith.mulf %get3A_516, %exp3A_506 : vector<16xf32>
        %swap3A_518 = arith.index_cast %add3A_434 : i32 to index
        %swap3A_519 = arith.constant 16 : index
        %swap3A_520 = tpu.vector_load %arg18[%swap3A_518, %swap3A_519] {strides = array<i32>} : memref<40x128xf32, #tpu.memory_space<vmem>>, vector<16xf32>,
        tpu.vector_store %arg18[%swap3A_518, %swap3A_519], %mul3A_517 {strides = array<i32>} : memref<40x128xf32, #tpu.memory_space<vmem>>, vector<16xf32>,
        %get3A_521 = arith.index_cast %add3A_434 : i32 to index
        %get3A_522 = arith.constant 32 : index
        %get3A_523 = tpu.vector_load %arg18[%get3A_521, %get3A_522] {strides = array<i32>} : memref<40x128xf32, #tpu.memory_space<vmem>>, vector<16xf32>,
        %mul3A_524 = arith.mulf %get3A_523, %exp3A_506 : vector<16xf32>
        %swap3A_525 = arith.index_cast %add3A_434 : i32 to index
        %swap3A_526 = arith.constant 32 : index
        %swap3A_527 = tpu.vector_load %arg18[%swap3A_525, %swap3A_526] {strides = array<i32>} : memref<40x128xf32, #tpu.memory_space<vmem>>, vector<16xf32>,
        tpu.vector_store %arg18[%swap3A_525, %swap3A_526], %mul3A_524 {strides = array<i32>} : memref<40x128xf32, #tpu.memory_space<vmem>>, vector<16xf32>,
        %get3A_528 = arith.index_cast %add3A_434 : i32 to index
        %get3A_529 = arith.constant 48 : index
        %get3A_530 = tpu.vector_load %arg18[%get3A_528, %get3A_529] {strides = array<i32>} : memref<40x128xf32, #tpu.memory_space<vmem>>, vector<16xf32>,
        %mul3A_531 = arith.mulf %get3A_530, %exp3A_506 : vector<16xf32>
        %swap3A_532 = arith.index_cast %add3A_434 : i32 to index
        %swap3A_533 = arith.constant 48 : index
        %swap3A_534 = tpu.vector_load %arg18[%swap3A_532, %swap3A_533] {strides = array<i32>} : memref<40x128xf32, #tpu.memory_space<vmem>>, vector<16xf32>,
        tpu.vector_store %arg18[%swap3A_532, %swap3A_533], %mul3A_531 {strides = array<i32>} : memref<40x128xf32, #tpu.memory_space<vmem>>, vector<16xf32>,
        %get3A_535 = arith.index_cast %add3A_434 : i32 to index
        %get3A_536 = arith.constant 64 : index
        %get3A_537 = tpu.vector_load %arg18[%get3A_535, %get3A_536] {strides = array<i32>} : memref<40x128xf32, #tpu.memory_space<vmem>>, vector<16xf32>,
        %mul3A_538 = arith.mulf %get3A_537, %exp3A_506 : vector<16xf32>
        %swap3A_539 = arith.index_cast %add3A_434 : i32 to index
        %swap3A_540 = arith.constant 64 : index
        %swap3A_541 = tpu.vector_load %arg18[%swap3A_539, %swap3A_540] {strides = array<i32>} : memref<40x128xf32, #tpu.memory_space<vmem>>, vector<16xf32>,
        tpu.vector_store %arg18[%swap3A_539, %swap3A_540], %mul3A_538 {strides = array<i32>} : memref<40x128xf32, #tpu.memory_space<vmem>>, vector<16xf32>,
        %get3A_542 = arith.index_cast %add3A_434 : i32 to index
        %get3A_543 = arith.constant 80 : index
        %get3A_544 = tpu.vector_load %arg18[%get3A_542, %get3A_543] {strides = array<i32>} : memref<40x128xf32, #tpu.memory_space<vmem>>, vector<16xf32>,
        %mul3A_545 = arith.mulf %get3A_544, %exp3A_506 : vector<16xf32>
        %swap3A_546 = arith.index_cast %add3A_434 : i32 to index
        %swap3A_547 = arith.constant 80 : index
        %swap3A_548 = tpu.vector_load %arg18[%swap3A_546, %swap3A_547] {strides = array<i32>} : memref<40x128xf32, #tpu.memory_space<vmem>>, vector<16xf32>,
        tpu.vector_store %arg18[%swap3A_546, %swap3A_547], %mul3A_545 {strides = array<i32>} : memref<40x128xf32, #tpu.memory_space<vmem>>, vector<16xf32>,
        %get3A_549 = arith.index_cast %add3A_434 : i32 to index
        %get3A_550 = arith.constant 96 : index
        %get3A_551 = tpu.vector_load %arg18[%get3A_549, %get3A_550] {strides = array<i32>} : memref<40x128xf32, #tpu.memory_space<vmem>>, vector<16xf32>,
        %mul3A_552 = arith.mulf %get3A_551, %exp3A_506 : vector<16xf32>
        %swap3A_553 = arith.index_cast %add3A_434 : i32 to index
        %swap3A_554 = arith.constant 96 : index
        %swap3A_555 = tpu.vector_load %arg18[%swap3A_553, %swap3A_554] {strides = array<i32>} : memref<40x128xf32, #tpu.memory_space<vmem>>, vector<16xf32>,
        tpu.vector_store %arg18[%swap3A_553, %swap3A_554], %mul3A_552 {strides = array<i32>} : memref<40x128xf32, #tpu.memory_space<vmem>>, vector<16xf32>,
        %get3A_556 = arith.index_cast %add3A_434 : i32 to index
        %get3A_557 = arith.constant 112 : index
        %get3A_558 = tpu.vector_load %arg18[%get3A_556, %get3A_557] {strides = array<i32>} : memref<40x128xf32, #tpu.memory_space<vmem>>, vector<16xf32>,
        %mul3A_559 = arith.mulf %get3A_558, %exp3A_506 : vector<16xf32>
        %swap3A_560 = arith.index_cast %add3A_434 : i32 to index
        %swap3A_561 = arith.constant 112 : index
        %swap3A_562 = tpu.vector_load %arg18[%swap3A_560, %swap3A_561] {strides = array<i32>} : memref<40x128xf32, #tpu.memory_space<vmem>>, vector<16xf32>,
        tpu.vector_store %arg18[%swap3A_560, %swap3A_561], %mul3A_559 {strides = array<i32>} : memref<40x128xf32, #tpu.memory_space<vmem>>, vector<16xf32>,
        %broadcast_in_dim3A_563 = arith.constant 0 : i32
        %broadcast_in_dim3A_564 = vector.broadcast %broadcast_in_dim3A_563 : i32 to vector<16xi32>
        %add3A_565 = vector.broadcast %add3A_434 : i32 to vector<16xi32>
        %add3A_566 = arith.addi %broadcast_in_dim3A_564, %add3A_565 : vector<16xi32>
        %gather3A_567 = tpu.vector_load_idx %arg12[%add3A_566] : memref<40xi32, #tpu.memory_space<vmem>>[vector<16xi32>], vector<16xi32>,
        tpu.vector_store_idx %arg19[%gather3A_567], %exp3A_506 masked %eq3A_120 {add = true} : memref<10000xf32, #tpu.memory_space<vmem>>[vector<16xi32>], vector<16xf32>, vector<16xi1>
      }
      %scan3A_294 = arith.constant 20 : i32
      "tpu.region"() ({
        %run_scoped3A = tpu.sem_alloc : memref<!tpu.dma_semaphore, #tpu.memory_space<semaphore_mem>>
        %dma_start3A_295 = arith.constant 0 : i32
        %dma_start3A_296 = arith.constant 0 : i32
        %dma_start3A_297 = tpu.memref_slice %arg20[%dma_start3A_295, %dma_start3A_296] : memref<10000x128xf32, #tpu.memory_space<vmem_shared>> -> memref<10000x128xf32, #tpu.memory_space<vmem_shared>>
        tpu.enqueue_indirect_dma source(%arg18 : memref<40x128xf32, #tpu.memory_space<vmem>>) target(%dma_start3A_297 : memref<10000x128xf32, #tpu.memory_space<vmem_shared>>) offsets(%arg12 : memref<40xi32, #tpu.memory_space<vmem>>) semaphore(%run_scoped3A : memref<!tpu.dma_semaphore, #tpu.memory_space<semaphore_mem>>) {add = true}
        %dma_wait3A_298 = arith.constant 0 : i32
        %dma_wait3A_299 = arith.constant 0 : i32
        %dma_wait3A_300 = tpu.memref_slice %arg20[%dma_wait3A_298, %dma_wait3A_299] : memref<10000x128xf32, #tpu.memory_space<vmem_shared>> -> memref<10000x128xf32, #tpu.memory_space<vmem_shared>>
        tpu.wait_indirect_dma semaphore(%run_scoped3A : memref<!tpu.dma_semaphore, #tpu.memory_space<semaphore_mem>>) src(%arg18 : memref<40x128xf32, #tpu.memory_space<vmem>>) dst(%dma_wait3A_300 : memref<10000x128xf32, #tpu.memory_space<vmem_shared>>)
        tpu.yield
      }) : () -> ()
    }
    %scan3A_127 = arith.constant 125 : i32
    "tpu.region"() ({
      %run_scoped3A = tpu.sem_alloc : memref<!tpu.dma_semaphore, #tpu.memory_space<semaphore_mem>>
      %dma_start3A = arith.constant 0 : i32
      %dma_start3A_241 = tpu.memref_slice %arg8[%add3A, %dma_start3A] : memref<32x10000xf32, #tpu.memory_space<hbm>> -> memref<1x10000xf32, #tpu.memory_space<hbm>>
      %dma_start3A_242 = tpu.memref_squeeze %dma_start3A_241 : memref<1x10000xf32, #tpu.memory_space<hbm>> -> memref<10000xf32, #tpu.memory_space<hbm>>
      %dma_start3A_243 = arith.constant 0 : i32
      %dma_start3A_244 = tpu.memref_slice %arg8[%add3A, %dma_start3A_243] : memref<32x10000xf32, #tpu.memory_space<hbm>> -> memref<1x10000xf32, #tpu.memory_space<hbm>>
      %dma_start3A_245 = tpu.memref_squeeze %dma_start3A_244 : memref<1x10000xf32, #tpu.memory_space<hbm>> -> memref<10000xf32, #tpu.memory_space<hbm>>
      tpu.enqueue_dma source(%arg19 : memref<10000xf32, #tpu.memory_space<vmem>>) target(%dma_start3A_245 : memref<10000xf32, #tpu.memory_space<hbm>>) target_semaphore(%run_scoped3A : memref<!tpu.dma_semaphore, #tpu.memory_space<semaphore_mem>>)
      %dma_wait3A = arith.constant 0 : i32
      %dma_wait3A_246 = tpu.memref_slice %arg8[%add3A, %dma_wait3A] : memref<32x10000xf32, #tpu.memory_space<hbm>> -> memref<1x10000xf32, #tpu.memory_space<hbm>>
      %dma_wait3A_247 = tpu.memref_squeeze %dma_wait3A_246 : memref<1x10000xf32, #tpu.memory_space<hbm>> -> memref<10000xf32, #tpu.memory_space<hbm>>
      %dma_wait3A_248 = arith.constant 0 : i32
      %dma_wait3A_249 = tpu.memref_slice %arg8[%add3A, %dma_wait3A_248] : memref<32x10000xf32, #tpu.memory_space<hbm>> -> memref<1x10000xf32, #tpu.memory_space<hbm>>
      %dma_wait3A_250 = tpu.memref_squeeze %dma_wait3A_249 : memref<1x10000xf32, #tpu.memory_space<hbm>> -> memref<10000xf32, #tpu.memory_space<hbm>>
      tpu.wait_dma2 semaphore(%run_scoped3A : memref<!tpu.dma_semaphore, #tpu.memory_space<semaphore_mem>>) src(%arg19 : memref<10000xf32, #tpu.memory_space<vmem>>) dst(%dma_wait3A_250 : memref<10000xf32, #tpu.memory_space<hbm>>)
      tpu.yield
    }) : () -> ()
    %barrier3A_128 = arith.constant 0 : index
    tpu.barrier barrier_id(%barrier3A_128)
    %add3A_129 = arith.constant 0 : i32
    %add3A_130 = arith.addi %arg1, %add3A_129 : i32
    %lt3A_131 = arith.constant 250 : i32
    %lt3A_132 = arith.cmpi slt, %add3A_130, %lt3A_131 : i32
    %convert_element_type3A_133 = arith.extui %lt3A_132 : i1 to i32
    %cond3A_134 = arith.constant 0 : i32
    %cond3A_135 = arith.cmpi ne, %convert_element_type3A_133, %cond3A_134 : i32
    scf.if %cond3A_135 {
      %mul3A_241 = arith.constant 40 : i32
      %mul3A_242 = arith.muli %add3A_130, %mul3A_241 : i32
      "tpu.region"() ({
        %run_scoped3A = tpu.sem_alloc : memref<!tpu.dma_semaphore, #tpu.memory_space<semaphore_mem>>
        %dma_start3A = arith.constant 0 : i32
        %dma_start3A_243 = tpu.memref_slice %arg7[%arg0, %mul3A_242, %dma_start3A] : memref<2x10000x128xf32, #tpu.memory_space<hbm>> -> memref<1x40x128xf32, #tpu.memory_space<hbm>>
        %dma_start3A_244 = tpu.memref_squeeze %dma_start3A_243 : memref<1x40x128xf32, #tpu.memory_space<hbm>> -> memref<40x128xf32, #tpu.memory_space<hbm>>
        %dma_start3A_245 = arith.constant 0 : i32
        %dma_start3A_246 = tpu.memref_slice %arg20[%mul3A_242, %dma_start3A_245] : memref<10000x128xf32, #tpu.memory_space<vmem_shared>> -> memref<40x128xf32, #tpu.memory_space<vmem_shared>>
        tpu.enqueue_dma source(%dma_start3A_246 : memref<40x128xf32, #tpu.memory_space<vmem_shared>>) target(%dma_start3A_244 : memref<40x128xf32, #tpu.memory_space<hbm>>) target_semaphore(%run_scoped3A : memref<!tpu.dma_semaphore, #tpu.memory_space<semaphore_mem>>)
        %dma_wait3A = arith.constant 0 : i32
        %dma_wait3A_247 = tpu.memref_slice %arg7[%arg0, %mul3A_242, %dma_wait3A] : memref<2x10000x128xf32, #tpu.memory_space<hbm>> -> memref<1x40x128xf32, #tpu.memory_space<hbm>>
        %dma_wait3A_248 = tpu.memref_squeeze %dma_wait3A_247 : memref<1x40x128xf32, #tpu.memory_space<hbm>> -> memref<40x128xf32, #tpu.memory_space<hbm>>
        %dma_wait3A_249 = arith.constant 0 : i32
        %dma_wait3A_250 = tpu.memref_slice %arg20[%mul3A_242, %dma_wait3A_249] : memref<10000x128xf32, #tpu.memory_space<vmem_shared>> -> memref<40x128xf32, #tpu.memory_space<vmem_shared>>
        tpu.wait_dma2 semaphore(%run_scoped3A : memref<!tpu.dma_semaphore, #tpu.memory_space<semaphore_mem>>) src(%dma_wait3A_250 : memref<40x128xf32, #tpu.memory_space<vmem_shared>>) dst(%dma_wait3A_248 : memref<40x128xf32, #tpu.memory_space<hbm>>)
        tpu.yield
      }) : () -> ()
    } else {
    }
    %add3A_136 = arith.constant 16 : i32
    %add3A_137 = arith.addi %arg1, %add3A_136 : i32
    %lt3A_138 = arith.constant 250 : i32
    %lt3A_139 = arith.cmpi slt, %add3A_137, %lt3A_138 : i32
    %convert_element_type3A_140 = arith.extui %lt3A_139 : i1 to i32
    %cond3A_141 = arith.constant 0 : i32
    %cond3A_142 = arith.cmpi ne, %convert_element_type3A_140, %cond3A_141 : i32
    scf.if %cond3A_142 {
      %mul3A_241 = arith.constant 40 : i32
      %mul3A_242 = arith.muli %add3A_137, %mul3A_241 : i32
      "tpu.region"() ({
        %run_scoped3A = tpu.sem_alloc : memref<!tpu.dma_semaphore, #tpu.memory_space<semaphore_mem>>
        %dma_start3A = arith.constant 0 : i32
        %dma_start3A_243 = tpu.memref_slice %arg7[%arg0, %mul3A_242, %dma_start3A] : memref<2x10000x128xf32, #tpu.memory_space<hbm>> -> memref<1x40x128xf32, #tpu.memory_space<hbm>>
        %dma_start3A_244 = tpu.memref_squeeze %dma_start3A_243 : memref<1x40x128xf32, #tpu.memory_space<hbm>> -> memref<40x128xf32, #tpu.memory_space<hbm>>
        %dma_start3A_245 = arith.constant 0 : i32
        %dma_start3A_246 = tpu.memref_slice %arg20[%mul3A_242, %dma_start3A_245] : memref<10000x128xf32, #tpu.memory_space<vmem_shared>> -> memref<40x128xf32, #tpu.memory_space<vmem_shared>>
        tpu.enqueue_dma source(%dma_start3A_246 : memref<40x128xf32, #tpu.memory_space<vmem_shared>>) target(%dma_start3A_244 : memref<40x128xf32, #tpu.memory_space<hbm>>) target_semaphore(%run_scoped3A : memref<!tpu.dma_semaphore, #tpu.memory_space<semaphore_mem>>)
        %dma_wait3A = arith.constant 0 : i32
        %dma_wait3A_247 = tpu.memref_slice %arg7[%arg0, %mul3A_242, %dma_wait3A] : memref<2x10000x128xf32, #tpu.memory_space<hbm>> -> memref<1x40x128xf32, #tpu.memory_space<hbm>>
        %dma_wait3A_248 = tpu.memref_squeeze %dma_wait3A_247 : memref<1x40x128xf32, #tpu.memory_space<hbm>> -> memref<40x128xf32, #tpu.memory_space<hbm>>
        %dma_wait3A_249 = arith.constant 0 : i32
        %dma_wait3A_250 = tpu.memref_slice %arg20[%mul3A_242, %dma_wait3A_249] : memref<10000x128xf32, #tpu.memory_space<vmem_shared>> -> memref<40x128xf32, #tpu.memory_space<vmem_shared>>
        tpu.wait_dma2 semaphore(%run_scoped3A : memref<!tpu.dma_semaphore, #tpu.memory_space<semaphore_mem>>) src(%dma_wait3A_250 : memref<40x128xf32, #tpu.memory_space<vmem_shared>>) dst(%dma_wait3A_248 : memref<40x128xf32, #tpu.memory_space<hbm>>)
        tpu.yield
      }) : () -> ()
    } else {
    }
    %add3A_143 = arith.constant 32 : i32
    %add3A_144 = arith.addi %arg1, %add3A_143 : i32
    %lt3A_145 = arith.constant 250 : i32
    %lt3A_146 = arith.cmpi slt, %add3A_144, %lt3A_145 : i32
    %convert_element_type3A_147 = arith.extui %lt3A_146 : i1 to i32
    %cond3A_148 = arith.constant 0 : i32
    %cond3A_149 = arith.cmpi ne, %convert_element_type3A_147, %cond3A_148 : i32
    scf.if %cond3A_149 {
      %mul3A_241 = arith.constant 40 : i32
      %mul3A_242 = arith.muli %add3A_144, %mul3A_241 : i32
      "tpu.region"() ({
        %run_scoped3A = tpu.sem_alloc : memref<!tpu.dma_semaphore, #tpu.memory_space<semaphore_mem>>
        %dma_start3A = arith.constant 0 : i32
        %dma_start3A_243 = tpu.memref_slice %arg7[%arg0, %mul3A_242, %dma_start3A] : memref<2x10000x128xf32, #tpu.memory_space<hbm>> -> memref<1x40x128xf32, #tpu.memory_space<hbm>>
        %dma_start3A_244 = tpu.memref_squeeze %dma_start3A_243 : memref<1x40x128xf32, #tpu.memory_space<hbm>> -> memref<40x128xf32, #tpu.memory_space<hbm>>
        %dma_start3A_245 = arith.constant 0 : i32
        %dma_start3A_246 = tpu.memref_slice %arg20[%mul3A_242, %dma_start3A_245] : memref<10000x128xf32, #tpu.memory_space<vmem_shared>> -> memref<40x128xf32, #tpu.memory_space<vmem_shared>>
        tpu.enqueue_dma source(%dma_start3A_246 : memref<40x128xf32, #tpu.memory_space<vmem_shared>>) target(%dma_start3A_244 : memref<40x128xf32, #tpu.memory_space<hbm>>) target_semaphore(%run_scoped3A : memref<!tpu.dma_semaphore, #tpu.memory_space<semaphore_mem>>)
        %dma_wait3A = arith.constant 0 : i32
        %dma_wait3A_247 = tpu.memref_slice %arg7[%arg0, %mul3A_242, %dma_wait3A] : memref<2x10000x128xf32, #tpu.memory_space<hbm>> -> memref<1x40x128xf32, #tpu.memory_space<hbm>>
        %dma_wait3A_248 = tpu.memref_squeeze %dma_wait3A_247 : memref<1x40x128xf32, #tpu.memory_space<hbm>> -> memref<40x128xf32, #tpu.memory_space<hbm>>
        %dma_wait3A_249 = arith.constant 0 : i32
        %dma_wait3A_250 = tpu.memref_slice %arg20[%mul3A_242, %dma_wait3A_249] : memref<10000x128xf32, #tpu.memory_space<vmem_shared>> -> memref<40x128xf32, #tpu.memory_space<vmem_shared>>
        tpu.wait_dma2 semaphore(%run_scoped3A : memref<!tpu.dma_semaphore, #tpu.memory_space<semaphore_mem>>) src(%dma_wait3A_250 : memref<40x128xf32, #tpu.memory_space<vmem_shared>>) dst(%dma_wait3A_248 : memref<40x128xf32, #tpu.memory_space<hbm>>)
        tpu.yield
      }) : () -> ()
    } else {
    }
    %add3A_150 = arith.constant 48 : i32
    %add3A_151 = arith.addi %arg1, %add3A_150 : i32
    %lt3A_152 = arith.constant 250 : i32
    %lt3A_153 = arith.cmpi slt, %add3A_151, %lt3A_152 : i32
    %convert_element_type3A_154 = arith.extui %lt3A_153 : i1 to i32
    %cond3A_155 = arith.constant 0 : i32
    %cond3A_156 = arith.cmpi ne, %convert_element_type3A_154, %cond3A_155 : i32
    scf.if %cond3A_156 {
      %mul3A_241 = arith.constant 40 : i32
      %mul3A_242 = arith.muli %add3A_151, %mul3A_241 : i32
      "tpu.region"() ({
        %run_scoped3A = tpu.sem_alloc : memref<!tpu.dma_semaphore, #tpu.memory_space<semaphore_mem>>
        %dma_start3A = arith.constant 0 : i32
        %dma_start3A_243 = tpu.memref_slice %arg7[%arg0, %mul3A_242, %dma_start3A] : memref<2x10000x128xf32, #tpu.memory_space<hbm>> -> memref<1x40x128xf32, #tpu.memory_space<hbm>>
        %dma_start3A_244 = tpu.memref_squeeze %dma_start3A_243 : memref<1x40x128xf32, #tpu.memory_space<hbm>> -> memref<40x128xf32, #tpu.memory_space<hbm>>
        %dma_start3A_245 = arith.constant 0 : i32
        %dma_start3A_246 = tpu.memref_slice %arg20[%mul3A_242, %dma_start3A_245] : memref<10000x128xf32, #tpu.memory_space<vmem_shared>> -> memref<40x128xf32, #tpu.memory_space<vmem_shared>>
        tpu.enqueue_dma source(%dma_start3A_246 : memref<40x128xf32, #tpu.memory_space<vmem_shared>>) target(%dma_start3A_244 : memref<40x128xf32, #tpu.memory_space<hbm>>) target_semaphore(%run_scoped3A : memref<!tpu.dma_semaphore, #tpu.memory_space<semaphore_mem>>)
        %dma_wait3A = arith.constant 0 : i32
        %dma_wait3A_247 = tpu.memref_slice %arg7[%arg0, %mul3A_242, %dma_wait3A] : memref<2x10000x128xf32, #tpu.memory_space<hbm>> -> memref<1x40x128xf32, #tpu.memory_space<hbm>>
        %dma_wait3A_248 = tpu.memref_squeeze %dma_wait3A_247 : memref<1x40x128xf32, #tpu.memory_space<hbm>> -> memref<40x128xf32, #tpu.memory_space<hbm>>
        %dma_wait3A_249 = arith.constant 0 : i32
        %dma_wait3A_250 = tpu.memref_slice %arg20[%mul3A_242, %dma_wait3A_249] : memref<10000x128xf32, #tpu.memory_space<vmem_shared>> -> memref<40x128xf32, #tpu.memory_space<vmem_shared>>
        tpu.wait_dma2 semaphore(%run_scoped3A : memref<!tpu.dma_semaphore, #tpu.memory_space<semaphore_mem>>) src(%dma_wait3A_250 : memref<40x128xf32, #tpu.memory_space<vmem_shared>>) dst(%dma_wait3A_248 : memref<40x128xf32, #tpu.memory_space<hbm>>)
        tpu.yield
      }) : () -> ()
    } else {
    }
    %add3A_157 = arith.constant 64 : i32
    %add3A_158 = arith.addi %arg1, %add3A_157 : i32
    %lt3A_159 = arith.constant 250 : i32
    %lt3A_160 = arith.cmpi slt, %add3A_158, %lt3A_159 : i32
    %convert_element_type3A_161 = arith.extui %lt3A_160 : i1 to i32
    %cond3A_162 = arith.constant 0 : i32
    %cond3A_163 = arith.cmpi ne, %convert_element_type3A_161, %cond3A_162 : i32
    scf.if %cond3A_163 {
      %mul3A_241 = arith.constant 40 : i32
      %mul3A_242 = arith.muli %add3A_158, %mul3A_241 : i32
      "tpu.region"() ({
        %run_scoped3A = tpu.sem_alloc : memref<!tpu.dma_semaphore, #tpu.memory_space<semaphore_mem>>
        %dma_start3A = arith.constant 0 : i32
        %dma_start3A_243 = tpu.memref_slice %arg7[%arg0, %mul3A_242, %dma_start3A] : memref<2x10000x128xf32, #tpu.memory_space<hbm>> -> memref<1x40x128xf32, #tpu.memory_space<hbm>>
        %dma_start3A_244 = tpu.memref_squeeze %dma_start3A_243 : memref<1x40x128xf32, #tpu.memory_space<hbm>> -> memref<40x128xf32, #tpu.memory_space<hbm>>
        %dma_start3A_245 = arith.constant 0 : i32
        %dma_start3A_246 = tpu.memref_slice %arg20[%mul3A_242, %dma_start3A_245] : memref<10000x128xf32, #tpu.memory_space<vmem_shared>> -> memref<40x128xf32, #tpu.memory_space<vmem_shared>>
        tpu.enqueue_dma source(%dma_start3A_246 : memref<40x128xf32, #tpu.memory_space<vmem_shared>>) target(%dma_start3A_244 : memref<40x128xf32, #tpu.memory_space<hbm>>) target_semaphore(%run_scoped3A : memref<!tpu.dma_semaphore, #tpu.memory_space<semaphore_mem>>)
        %dma_wait3A = arith.constant 0 : i32
        %dma_wait3A_247 = tpu.memref_slice %arg7[%arg0, %mul3A_242, %dma_wait3A] : memref<2x10000x128xf32, #tpu.memory_space<hbm>> -> memref<1x40x128xf32, #tpu.memory_space<hbm>>
        %dma_wait3A_248 = tpu.memref_squeeze %dma_wait3A_247 : memref<1x40x128xf32, #tpu.memory_space<hbm>> -> memref<40x128xf32, #tpu.memory_space<hbm>>
        %dma_wait3A_249 = arith.constant 0 : i32
        %dma_wait3A_250 = tpu.memref_slice %arg20[%mul3A_242, %dma_wait3A_249] : memref<10000x128xf32, #tpu.memory_space<vmem_shared>> -> memref<40x128xf32, #tpu.memory_space<vmem_shared>>
        tpu.wait_dma2 semaphore(%run_scoped3A : memref<!tpu.dma_semaphore, #tpu.memory_space<semaphore_mem>>) src(%dma_wait3A_250 : memref<40x128xf32, #tpu.memory_space<vmem_shared>>) dst(%dma_wait3A_248 : memref<40x128xf32, #tpu.memory_space<hbm>>)
        tpu.yield
      }) : () -> ()
    } else {
    }
    %add3A_164 = arith.constant 80 : i32
    %add3A_165 = arith.addi %arg1, %add3A_164 : i32
    %lt3A_166 = arith.constant 250 : i32
    %lt3A_167 = arith.cmpi slt, %add3A_165, %lt3A_166 : i32
    %convert_element_type3A_168 = arith.extui %lt3A_167 : i1 to i32
    %cond3A_169 = arith.constant 0 : i32
    %cond3A_170 = arith.cmpi ne, %convert_element_type3A_168, %cond3A_169 : i32
    scf.if %cond3A_170 {
      %mul3A_241 = arith.constant 40 : i32
      %mul3A_242 = arith.muli %add3A_165, %mul3A_241 : i32
      "tpu.region"() ({
        %run_scoped3A = tpu.sem_alloc : memref<!tpu.dma_semaphore, #tpu.memory_space<semaphore_mem>>
        %dma_start3A = arith.constant 0 : i32
        %dma_start3A_243 = tpu.memref_slice %arg7[%arg0, %mul3A_242, %dma_start3A] : memref<2x10000x128xf32, #tpu.memory_space<hbm>> -> memref<1x40x128xf32, #tpu.memory_space<hbm>>
        %dma_start3A_244 = tpu.memref_squeeze %dma_start3A_243 : memref<1x40x128xf32, #tpu.memory_space<hbm>> -> memref<40x128xf32, #tpu.memory_space<hbm>>
        %dma_start3A_245 = arith.constant 0 : i32
        %dma_start3A_246 = tpu.memref_slice %arg20[%mul3A_242, %dma_start3A_245] : memref<10000x128xf32, #tpu.memory_space<vmem_shared>> -> memref<40x128xf32, #tpu.memory_space<vmem_shared>>
        tpu.enqueue_dma source(%dma_start3A_246 : memref<40x128xf32, #tpu.memory_space<vmem_shared>>) target(%dma_start3A_244 : memref<40x128xf32, #tpu.memory_space<hbm>>) target_semaphore(%run_scoped3A : memref<!tpu.dma_semaphore, #tpu.memory_space<semaphore_mem>>)
        %dma_wait3A = arith.constant 0 : i32
        %dma_wait3A_247 = tpu.memref_slice %arg7[%arg0, %mul3A_242, %dma_wait3A] : memref<2x10000x128xf32, #tpu.memory_space<hbm>> -> memref<1x40x128xf32, #tpu.memory_space<hbm>>
        %dma_wait3A_248 = tpu.memref_squeeze %dma_wait3A_247 : memref<1x40x128xf32, #tpu.memory_space<hbm>> -> memref<40x128xf32, #tpu.memory_space<hbm>>
        %dma_wait3A_249 = arith.constant 0 : i32
        %dma_wait3A_250 = tpu.memref_slice %arg20[%mul3A_242, %dma_wait3A_249] : memref<10000x128xf32, #tpu.memory_space<vmem_shared>> -> memref<40x128xf32, #tpu.memory_space<vmem_shared>>
        tpu.wait_dma2 semaphore(%run_scoped3A : memref<!tpu.dma_semaphore, #tpu.memory_space<semaphore_mem>>) src(%dma_wait3A_250 : memref<40x128xf32, #tpu.memory_space<vmem_shared>>) dst(%dma_wait3A_248 : memref<40x128xf32, #tpu.memory_space<hbm>>)
        tpu.yield
      }) : () -> ()
    } else {
    }
    %add3A_171 = arith.constant 96 : i32
    %add3A_172 = arith.addi %arg1, %add3A_171 : i32
    %lt3A_173 = arith.constant 250 : i32
    %lt3A_174 = arith.cmpi slt, %add3A_172, %lt3A_173 : i32
    %convert_element_type3A_175 = arith.extui %lt3A_174 : i1 to i32
    %cond3A_176 = arith.constant 0 : i32
    %cond3A_177 = arith.cmpi ne, %convert_element_type3A_175, %cond3A_176 : i32
    scf.if %cond3A_177 {
      %mul3A_241 = arith.constant 40 : i32
      %mul3A_242 = arith.muli %add3A_172, %mul3A_241 : i32
      "tpu.region"() ({
        %run_scoped3A = tpu.sem_alloc : memref<!tpu.dma_semaphore, #tpu.memory_space<semaphore_mem>>
        %dma_start3A = arith.constant 0 : i32
        %dma_start3A_243 = tpu.memref_slice %arg7[%arg0, %mul3A_242, %dma_start3A] : memref<2x10000x128xf32, #tpu.memory_space<hbm>> -> memref<1x40x128xf32, #tpu.memory_space<hbm>>
        %dma_start3A_244 = tpu.memref_squeeze %dma_start3A_243 : memref<1x40x128xf32, #tpu.memory_space<hbm>> -> memref<40x128xf32, #tpu.memory_space<hbm>>
        %dma_start3A_245 = arith.constant 0 : i32
        %dma_start3A_246 = tpu.memref_slice %arg20[%mul3A_242, %dma_start3A_245] : memref<10000x128xf32, #tpu.memory_space<vmem_shared>> -> memref<40x128xf32, #tpu.memory_space<vmem_shared>>
        tpu.enqueue_dma source(%dma_start3A_246 : memref<40x128xf32, #tpu.memory_space<vmem_shared>>) target(%dma_start3A_244 : memref<40x128xf32, #tpu.memory_space<hbm>>) target_semaphore(%run_scoped3A : memref<!tpu.dma_semaphore, #tpu.memory_space<semaphore_mem>>)
        %dma_wait3A = arith.constant 0 : i32
        %dma_wait3A_247 = tpu.memref_slice %arg7[%arg0, %mul3A_242, %dma_wait3A] : memref<2x10000x128xf32, #tpu.memory_space<hbm>> -> memref<1x40x128xf32, #tpu.memory_space<hbm>>
        %dma_wait3A_248 = tpu.memref_squeeze %dma_wait3A_247 : memref<1x40x128xf32, #tpu.memory_space<hbm>> -> memref<40x128xf32, #tpu.memory_space<hbm>>
        %dma_wait3A_249 = arith.constant 0 : i32
        %dma_wait3A_250 = tpu.memref_slice %arg20[%mul3A_242, %dma_wait3A_249] : memref<10000x128xf32, #tpu.memory_space<vmem_shared>> -> memref<40x128xf32, #tpu.memory_space<vmem_shared>>
        tpu.wait_dma2 semaphore(%run_scoped3A : memref<!tpu.dma_semaphore, #tpu.memory_space<semaphore_mem>>) src(%dma_wait3A_250 : memref<40x128xf32, #tpu.memory_space<vmem_shared>>) dst(%dma_wait3A_248 : memref<40x128xf32, #tpu.memory_space<hbm>>)
        tpu.yield
      }) : () -> ()
    } else {
    }
    %add3A_178 = arith.constant 112 : i32
    %add3A_179 = arith.addi %arg1, %add3A_178 : i32
    %lt3A_180 = arith.constant 250 : i32
    %lt3A_181 = arith.cmpi slt, %add3A_179, %lt3A_180 : i32
    %convert_element_type3A_182 = arith.extui %lt3A_181 : i1 to i32
    %cond3A_183 = arith.constant 0 : i32
    %cond3A_184 = arith.cmpi ne, %convert_element_type3A_182, %cond3A_183 : i32
    scf.if %cond3A_184 {
      %mul3A_241 = arith.constant 40 : i32
      %mul3A_242 = arith.muli %add3A_179, %mul3A_241 : i32
      "tpu.region"() ({
        %run_scoped3A = tpu.sem_alloc : memref<!tpu.dma_semaphore, #tpu.memory_space<semaphore_mem>>
        %dma_start3A = arith.constant 0 : i32
        %dma_start3A_243 = tpu.memref_slice %arg7[%arg0, %mul3A_242, %dma_start3A] : memref<2x10000x128xf32, #tpu.memory_space<hbm>> -> memref<1x40x128xf32, #tpu.memory_space<hbm>>
        %dma_start3A_244 = tpu.memref_squeeze %dma_start3A_243 : memref<1x40x128xf32, #tpu.memory_space<hbm>> -> memref<40x128xf32, #tpu.memory_space<hbm>>
        %dma_start3A_245 = arith.constant 0 : i32
        %dma_start3A_246 = tpu.memref_slice %arg20[%mul3A_242, %dma_start3A_245] : memref<10000x128xf32, #tpu.memory_space<vmem_shared>> -> memref<40x128xf32, #tpu.memory_space<vmem_shared>>
        tpu.enqueue_dma source(%dma_start3A_246 : memref<40x128xf32, #tpu.memory_space<vmem_shared>>) target(%dma_start3A_244 : memref<40x128xf32, #tpu.memory_space<hbm>>) target_semaphore(%run_scoped3A : memref<!tpu.dma_semaphore, #tpu.memory_space<semaphore_mem>>)
        %dma_wait3A = arith.constant 0 : i32
        %dma_wait3A_247 = tpu.memref_slice %arg7[%arg0, %mul3A_242, %dma_wait3A] : memref<2x10000x128xf32, #tpu.memory_space<hbm>> -> memref<1x40x128xf32, #tpu.memory_space<hbm>>
        %dma_wait3A_248 = tpu.memref_squeeze %dma_wait3A_247 : memref<1x40x128xf32, #tpu.memory_space<hbm>> -> memref<40x128xf32, #tpu.memory_space<hbm>>
        %dma_wait3A_249 = arith.constant 0 : i32
        %dma_wait3A_250 = tpu.memref_slice %arg20[%mul3A_242, %dma_wait3A_249] : memref<10000x128xf32, #tpu.memory_space<vmem_shared>> -> memref<40x128xf32, #tpu.memory_space<vmem_shared>>
        tpu.wait_dma2 semaphore(%run_scoped3A : memref<!tpu.dma_semaphore, #tpu.memory_space<semaphore_mem>>) src(%dma_wait3A_250 : memref<40x128xf32, #tpu.memory_space<vmem_shared>>) dst(%dma_wait3A_248 : memref<40x128xf32, #tpu.memory_space<hbm>>)
        tpu.yield
      }) : () -> ()
    } else {
    }
    %add3A_185 = arith.constant 128 : i32
    %add3A_186 = arith.addi %arg1, %add3A_185 : i32
    %lt3A_187 = arith.constant 250 : i32
    %lt3A_188 = arith.cmpi slt, %add3A_186, %lt3A_187 : i32
    %convert_element_type3A_189 = arith.extui %lt3A_188 : i1 to i32
    %cond3A_190 = arith.constant 0 : i32
    %cond3A_191 = arith.cmpi ne, %convert_element_type3A_189, %cond3A_190 : i32
    scf.if %cond3A_191 {
      %mul3A_241 = arith.constant 40 : i32
      %mul3A_242 = arith.muli %add3A_186, %mul3A_241 : i32
      "tpu.region"() ({
        %run_scoped3A = tpu.sem_alloc : memref<!tpu.dma_semaphore, #tpu.memory_space<semaphore_mem>>
        %dma_start3A = arith.constant 0 : i32
        %dma_start3A_243 = tpu.memref_slice %arg7[%arg0, %mul3A_242, %dma_start3A] : memref<2x10000x128xf32, #tpu.memory_space<hbm>> -> memref<1x40x128xf32, #tpu.memory_space<hbm>>
        %dma_start3A_244 = tpu.memref_squeeze %dma_start3A_243 : memref<1x40x128xf32, #tpu.memory_space<hbm>> -> memref<40x128xf32, #tpu.memory_space<hbm>>
        %dma_start3A_245 = arith.constant 0 : i32
        %dma_start3A_246 = tpu.memref_slice %arg20[%mul3A_242, %dma_start3A_245] : memref<10000x128xf32, #tpu.memory_space<vmem_shared>> -> memref<40x128xf32, #tpu.memory_space<vmem_shared>>
        tpu.enqueue_dma source(%dma_start3A_246 : memref<40x128xf32, #tpu.memory_space<vmem_shared>>) target(%dma_start3A_244 : memref<40x128xf32, #tpu.memory_space<hbm>>) target_semaphore(%run_scoped3A : memref<!tpu.dma_semaphore, #tpu.memory_space<semaphore_mem>>)
        %dma_wait3A = arith.constant 0 : i32
        %dma_wait3A_247 = tpu.memref_slice %arg7[%arg0, %mul3A_242, %dma_wait3A] : memref<2x10000x128xf32, #tpu.memory_space<hbm>> -> memref<1x40x128xf32, #tpu.memory_space<hbm>>
        %dma_wait3A_248 = tpu.memref_squeeze %dma_wait3A_247 : memref<1x40x128xf32, #tpu.memory_space<hbm>> -> memref<40x128xf32, #tpu.memory_space<hbm>>
        %dma_wait3A_249 = arith.constant 0 : i32
        %dma_wait3A_250 = tpu.memref_slice %arg20[%mul3A_242, %dma_wait3A_249] : memref<10000x128xf32, #tpu.memory_space<vmem_shared>> -> memref<40x128xf32, #tpu.memory_space<vmem_shared>>
        tpu.wait_dma2 semaphore(%run_scoped3A : memref<!tpu.dma_semaphore, #tpu.memory_space<semaphore_mem>>) src(%dma_wait3A_250 : memref<40x128xf32, #tpu.memory_space<vmem_shared>>) dst(%dma_wait3A_248 : memref<40x128xf32, #tpu.memory_space<hbm>>)
        tpu.yield
      }) : () -> ()
    } else {
    }
    %add3A_192 = arith.constant 144 : i32
    %add3A_193 = arith.addi %arg1, %add3A_192 : i32
    %lt3A_194 = arith.constant 250 : i32
    %lt3A_195 = arith.cmpi slt, %add3A_193, %lt3A_194 : i32
    %convert_element_type3A_196 = arith.extui %lt3A_195 : i1 to i32
    %cond3A_197 = arith.constant 0 : i32
    %cond3A_198 = arith.cmpi ne, %convert_element_type3A_196, %cond3A_197 : i32
    scf.if %cond3A_198 {
      %mul3A_241 = arith.constant 40 : i32
      %mul3A_242 = arith.muli %add3A_193, %mul3A_241 : i32
      "tpu.region"() ({
        %run_scoped3A = tpu.sem_alloc : memref<!tpu.dma_semaphore, #tpu.memory_space<semaphore_mem>>
        %dma_start3A = arith.constant 0 : i32
        %dma_start3A_243 = tpu.memref_slice %arg7[%arg0, %mul3A_242, %dma_start3A] : memref<2x10000x128xf32, #tpu.memory_space<hbm>> -> memref<1x40x128xf32, #tpu.memory_space<hbm>>
        %dma_start3A_244 = tpu.memref_squeeze %dma_start3A_243 : memref<1x40x128xf32, #tpu.memory_space<hbm>> -> memref<40x128xf32, #tpu.memory_space<hbm>>
        %dma_start3A_245 = arith.constant 0 : i32
        %dma_start3A_246 = tpu.memref_slice %arg20[%mul3A_242, %dma_start3A_245] : memref<10000x128xf32, #tpu.memory_space<vmem_shared>> -> memref<40x128xf32, #tpu.memory_space<vmem_shared>>
        tpu.enqueue_dma source(%dma_start3A_246 : memref<40x128xf32, #tpu.memory_space<vmem_shared>>) target(%dma_start3A_244 : memref<40x128xf32, #tpu.memory_space<hbm>>) target_semaphore(%run_scoped3A : memref<!tpu.dma_semaphore, #tpu.memory_space<semaphore_mem>>)
        %dma_wait3A = arith.constant 0 : i32
        %dma_wait3A_247 = tpu.memref_slice %arg7[%arg0, %mul3A_242, %dma_wait3A] : memref<2x10000x128xf32, #tpu.memory_space<hbm>> -> memref<1x40x128xf32, #tpu.memory_space<hbm>>
        %dma_wait3A_248 = tpu.memref_squeeze %dma_wait3A_247 : memref<1x40x128xf32, #tpu.memory_space<hbm>> -> memref<40x128xf32, #tpu.memory_space<hbm>>
        %dma_wait3A_249 = arith.constant 0 : i32
        %dma_wait3A_250 = tpu.memref_slice %arg20[%mul3A_242, %dma_wait3A_249] : memref<10000x128xf32, #tpu.memory_space<vmem_shared>> -> memref<40x128xf32, #tpu.memory_space<vmem_shared>>
        tpu.wait_dma2 semaphore(%run_scoped3A : memref<!tpu.dma_semaphore, #tpu.memory_space<semaphore_mem>>) src(%dma_wait3A_250 : memref<40x128xf32, #tpu.memory_space<vmem_shared>>) dst(%dma_wait3A_248 : memref<40x128xf32, #tpu.memory_space<hbm>>)
        tpu.yield
      }) : () -> ()
    } else {
    }
    %add3A_199 = arith.constant 160 : i32
    %add3A_200 = arith.addi %arg1, %add3A_199 : i32
    %lt3A_201 = arith.constant 250 : i32
    %lt3A_202 = arith.cmpi slt, %add3A_200, %lt3A_201 : i32
    %convert_element_type3A_203 = arith.extui %lt3A_202 : i1 to i32
    %cond3A_204 = arith.constant 0 : i32
    %cond3A_205 = arith.cmpi ne, %convert_element_type3A_203, %cond3A_204 : i32
    scf.if %cond3A_205 {
      %mul3A_241 = arith.constant 40 : i32
      %mul3A_242 = arith.muli %add3A_200, %mul3A_241 : i32
      "tpu.region"() ({
        %run_scoped3A = tpu.sem_alloc : memref<!tpu.dma_semaphore, #tpu.memory_space<semaphore_mem>>
        %dma_start3A = arith.constant 0 : i32
        %dma_start3A_243 = tpu.memref_slice %arg7[%arg0, %mul3A_242, %dma_start3A] : memref<2x10000x128xf32, #tpu.memory_space<hbm>> -> memref<1x40x128xf32, #tpu.memory_space<hbm>>
        %dma_start3A_244 = tpu.memref_squeeze %dma_start3A_243 : memref<1x40x128xf32, #tpu.memory_space<hbm>> -> memref<40x128xf32, #tpu.memory_space<hbm>>
        %dma_start3A_245 = arith.constant 0 : i32
        %dma_start3A_246 = tpu.memref_slice %arg20[%mul3A_242, %dma_start3A_245] : memref<10000x128xf32, #tpu.memory_space<vmem_shared>> -> memref<40x128xf32, #tpu.memory_space<vmem_shared>>
        tpu.enqueue_dma source(%dma_start3A_246 : memref<40x128xf32, #tpu.memory_space<vmem_shared>>) target(%dma_start3A_244 : memref<40x128xf32, #tpu.memory_space<hbm>>) target_semaphore(%run_scoped3A : memref<!tpu.dma_semaphore, #tpu.memory_space<semaphore_mem>>)
        %dma_wait3A = arith.constant 0 : i32
        %dma_wait3A_247 = tpu.memref_slice %arg7[%arg0, %mul3A_242, %dma_wait3A] : memref<2x10000x128xf32, #tpu.memory_space<hbm>> -> memref<1x40x128xf32, #tpu.memory_space<hbm>>
        %dma_wait3A_248 = tpu.memref_squeeze %dma_wait3A_247 : memref<1x40x128xf32, #tpu.memory_space<hbm>> -> memref<40x128xf32, #tpu.memory_space<hbm>>
        %dma_wait3A_249 = arith.constant 0 : i32
        %dma_wait3A_250 = tpu.memref_slice %arg20[%mul3A_242, %dma_wait3A_249] : memref<10000x128xf32, #tpu.memory_space<vmem_shared>> -> memref<40x128xf32, #tpu.memory_space<vmem_shared>>
        tpu.wait_dma2 semaphore(%run_scoped3A : memref<!tpu.dma_semaphore, #tpu.memory_space<semaphore_mem>>) src(%dma_wait3A_250 : memref<40x128xf32, #tpu.memory_space<vmem_shared>>) dst(%dma_wait3A_248 : memref<40x128xf32, #tpu.memory_space<hbm>>)
        tpu.yield
      }) : () -> ()
    } else {
    }
    %add3A_206 = arith.constant 176 : i32
    %add3A_207 = arith.addi %arg1, %add3A_206 : i32
    %lt3A_208 = arith.constant 250 : i32
    %lt3A_209 = arith.cmpi slt, %add3A_207, %lt3A_208 : i32
    %convert_element_type3A_210 = arith.extui %lt3A_209 : i1 to i32
    %cond3A_211 = arith.constant 0 : i32
    %cond3A_212 = arith.cmpi ne, %convert_element_type3A_210, %cond3A_211 : i32
    scf.if %cond3A_212 {
      %mul3A_241 = arith.constant 40 : i32
      %mul3A_242 = arith.muli %add3A_207, %mul3A_241 : i32
      "tpu.region"() ({
        %run_scoped3A = tpu.sem_alloc : memref<!tpu.dma_semaphore, #tpu.memory_space<semaphore_mem>>
        %dma_start3A = arith.constant 0 : i32
        %dma_start3A_243 = tpu.memref_slice %arg7[%arg0, %mul3A_242, %dma_start3A] : memref<2x10000x128xf32, #tpu.memory_space<hbm>> -> memref<1x40x128xf32, #tpu.memory_space<hbm>>
        %dma_start3A_244 = tpu.memref_squeeze %dma_start3A_243 : memref<1x40x128xf32, #tpu.memory_space<hbm>> -> memref<40x128xf32, #tpu.memory_space<hbm>>
        %dma_start3A_245 = arith.constant 0 : i32
        %dma_start3A_246 = tpu.memref_slice %arg20[%mul3A_242, %dma_start3A_245] : memref<10000x128xf32, #tpu.memory_space<vmem_shared>> -> memref<40x128xf32, #tpu.memory_space<vmem_shared>>
        tpu.enqueue_dma source(%dma_start3A_246 : memref<40x128xf32, #tpu.memory_space<vmem_shared>>) target(%dma_start3A_244 : memref<40x128xf32, #tpu.memory_space<hbm>>) target_semaphore(%run_scoped3A : memref<!tpu.dma_semaphore, #tpu.memory_space<semaphore_mem>>)
        %dma_wait3A = arith.constant 0 : i32
        %dma_wait3A_247 = tpu.memref_slice %arg7[%arg0, %mul3A_242, %dma_wait3A] : memref<2x10000x128xf32, #tpu.memory_space<hbm>> -> memref<1x40x128xf32, #tpu.memory_space<hbm>>
        %dma_wait3A_248 = tpu.memref_squeeze %dma_wait3A_247 : memref<1x40x128xf32, #tpu.memory_space<hbm>> -> memref<40x128xf32, #tpu.memory_space<hbm>>
        %dma_wait3A_249 = arith.constant 0 : i32
        %dma_wait3A_250 = tpu.memref_slice %arg20[%mul3A_242, %dma_wait3A_249] : memref<10000x128xf32, #tpu.memory_space<vmem_shared>> -> memref<40x128xf32, #tpu.memory_space<vmem_shared>>
        tpu.wait_dma2 semaphore(%run_scoped3A : memref<!tpu.dma_semaphore, #tpu.memory_space<semaphore_mem>>) src(%dma_wait3A_250 : memref<40x128xf32, #tpu.memory_space<vmem_shared>>) dst(%dma_wait3A_248 : memref<40x128xf32, #tpu.memory_space<hbm>>)
        tpu.yield
      }) : () -> ()
    } else {
    }
    %add3A_213 = arith.constant 192 : i32
    %add3A_214 = arith.addi %arg1, %add3A_213 : i32
    %lt3A_215 = arith.constant 250 : i32
    %lt3A_216 = arith.cmpi slt, %add3A_214, %lt3A_215 : i32
    %convert_element_type3A_217 = arith.extui %lt3A_216 : i1 to i32
    %cond3A_218 = arith.constant 0 : i32
    %cond3A_219 = arith.cmpi ne, %convert_element_type3A_217, %cond3A_218 : i32
    scf.if %cond3A_219 {
      %mul3A_241 = arith.constant 40 : i32
      %mul3A_242 = arith.muli %add3A_214, %mul3A_241 : i32
      "tpu.region"() ({
        %run_scoped3A = tpu.sem_alloc : memref<!tpu.dma_semaphore, #tpu.memory_space<semaphore_mem>>
        %dma_start3A = arith.constant 0 : i32
        %dma_start3A_243 = tpu.memref_slice %arg7[%arg0, %mul3A_242, %dma_start3A] : memref<2x10000x128xf32, #tpu.memory_space<hbm>> -> memref<1x40x128xf32, #tpu.memory_space<hbm>>
        %dma_start3A_244 = tpu.memref_squeeze %dma_start3A_243 : memref<1x40x128xf32, #tpu.memory_space<hbm>> -> memref<40x128xf32, #tpu.memory_space<hbm>>
        %dma_start3A_245 = arith.constant 0 : i32
        %dma_start3A_246 = tpu.memref_slice %arg20[%mul3A_242, %dma_start3A_245] : memref<10000x128xf32, #tpu.memory_space<vmem_shared>> -> memref<40x128xf32, #tpu.memory_space<vmem_shared>>
        tpu.enqueue_dma source(%dma_start3A_246 : memref<40x128xf32, #tpu.memory_space<vmem_shared>>) target(%dma_start3A_244 : memref<40x128xf32, #tpu.memory_space<hbm>>) target_semaphore(%run_scoped3A : memref<!tpu.dma_semaphore, #tpu.memory_space<semaphore_mem>>)
        %dma_wait3A = arith.constant 0 : i32
        %dma_wait3A_247 = tpu.memref_slice %arg7[%arg0, %mul3A_242, %dma_wait3A] : memref<2x10000x128xf32, #tpu.memory_space<hbm>> -> memref<1x40x128xf32, #tpu.memory_space<hbm>>
        %dma_wait3A_248 = tpu.memref_squeeze %dma_wait3A_247 : memref<1x40x128xf32, #tpu.memory_space<hbm>> -> memref<40x128xf32, #tpu.memory_space<hbm>>
        %dma_wait3A_249 = arith.constant 0 : i32
        %dma_wait3A_250 = tpu.memref_slice %arg20[%mul3A_242, %dma_wait3A_249] : memref<10000x128xf32, #tpu.memory_space<vmem_shared>> -> memref<40x128xf32, #tpu.memory_space<vmem_shared>>
        tpu.wait_dma2 semaphore(%run_scoped3A : memref<!tpu.dma_semaphore, #tpu.memory_space<semaphore_mem>>) src(%dma_wait3A_250 : memref<40x128xf32, #tpu.memory_space<vmem_shared>>) dst(%dma_wait3A_248 : memref<40x128xf32, #tpu.memory_space<hbm>>)
        tpu.yield
      }) : () -> ()
    } else {
    }
    %add3A_220 = arith.constant 208 : i32
    %add3A_221 = arith.addi %arg1, %add3A_220 : i32
    %lt3A_222 = arith.constant 250 : i32
    %lt3A_223 = arith.cmpi slt, %add3A_221, %lt3A_222 : i32
    %convert_element_type3A_224 = arith.extui %lt3A_223 : i1 to i32
    %cond3A_225 = arith.constant 0 : i32
    %cond3A_226 = arith.cmpi ne, %convert_element_type3A_224, %cond3A_225 : i32
    scf.if %cond3A_226 {
      %mul3A_241 = arith.constant 40 : i32
      %mul3A_242 = arith.muli %add3A_221, %mul3A_241 : i32
      "tpu.region"() ({
        %run_scoped3A = tpu.sem_alloc : memref<!tpu.dma_semaphore, #tpu.memory_space<semaphore_mem>>
        %dma_start3A = arith.constant 0 : i32
        %dma_start3A_243 = tpu.memref_slice %arg7[%arg0, %mul3A_242, %dma_start3A] : memref<2x10000x128xf32, #tpu.memory_space<hbm>> -> memref<1x40x128xf32, #tpu.memory_space<hbm>>
        %dma_start3A_244 = tpu.memref_squeeze %dma_start3A_243 : memref<1x40x128xf32, #tpu.memory_space<hbm>> -> memref<40x128xf32, #tpu.memory_space<hbm>>
        %dma_start3A_245 = arith.constant 0 : i32
        %dma_start3A_246 = tpu.memref_slice %arg20[%mul3A_242, %dma_start3A_245] : memref<10000x128xf32, #tpu.memory_space<vmem_shared>> -> memref<40x128xf32, #tpu.memory_space<vmem_shared>>
        tpu.enqueue_dma source(%dma_start3A_246 : memref<40x128xf32, #tpu.memory_space<vmem_shared>>) target(%dma_start3A_244 : memref<40x128xf32, #tpu.memory_space<hbm>>) target_semaphore(%run_scoped3A : memref<!tpu.dma_semaphore, #tpu.memory_space<semaphore_mem>>)
        %dma_wait3A = arith.constant 0 : i32
        %dma_wait3A_247 = tpu.memref_slice %arg7[%arg0, %mul3A_242, %dma_wait3A] : memref<2x10000x128xf32, #tpu.memory_space<hbm>> -> memref<1x40x128xf32, #tpu.memory_space<hbm>>
        %dma_wait3A_248 = tpu.memref_squeeze %dma_wait3A_247 : memref<1x40x128xf32, #tpu.memory_space<hbm>> -> memref<40x128xf32, #tpu.memory_space<hbm>>
        %dma_wait3A_249 = arith.constant 0 : i32
        %dma_wait3A_250 = tpu.memref_slice %arg20[%mul3A_242, %dma_wait3A_249] : memref<10000x128xf32, #tpu.memory_space<vmem_shared>> -> memref<40x128xf32, #tpu.memory_space<vmem_shared>>
        tpu.wait_dma2 semaphore(%run_scoped3A : memref<!tpu.dma_semaphore, #tpu.memory_space<semaphore_mem>>) src(%dma_wait3A_250 : memref<40x128xf32, #tpu.memory_space<vmem_shared>>) dst(%dma_wait3A_248 : memref<40x128xf32, #tpu.memory_space<hbm>>)
        tpu.yield
      }) : () -> ()
    } else {
    }
    %add3A_227 = arith.constant 224 : i32
    %add3A_228 = arith.addi %arg1, %add3A_227 : i32
    %lt3A_229 = arith.constant 250 : i32
    %lt3A_230 = arith.cmpi slt, %add3A_228, %lt3A_229 : i32
    %convert_element_type3A_231 = arith.extui %lt3A_230 : i1 to i32
    %cond3A_232 = arith.constant 0 : i32
    %cond3A_233 = arith.cmpi ne, %convert_element_type3A_231, %cond3A_232 : i32
    scf.if %cond3A_233 {
      %mul3A_241 = arith.constant 40 : i32
      %mul3A_242 = arith.muli %add3A_228, %mul3A_241 : i32
      "tpu.region"() ({
        %run_scoped3A = tpu.sem_alloc : memref<!tpu.dma_semaphore, #tpu.memory_space<semaphore_mem>>
        %dma_start3A = arith.constant 0 : i32
        %dma_start3A_243 = tpu.memref_slice %arg7[%arg0, %mul3A_242, %dma_start3A] : memref<2x10000x128xf32, #tpu.memory_space<hbm>> -> memref<1x40x128xf32, #tpu.memory_space<hbm>>
        %dma_start3A_244 = tpu.memref_squeeze %dma_start3A_243 : memref<1x40x128xf32, #tpu.memory_space<hbm>> -> memref<40x128xf32, #tpu.memory_space<hbm>>
        %dma_start3A_245 = arith.constant 0 : i32
        %dma_start3A_246 = tpu.memref_slice %arg20[%mul3A_242, %dma_start3A_245] : memref<10000x128xf32, #tpu.memory_space<vmem_shared>> -> memref<40x128xf32, #tpu.memory_space<vmem_shared>>
        tpu.enqueue_dma source(%dma_start3A_246 : memref<40x128xf32, #tpu.memory_space<vmem_shared>>) target(%dma_start3A_244 : memref<40x128xf32, #tpu.memory_space<hbm>>) target_semaphore(%run_scoped3A : memref<!tpu.dma_semaphore, #tpu.memory_space<semaphore_mem>>)
        %dma_wait3A = arith.constant 0 : i32
        %dma_wait3A_247 = tpu.memref_slice %arg7[%arg0, %mul3A_242, %dma_wait3A] : memref<2x10000x128xf32, #tpu.memory_space<hbm>> -> memref<1x40x128xf32, #tpu.memory_space<hbm>>
        %dma_wait3A_248 = tpu.memref_squeeze %dma_wait3A_247 : memref<1x40x128xf32, #tpu.memory_space<hbm>> -> memref<40x128xf32, #tpu.memory_space<hbm>>
        %dma_wait3A_249 = arith.constant 0 : i32
        %dma_wait3A_250 = tpu.memref_slice %arg20[%mul3A_242, %dma_wait3A_249] : memref<10000x128xf32, #tpu.memory_space<vmem_shared>> -> memref<40x128xf32, #tpu.memory_space<vmem_shared>>
        tpu.wait_dma2 semaphore(%run_scoped3A : memref<!tpu.dma_semaphore, #tpu.memory_space<semaphore_mem>>) src(%dma_wait3A_250 : memref<40x128xf32, #tpu.memory_space<vmem_shared>>) dst(%dma_wait3A_248 : memref<40x128xf32, #tpu.memory_space<hbm>>)
        tpu.yield
      }) : () -> ()
    } else {
    }
    %add3A_234 = arith.constant 240 : i32
    %add3A_235 = arith.addi %arg1, %add3A_234 : i32
    %lt3A_236 = arith.constant 250 : i32
    %lt3A_237 = arith.cmpi slt, %add3A_235, %lt3A_236 : i32
    %convert_element_type3A_238 = arith.extui %lt3A_237 : i1 to i32
    %cond3A_239 = arith.constant 0 : i32
    %cond3A_240 = arith.cmpi ne, %convert_element_type3A_238, %cond3A_239 : i32
    scf.if %cond3A_240 {
      %mul3A_241 = arith.constant 40 : i32
      %mul3A_242 = arith.muli %add3A_235, %mul3A_241 : i32
      "tpu.region"() ({
        %run_scoped3A = tpu.sem_alloc : memref<!tpu.dma_semaphore, #tpu.memory_space<semaphore_mem>>
        %dma_start3A = arith.constant 0 : i32
        %dma_start3A_243 = tpu.memref_slice %arg7[%arg0, %mul3A_242, %dma_start3A] : memref<2x10000x128xf32, #tpu.memory_space<hbm>> -> memref<1x40x128xf32, #tpu.memory_space<hbm>>
        %dma_start3A_244 = tpu.memref_squeeze %dma_start3A_243 : memref<1x40x128xf32, #tpu.memory_space<hbm>> -> memref<40x128xf32, #tpu.memory_space<hbm>>
        %dma_start3A_245 = arith.constant 0 : i32
        %dma_start3A_246 = tpu.memref_slice %arg20[%mul3A_242, %dma_start3A_245] : memref<10000x128xf32, #tpu.memory_space<vmem_shared>> -> memref<40x128xf32, #tpu.memory_space<vmem_shared>>
        tpu.enqueue_dma source(%dma_start3A_246 : memref<40x128xf32, #tpu.memory_space<vmem_shared>>) target(%dma_start3A_244 : memref<40x128xf32, #tpu.memory_space<hbm>>) target_semaphore(%run_scoped3A : memref<!tpu.dma_semaphore, #tpu.memory_space<semaphore_mem>>)
        %dma_wait3A = arith.constant 0 : i32
        %dma_wait3A_247 = tpu.memref_slice %arg7[%arg0, %mul3A_242, %dma_wait3A] : memref<2x10000x128xf32, #tpu.memory_space<hbm>> -> memref<1x40x128xf32, #tpu.memory_space<hbm>>
        %dma_wait3A_248 = tpu.memref_squeeze %dma_wait3A_247 : memref<1x40x128xf32, #tpu.memory_space<hbm>> -> memref<40x128xf32, #tpu.memory_space<hbm>>
        %dma_wait3A_249 = arith.constant 0 : i32
        %dma_wait3A_250 = tpu.memref_slice %arg20[%mul3A_242, %dma_wait3A_249] : memref<10000x128xf32, #tpu.memory_space<vmem_shared>> -> memref<40x128xf32, #tpu.memory_space<vmem_shared>>
        tpu.wait_dma2 semaphore(%run_scoped3A : memref<!tpu.dma_semaphore, #tpu.memory_space<semaphore_mem>>) src(%dma_wait3A_250 : memref<40x128xf32, #tpu.memory_space<vmem_shared>>) dst(%dma_wait3A_248 : memref<40x128xf32, #tpu.memory_space<hbm>>)
        tpu.yield
      }) : () -> ()
    } else {
    }
    return
  }
}

#map = affine_map<(d0, d1) -> (0, 0)>
#map1 = affine_map<(d0, d1) -> (0)>
#map2 = affine_map<(d0, d1) -> (0, 0, 0)>
module attributes {stable_mosaic.version = 14 : i64} {
  func.func @sck(%arg0: i32, %arg1: i32, %arg2: memref<10000x128xf32, #tpu.memory_space<hbm>>, %arg3: memref<320000xi32, #tpu.memory_space<hbm>>, %arg4: memref<320000xi32, #tpu.memory_space<hbm>>, %arg5: memref<10000xi32, #tpu.memory_space<hbm>>, %arg6: memref<2x264x128xf32, #tpu.memory_space<hbm>>, %arg7: memref<80xi32, #tpu.memory_space<vmem>>, %arg8: memref<80xi32, #tpu.memory_space<vmem>>, %arg9: memref<80xi32, #tpu.memory_space<vmem>>, %arg10: memref<80xi32, #tpu.memory_space<vmem>>, %arg11: memref<80xi32, #tpu.memory_space<vmem>>, %arg12: memref<80xi32, #tpu.memory_space<vmem>>, %arg13: memref<10000xi32, #tpu.memory_space<vmem>>, %arg14: memref<80x128xf32, #tpu.memory_space<vmem>>, %arg15: memref<80x128xf32, #tpu.memory_space<vmem>>, %arg16: memref<264x128xf32, #tpu.memory_space<vmem_shared>>, %arg17: memref<!tpu.dma_semaphore, #tpu.memory_space<semaphore_mem>>, %arg18: memref<!tpu.dma_semaphore, #tpu.memory_space<semaphore_mem>>) attributes {dimension_semantics = [#tpu.dimension_semantics<core_parallel>, #tpu.dimension_semantics<subcore_parallel>], iteration_bounds = array<i64: 2, 16>, scalar_prefetch = 0 : i64, scratch_operands = 12 : i64, tpu.core_type = #tpu.core_type<sc_vector_subcore>, window_params = [{transform_indices = #map}, {transform_indices = #map1}, {transform_indices = #map1}, {transform_indices = #map1}, {transform_indices = #map2}]} {
    %mul3A = arith.constant 16 : i32
    %mul3A_0 = arith.muli %arg0, %mul3A : i32
    %add3A = arith.addi %mul3A_0, %arg1 : i32
    %scan3A = arith.constant 0 : i32
    %scan3A_1 = arith.constant 80 : i32
    %scan3A_2 = arith.addi %scan3A, %scan3A_1 : i32
    %scan3A_3 = arith.constant 1 : i32
    scf.for %scan3A_63 = %scan3A to %scan3A_2 step %scan3A_3  : i32 {
      %mul3A_64 = arith.constant 1 : i32
      %mul3A_65 = arith.muli %scan3A_63, %mul3A_64 : i32
      %add3A_66 = arith.constant 0 : i32
      %add3A_67 = arith.addi %add3A_66, %mul3A_65 : i32
      %broadcast_in_dim3A = arith.constant 0.000000e+00 : f32
      %broadcast_in_dim3A_68 = vector.broadcast %broadcast_in_dim3A : f32 to vector<16xf32>
      %swap3A_69 = arith.index_cast %add3A_67 : i32 to index
      %swap3A_70 = arith.constant 0 : index
      %swap3A_71 = tpu.vector_load %arg14[%swap3A_69, %swap3A_70] {strides = array<i32>} : memref<80x128xf32, #tpu.memory_space<vmem>>, vector<16xf32>,
      tpu.vector_store %arg14[%swap3A_69, %swap3A_70], %broadcast_in_dim3A_68 {strides = array<i32>} : memref<80x128xf32, #tpu.memory_space<vmem>>, vector<16xf32>,
      %swap3A_72 = arith.index_cast %add3A_67 : i32 to index
      %swap3A_73 = arith.constant 16 : index
      %swap3A_74 = tpu.vector_load %arg14[%swap3A_72, %swap3A_73] {strides = array<i32>} : memref<80x128xf32, #tpu.memory_space<vmem>>, vector<16xf32>,
      tpu.vector_store %arg14[%swap3A_72, %swap3A_73], %broadcast_in_dim3A_68 {strides = array<i32>} : memref<80x128xf32, #tpu.memory_space<vmem>>, vector<16xf32>,
      %swap3A_75 = arith.index_cast %add3A_67 : i32 to index
      %swap3A_76 = arith.constant 32 : index
      %swap3A_77 = tpu.vector_load %arg14[%swap3A_75, %swap3A_76] {strides = array<i32>} : memref<80x128xf32, #tpu.memory_space<vmem>>, vector<16xf32>,
      tpu.vector_store %arg14[%swap3A_75, %swap3A_76], %broadcast_in_dim3A_68 {strides = array<i32>} : memref<80x128xf32, #tpu.memory_space<vmem>>, vector<16xf32>,
      %swap3A_78 = arith.index_cast %add3A_67 : i32 to index
      %swap3A_79 = arith.constant 48 : index
      %swap3A_80 = tpu.vector_load %arg14[%swap3A_78, %swap3A_79] {strides = array<i32>} : memref<80x128xf32, #tpu.memory_space<vmem>>, vector<16xf32>,
      tpu.vector_store %arg14[%swap3A_78, %swap3A_79], %broadcast_in_dim3A_68 {strides = array<i32>} : memref<80x128xf32, #tpu.memory_space<vmem>>, vector<16xf32>,
      %swap3A_81 = arith.index_cast %add3A_67 : i32 to index
      %swap3A_82 = arith.constant 64 : index
      %swap3A_83 = tpu.vector_load %arg14[%swap3A_81, %swap3A_82] {strides = array<i32>} : memref<80x128xf32, #tpu.memory_space<vmem>>, vector<16xf32>,
      tpu.vector_store %arg14[%swap3A_81, %swap3A_82], %broadcast_in_dim3A_68 {strides = array<i32>} : memref<80x128xf32, #tpu.memory_space<vmem>>, vector<16xf32>,
      %swap3A_84 = arith.index_cast %add3A_67 : i32 to index
      %swap3A_85 = arith.constant 80 : index
      %swap3A_86 = tpu.vector_load %arg14[%swap3A_84, %swap3A_85] {strides = array<i32>} : memref<80x128xf32, #tpu.memory_space<vmem>>, vector<16xf32>,
      tpu.vector_store %arg14[%swap3A_84, %swap3A_85], %broadcast_in_dim3A_68 {strides = array<i32>} : memref<80x128xf32, #tpu.memory_space<vmem>>, vector<16xf32>,
      %swap3A_87 = arith.index_cast %add3A_67 : i32 to index
      %swap3A_88 = arith.constant 96 : index
      %swap3A_89 = tpu.vector_load %arg14[%swap3A_87, %swap3A_88] {strides = array<i32>} : memref<80x128xf32, #tpu.memory_space<vmem>>, vector<16xf32>,
      tpu.vector_store %arg14[%swap3A_87, %swap3A_88], %broadcast_in_dim3A_68 {strides = array<i32>} : memref<80x128xf32, #tpu.memory_space<vmem>>, vector<16xf32>,
      %swap3A_90 = arith.index_cast %add3A_67 : i32 to index
      %swap3A_91 = arith.constant 112 : index
      %swap3A_92 = tpu.vector_load %arg14[%swap3A_90, %swap3A_91] {strides = array<i32>} : memref<80x128xf32, #tpu.memory_space<vmem>>, vector<16xf32>,
      tpu.vector_store %arg14[%swap3A_90, %swap3A_91], %broadcast_in_dim3A_68 {strides = array<i32>} : memref<80x128xf32, #tpu.memory_space<vmem>>, vector<16xf32>,
    }
    %scan3A_4 = arith.constant 80 : i32
    %eq3A = arith.constant 0 : i32
    %eq3A_5 = arith.cmpi eq, %arg1, %eq3A : i32
    %convert_element_type3A = arith.extui %eq3A_5 : i1 to i32
    %cond3A = arith.constant 0 : i32
    %cond3A_6 = arith.cmpi ne, %convert_element_type3A, %cond3A : i32
    scf.if %cond3A_6 {
      "tpu.region"() ({
        %run_scoped3A = tpu.sem_alloc : memref<!tpu.dma_semaphore, #tpu.memory_space<semaphore_mem>>
        %dma_start3A_63 = arith.constant 0 : i32
        %dma_start3A_64 = arith.constant 0 : i32
        %dma_start3A_65 = tpu.memref_slice %arg14[%dma_start3A_63, %dma_start3A_64] : memref<80x128xf32, #tpu.memory_space<vmem>> -> memref<80x128xf32, #tpu.memory_space<vmem>>
        %dma_start3A_66 = arith.constant 0 : i32
        %dma_start3A_67 = arith.constant 0 : i32
        %dma_start3A_68 = tpu.memref_slice %arg16[%dma_start3A_66, %dma_start3A_67] : memref<264x128xf32, #tpu.memory_space<vmem_shared>> -> memref<80x128xf32, #tpu.memory_space<vmem_shared>>
        %dma_start3A_69 = arith.constant 0 : i32
        %dma_start3A_70 = arith.constant 0 : i32
        %dma_start3A_71 = tpu.memref_slice %arg16[%dma_start3A_69, %dma_start3A_70] : memref<264x128xf32, #tpu.memory_space<vmem_shared>> -> memref<80x128xf32, #tpu.memory_space<vmem_shared>>
        %dma_start3A_72 = arith.constant 0 : i32
        %dma_start3A_73 = arith.constant 0 : i32
        %dma_start3A_74 = tpu.memref_slice %arg14[%dma_start3A_72, %dma_start3A_73] : memref<80x128xf32, #tpu.memory_space<vmem>> -> memref<80x128xf32, #tpu.memory_space<vmem>>
        tpu.enqueue_dma source(%dma_start3A_74 : memref<80x128xf32, #tpu.memory_space<vmem>>) target(%dma_start3A_71 : memref<80x128xf32, #tpu.memory_space<vmem_shared>>) target_semaphore(%run_scoped3A : memref<!tpu.dma_semaphore, #tpu.memory_space<semaphore_mem>>)
        %dma_wait3A_75 = arith.constant 0 : i32
        %dma_wait3A_76 = arith.constant 0 : i32
        %dma_wait3A_77 = tpu.memref_slice %arg14[%dma_wait3A_75, %dma_wait3A_76] : memref<80x128xf32, #tpu.memory_space<vmem>> -> memref<80x128xf32, #tpu.memory_space<vmem>>
        %dma_wait3A_78 = arith.constant 0 : i32
        %dma_wait3A_79 = arith.constant 0 : i32
        %dma_wait3A_80 = tpu.memref_slice %arg16[%dma_wait3A_78, %dma_wait3A_79] : memref<264x128xf32, #tpu.memory_space<vmem_shared>> -> memref<80x128xf32, #tpu.memory_space<vmem_shared>>
        %dma_wait3A_81 = arith.constant 0 : i32
        %dma_wait3A_82 = arith.constant 0 : i32
        %dma_wait3A_83 = tpu.memref_slice %arg16[%dma_wait3A_81, %dma_wait3A_82] : memref<264x128xf32, #tpu.memory_space<vmem_shared>> -> memref<80x128xf32, #tpu.memory_space<vmem_shared>>
        %dma_wait3A_84 = arith.constant 0 : i32
        %dma_wait3A_85 = arith.constant 0 : i32
        %dma_wait3A_86 = tpu.memref_slice %arg14[%dma_wait3A_84, %dma_wait3A_85] : memref<80x128xf32, #tpu.memory_space<vmem>> -> memref<80x128xf32, #tpu.memory_space<vmem>>
        tpu.wait_dma2 semaphore(%run_scoped3A : memref<!tpu.dma_semaphore, #tpu.memory_space<semaphore_mem>>) src(%dma_wait3A_86 : memref<80x128xf32, #tpu.memory_space<vmem>>) dst(%dma_wait3A_83 : memref<80x128xf32, #tpu.memory_space<vmem_shared>>)
        tpu.yield
      }) : () -> ()
    } else {
    }
    %eq3A_7 = arith.constant 1 : i32
    %eq3A_8 = arith.cmpi eq, %arg1, %eq3A_7 : i32
    %convert_element_type3A_9 = arith.extui %eq3A_8 : i1 to i32
    %cond3A_10 = arith.constant 0 : i32
    %cond3A_11 = arith.cmpi ne, %convert_element_type3A_9, %cond3A_10 : i32
    scf.if %cond3A_11 {
      "tpu.region"() ({
        %run_scoped3A = tpu.sem_alloc : memref<!tpu.dma_semaphore, #tpu.memory_space<semaphore_mem>>
        %dma_start3A_63 = arith.constant 0 : i32
        %dma_start3A_64 = arith.constant 0 : i32
        %dma_start3A_65 = tpu.memref_slice %arg14[%dma_start3A_63, %dma_start3A_64] : memref<80x128xf32, #tpu.memory_space<vmem>> -> memref<80x128xf32, #tpu.memory_space<vmem>>
        %dma_start3A_66 = arith.constant 80 : i32
        %dma_start3A_67 = arith.constant 0 : i32
        %dma_start3A_68 = tpu.memref_slice %arg16[%dma_start3A_66, %dma_start3A_67] : memref<264x128xf32, #tpu.memory_space<vmem_shared>> -> memref<80x128xf32, #tpu.memory_space<vmem_shared>>
        %dma_start3A_69 = arith.constant 80 : i32
        %dma_start3A_70 = arith.constant 0 : i32
        %dma_start3A_71 = tpu.memref_slice %arg16[%dma_start3A_69, %dma_start3A_70] : memref<264x128xf32, #tpu.memory_space<vmem_shared>> -> memref<80x128xf32, #tpu.memory_space<vmem_shared>>
        %dma_start3A_72 = arith.constant 0 : i32
        %dma_start3A_73 = arith.constant 0 : i32
        %dma_start3A_74 = tpu.memref_slice %arg14[%dma_start3A_72, %dma_start3A_73] : memref<80x128xf32, #tpu.memory_space<vmem>> -> memref<80x128xf32, #tpu.memory_space<vmem>>
        tpu.enqueue_dma source(%dma_start3A_74 : memref<80x128xf32, #tpu.memory_space<vmem>>) target(%dma_start3A_71 : memref<80x128xf32, #tpu.memory_space<vmem_shared>>) target_semaphore(%run_scoped3A : memref<!tpu.dma_semaphore, #tpu.memory_space<semaphore_mem>>)
        %dma_wait3A_75 = arith.constant 0 : i32
        %dma_wait3A_76 = arith.constant 0 : i32
        %dma_wait3A_77 = tpu.memref_slice %arg14[%dma_wait3A_75, %dma_wait3A_76] : memref<80x128xf32, #tpu.memory_space<vmem>> -> memref<80x128xf32, #tpu.memory_space<vmem>>
        %dma_wait3A_78 = arith.constant 80 : i32
        %dma_wait3A_79 = arith.constant 0 : i32
        %dma_wait3A_80 = tpu.memref_slice %arg16[%dma_wait3A_78, %dma_wait3A_79] : memref<264x128xf32, #tpu.memory_space<vmem_shared>> -> memref<80x128xf32, #tpu.memory_space<vmem_shared>>
        %dma_wait3A_81 = arith.constant 80 : i32
        %dma_wait3A_82 = arith.constant 0 : i32
        %dma_wait3A_83 = tpu.memref_slice %arg16[%dma_wait3A_81, %dma_wait3A_82] : memref<264x128xf32, #tpu.memory_space<vmem_shared>> -> memref<80x128xf32, #tpu.memory_space<vmem_shared>>
        %dma_wait3A_84 = arith.constant 0 : i32
        %dma_wait3A_85 = arith.constant 0 : i32
        %dma_wait3A_86 = tpu.memref_slice %arg14[%dma_wait3A_84, %dma_wait3A_85] : memref<80x128xf32, #tpu.memory_space<vmem>> -> memref<80x128xf32, #tpu.memory_space<vmem>>
        tpu.wait_dma2 semaphore(%run_scoped3A : memref<!tpu.dma_semaphore, #tpu.memory_space<semaphore_mem>>) src(%dma_wait3A_86 : memref<80x128xf32, #tpu.memory_space<vmem>>) dst(%dma_wait3A_83 : memref<80x128xf32, #tpu.memory_space<vmem_shared>>)
        tpu.yield
      }) : () -> ()
    } else {
    }
    %eq3A_12 = arith.constant 2 : i32
    %eq3A_13 = arith.cmpi eq, %arg1, %eq3A_12 : i32
    %convert_element_type3A_14 = arith.extui %eq3A_13 : i1 to i32
    %cond3A_15 = arith.constant 0 : i32
    %cond3A_16 = arith.cmpi ne, %convert_element_type3A_14, %cond3A_15 : i32
    scf.if %cond3A_16 {
      "tpu.region"() ({
        %run_scoped3A = tpu.sem_alloc : memref<!tpu.dma_semaphore, #tpu.memory_space<semaphore_mem>>
        %dma_start3A_63 = arith.constant 0 : i32
        %dma_start3A_64 = arith.constant 0 : i32
        %dma_start3A_65 = tpu.memref_slice %arg14[%dma_start3A_63, %dma_start3A_64] : memref<80x128xf32, #tpu.memory_space<vmem>> -> memref<80x128xf32, #tpu.memory_space<vmem>>
        %dma_start3A_66 = arith.constant 160 : i32
        %dma_start3A_67 = arith.constant 0 : i32
        %dma_start3A_68 = tpu.memref_slice %arg16[%dma_start3A_66, %dma_start3A_67] : memref<264x128xf32, #tpu.memory_space<vmem_shared>> -> memref<80x128xf32, #tpu.memory_space<vmem_shared>>
        %dma_start3A_69 = arith.constant 160 : i32
        %dma_start3A_70 = arith.constant 0 : i32
        %dma_start3A_71 = tpu.memref_slice %arg16[%dma_start3A_69, %dma_start3A_70] : memref<264x128xf32, #tpu.memory_space<vmem_shared>> -> memref<80x128xf32, #tpu.memory_space<vmem_shared>>
        %dma_start3A_72 = arith.constant 0 : i32
        %dma_start3A_73 = arith.constant 0 : i32
        %dma_start3A_74 = tpu.memref_slice %arg14[%dma_start3A_72, %dma_start3A_73] : memref<80x128xf32, #tpu.memory_space<vmem>> -> memref<80x128xf32, #tpu.memory_space<vmem>>
        tpu.enqueue_dma source(%dma_start3A_74 : memref<80x128xf32, #tpu.memory_space<vmem>>) target(%dma_start3A_71 : memref<80x128xf32, #tpu.memory_space<vmem_shared>>) target_semaphore(%run_scoped3A : memref<!tpu.dma_semaphore, #tpu.memory_space<semaphore_mem>>)
        %dma_wait3A_75 = arith.constant 0 : i32
        %dma_wait3A_76 = arith.constant 0 : i32
        %dma_wait3A_77 = tpu.memref_slice %arg14[%dma_wait3A_75, %dma_wait3A_76] : memref<80x128xf32, #tpu.memory_space<vmem>> -> memref<80x128xf32, #tpu.memory_space<vmem>>
        %dma_wait3A_78 = arith.constant 160 : i32
        %dma_wait3A_79 = arith.constant 0 : i32
        %dma_wait3A_80 = tpu.memref_slice %arg16[%dma_wait3A_78, %dma_wait3A_79] : memref<264x128xf32, #tpu.memory_space<vmem_shared>> -> memref<80x128xf32, #tpu.memory_space<vmem_shared>>
        %dma_wait3A_81 = arith.constant 160 : i32
        %dma_wait3A_82 = arith.constant 0 : i32
        %dma_wait3A_83 = tpu.memref_slice %arg16[%dma_wait3A_81, %dma_wait3A_82] : memref<264x128xf32, #tpu.memory_space<vmem_shared>> -> memref<80x128xf32, #tpu.memory_space<vmem_shared>>
        %dma_wait3A_84 = arith.constant 0 : i32
        %dma_wait3A_85 = arith.constant 0 : i32
        %dma_wait3A_86 = tpu.memref_slice %arg14[%dma_wait3A_84, %dma_wait3A_85] : memref<80x128xf32, #tpu.memory_space<vmem>> -> memref<80x128xf32, #tpu.memory_space<vmem>>
        tpu.wait_dma2 semaphore(%run_scoped3A : memref<!tpu.dma_semaphore, #tpu.memory_space<semaphore_mem>>) src(%dma_wait3A_86 : memref<80x128xf32, #tpu.memory_space<vmem>>) dst(%dma_wait3A_83 : memref<80x128xf32, #tpu.memory_space<vmem_shared>>)
        tpu.yield
      }) : () -> ()
    } else {
    }
    %eq3A_17 = arith.constant 3 : i32
    %eq3A_18 = arith.cmpi eq, %arg1, %eq3A_17 : i32
    %convert_element_type3A_19 = arith.extui %eq3A_18 : i1 to i32
    %cond3A_20 = arith.constant 0 : i32
    %cond3A_21 = arith.cmpi ne, %convert_element_type3A_19, %cond3A_20 : i32
    scf.if %cond3A_21 {
      "tpu.region"() ({
        %run_scoped3A = tpu.sem_alloc : memref<!tpu.dma_semaphore, #tpu.memory_space<semaphore_mem>>
        %dma_start3A_63 = arith.constant 0 : i32
        %dma_start3A_64 = arith.constant 0 : i32
        %dma_start3A_65 = tpu.memref_slice %arg14[%dma_start3A_63, %dma_start3A_64] : memref<80x128xf32, #tpu.memory_space<vmem>> -> memref<24x128xf32, #tpu.memory_space<vmem>>
        %dma_start3A_66 = arith.constant 240 : i32
        %dma_start3A_67 = arith.constant 0 : i32
        %dma_start3A_68 = tpu.memref_slice %arg16[%dma_start3A_66, %dma_start3A_67] : memref<264x128xf32, #tpu.memory_space<vmem_shared>> -> memref<24x128xf32, #tpu.memory_space<vmem_shared>>
        %dma_start3A_69 = arith.constant 240 : i32
        %dma_start3A_70 = arith.constant 0 : i32
        %dma_start3A_71 = tpu.memref_slice %arg16[%dma_start3A_69, %dma_start3A_70] : memref<264x128xf32, #tpu.memory_space<vmem_shared>> -> memref<24x128xf32, #tpu.memory_space<vmem_shared>>
        %dma_start3A_72 = arith.constant 0 : i32
        %dma_start3A_73 = arith.constant 0 : i32
        %dma_start3A_74 = tpu.memref_slice %arg14[%dma_start3A_72, %dma_start3A_73] : memref<80x128xf32, #tpu.memory_space<vmem>> -> memref<24x128xf32, #tpu.memory_space<vmem>>
        tpu.enqueue_dma source(%dma_start3A_74 : memref<24x128xf32, #tpu.memory_space<vmem>>) target(%dma_start3A_71 : memref<24x128xf32, #tpu.memory_space<vmem_shared>>) target_semaphore(%run_scoped3A : memref<!tpu.dma_semaphore, #tpu.memory_space<semaphore_mem>>)
        %dma_wait3A_75 = arith.constant 0 : i32
        %dma_wait3A_76 = arith.constant 0 : i32
        %dma_wait3A_77 = tpu.memref_slice %arg14[%dma_wait3A_75, %dma_wait3A_76] : memref<80x128xf32, #tpu.memory_space<vmem>> -> memref<24x128xf32, #tpu.memory_space<vmem>>
        %dma_wait3A_78 = arith.constant 240 : i32
        %dma_wait3A_79 = arith.constant 0 : i32
        %dma_wait3A_80 = tpu.memref_slice %arg16[%dma_wait3A_78, %dma_wait3A_79] : memref<264x128xf32, #tpu.memory_space<vmem_shared>> -> memref<24x128xf32, #tpu.memory_space<vmem_shared>>
        %dma_wait3A_81 = arith.constant 240 : i32
        %dma_wait3A_82 = arith.constant 0 : i32
        %dma_wait3A_83 = tpu.memref_slice %arg16[%dma_wait3A_81, %dma_wait3A_82] : memref<264x128xf32, #tpu.memory_space<vmem_shared>> -> memref<24x128xf32, #tpu.memory_space<vmem_shared>>
        %dma_wait3A_84 = arith.constant 0 : i32
        %dma_wait3A_85 = arith.constant 0 : i32
        %dma_wait3A_86 = tpu.memref_slice %arg14[%dma_wait3A_84, %dma_wait3A_85] : memref<80x128xf32, #tpu.memory_space<vmem>> -> memref<24x128xf32, #tpu.memory_space<vmem>>
        tpu.wait_dma2 semaphore(%run_scoped3A : memref<!tpu.dma_semaphore, #tpu.memory_space<semaphore_mem>>) src(%dma_wait3A_86 : memref<24x128xf32, #tpu.memory_space<vmem>>) dst(%dma_wait3A_83 : memref<24x128xf32, #tpu.memory_space<vmem_shared>>)
        tpu.yield
      }) : () -> ()
    } else {
    }
    "tpu.region"() ({
      %run_scoped3A = tpu.sem_alloc : memref<!tpu.dma_semaphore, #tpu.memory_space<semaphore_mem>>
      tpu.enqueue_dma source(%arg5 : memref<10000xi32, #tpu.memory_space<hbm>>) target(%arg13 : memref<10000xi32, #tpu.memory_space<vmem>>) target_semaphore(%run_scoped3A : memref<!tpu.dma_semaphore, #tpu.memory_space<semaphore_mem>>)
      tpu.wait_dma2 semaphore(%run_scoped3A : memref<!tpu.dma_semaphore, #tpu.memory_space<semaphore_mem>>) src(%arg5 : memref<10000xi32, #tpu.memory_space<hbm>>) dst(%arg13 : memref<10000xi32, #tpu.memory_space<vmem>>)
      tpu.yield
    }) : () -> ()
    %barrier3A = arith.constant 0 : index
    tpu.barrier barrier_id(%barrier3A)
    %mul3A_22 = arith.constant 10000 : i32
    %mul3A_23 = arith.muli %add3A, %mul3A_22 : i32
    %scan3A_24 = arith.constant 0 : i32
    %scan3A_25 = arith.constant 62 : i32
    %scan3A_26 = arith.addi %scan3A_24, %scan3A_25 : i32
    %scan3A_27 = arith.constant 1 : i32
    scf.for %scan3A_63 = %scan3A_24 to %scan3A_26 step %scan3A_27  : i32 {
      %mul3A_64 = arith.constant 1 : i32
      %mul3A_65 = arith.muli %scan3A_63, %mul3A_64 : i32
      %add3A_66 = arith.constant 0 : i32
      %add3A_67 = arith.addi %add3A_66, %mul3A_65 : i32
      %mul3A_68 = arith.constant 160 : i32
      %mul3A_69 = arith.muli %add3A_67, %mul3A_68 : i32
      %add3A_70 = arith.addi %mul3A_23, %mul3A_69 : i32
      "tpu.region"() ({
        %run_scoped3A = tpu.sem_alloc : memref<!tpu.dma_semaphore, #tpu.memory_space<semaphore_mem>>
        %dma_start3A_135 = tpu.memref_slice %arg3[%add3A_70] : memref<320000xi32, #tpu.memory_space<hbm>> -> memref<80xi32, #tpu.memory_space<hbm>>
        %dma_start3A_136 = tpu.memref_slice %arg3[%add3A_70] : memref<320000xi32, #tpu.memory_space<hbm>> -> memref<80xi32, #tpu.memory_space<hbm>>
        tpu.enqueue_dma source(%dma_start3A_136 : memref<80xi32, #tpu.memory_space<hbm>>) target(%arg7 : memref<80xi32, #tpu.memory_space<vmem>>) target_semaphore(%run_scoped3A : memref<!tpu.dma_semaphore, #tpu.memory_space<semaphore_mem>>)
        %dma_wait3A_137 = tpu.memref_slice %arg3[%add3A_70] : memref<320000xi32, #tpu.memory_space<hbm>> -> memref<80xi32, #tpu.memory_space<hbm>>
        %dma_wait3A_138 = tpu.memref_slice %arg3[%add3A_70] : memref<320000xi32, #tpu.memory_space<hbm>> -> memref<80xi32, #tpu.memory_space<hbm>>
        tpu.wait_dma2 semaphore(%run_scoped3A : memref<!tpu.dma_semaphore, #tpu.memory_space<semaphore_mem>>) src(%dma_wait3A_138 : memref<80xi32, #tpu.memory_space<hbm>>) dst(%arg7 : memref<80xi32, #tpu.memory_space<vmem>>)
        tpu.yield
      }) : () -> ()
      "tpu.region"() ({
        %run_scoped3A = tpu.sem_alloc : memref<!tpu.dma_semaphore, #tpu.memory_space<semaphore_mem>>
        %dma_start3A_135 = tpu.memref_slice %arg4[%add3A_70] : memref<320000xi32, #tpu.memory_space<hbm>> -> memref<80xi32, #tpu.memory_space<hbm>>
        %dma_start3A_136 = tpu.memref_slice %arg4[%add3A_70] : memref<320000xi32, #tpu.memory_space<hbm>> -> memref<80xi32, #tpu.memory_space<hbm>>
        tpu.enqueue_dma source(%dma_start3A_136 : memref<80xi32, #tpu.memory_space<hbm>>) target(%arg8 : memref<80xi32, #tpu.memory_space<vmem>>) target_semaphore(%run_scoped3A : memref<!tpu.dma_semaphore, #tpu.memory_space<semaphore_mem>>)
        %dma_wait3A_137 = tpu.memref_slice %arg4[%add3A_70] : memref<320000xi32, #tpu.memory_space<hbm>> -> memref<80xi32, #tpu.memory_space<hbm>>
        %dma_wait3A_138 = tpu.memref_slice %arg4[%add3A_70] : memref<320000xi32, #tpu.memory_space<hbm>> -> memref<80xi32, #tpu.memory_space<hbm>>
        tpu.wait_dma2 semaphore(%run_scoped3A : memref<!tpu.dma_semaphore, #tpu.memory_space<semaphore_mem>>) src(%dma_wait3A_138 : memref<80xi32, #tpu.memory_space<hbm>>) dst(%arg8 : memref<80xi32, #tpu.memory_space<vmem>>)
        tpu.yield
      }) : () -> ()
      %dma_start3A_71 = arith.constant 0 : i32
      %dma_start3A_72 = arith.constant 0 : i32
      %dma_start3A_73 = tpu.memref_slice %arg2[%dma_start3A_71, %dma_start3A_72] : memref<10000x128xf32, #tpu.memory_space<hbm>> -> memref<10000x128xf32, #tpu.memory_space<hbm>>
      tpu.enqueue_indirect_dma source(%dma_start3A_73 : memref<10000x128xf32, #tpu.memory_space<hbm>>) target(%arg14 : memref<80x128xf32, #tpu.memory_space<vmem>>) offsets(%arg8 : memref<80xi32, #tpu.memory_space<vmem>>) semaphore(%arg17 : memref<!tpu.dma_semaphore, #tpu.memory_space<semaphore_mem>>)
      %add3A_74 = arith.constant 80 : i32
      %add3A_75 = arith.addi %add3A_70, %add3A_74 : i32
      "tpu.region"() ({
        %run_scoped3A = tpu.sem_alloc : memref<!tpu.dma_semaphore, #tpu.memory_space<semaphore_mem>>
        %dma_start3A_135 = tpu.memref_slice %arg3[%add3A_75] : memref<320000xi32, #tpu.memory_space<hbm>> -> memref<80xi32, #tpu.memory_space<hbm>>
        %dma_start3A_136 = tpu.memref_slice %arg3[%add3A_75] : memref<320000xi32, #tpu.memory_space<hbm>> -> memref<80xi32, #tpu.memory_space<hbm>>
        tpu.enqueue_dma source(%dma_start3A_136 : memref<80xi32, #tpu.memory_space<hbm>>) target(%arg10 : memref<80xi32, #tpu.memory_space<vmem>>) target_semaphore(%run_scoped3A : memref<!tpu.dma_semaphore, #tpu.memory_space<semaphore_mem>>)
        %dma_wait3A_137 = tpu.memref_slice %arg3[%add3A_75] : memref<320000xi32, #tpu.memory_space<hbm>> -> memref<80xi32, #tpu.memory_space<hbm>>
        %dma_wait3A_138 = tpu.memref_slice %arg3[%add3A_75] : memref<320000xi32, #tpu.memory_space<hbm>> -> memref<80xi32, #tpu.memory_space<hbm>>
        tpu.wait_dma2 semaphore(%run_scoped3A : memref<!tpu.dma_semaphore, #tpu.memory_space<semaphore_mem>>) src(%dma_wait3A_138 : memref<80xi32, #tpu.memory_space<hbm>>) dst(%arg10 : memref<80xi32, #tpu.memory_space<vmem>>)
        tpu.yield
      }) : () -> ()
      "tpu.region"() ({
        %run_scoped3A = tpu.sem_alloc : memref<!tpu.dma_semaphore, #tpu.memory_space<semaphore_mem>>
        %dma_start3A_135 = tpu.memref_slice %arg4[%add3A_75] : memref<320000xi32, #tpu.memory_space<hbm>> -> memref<80xi32, #tpu.memory_space<hbm>>
        %dma_start3A_136 = tpu.memref_slice %arg4[%add3A_75] : memref<320000xi32, #tpu.memory_space<hbm>> -> memref<80xi32, #tpu.memory_space<hbm>>
        tpu.enqueue_dma source(%dma_start3A_136 : memref<80xi32, #tpu.memory_space<hbm>>) target(%arg11 : memref<80xi32, #tpu.memory_space<vmem>>) target_semaphore(%run_scoped3A : memref<!tpu.dma_semaphore, #tpu.memory_space<semaphore_mem>>)
        %dma_wait3A_137 = tpu.memref_slice %arg4[%add3A_75] : memref<320000xi32, #tpu.memory_space<hbm>> -> memref<80xi32, #tpu.memory_space<hbm>>
        %dma_wait3A_138 = tpu.memref_slice %arg4[%add3A_75] : memref<320000xi32, #tpu.memory_space<hbm>> -> memref<80xi32, #tpu.memory_space<hbm>>
        tpu.wait_dma2 semaphore(%run_scoped3A : memref<!tpu.dma_semaphore, #tpu.memory_space<semaphore_mem>>) src(%dma_wait3A_138 : memref<80xi32, #tpu.memory_space<hbm>>) dst(%arg11 : memref<80xi32, #tpu.memory_space<vmem>>)
        tpu.yield
      }) : () -> ()
      %dma_start3A_76 = arith.constant 0 : i32
      %dma_start3A_77 = arith.constant 0 : i32
      %dma_start3A_78 = tpu.memref_slice %arg2[%dma_start3A_76, %dma_start3A_77] : memref<10000x128xf32, #tpu.memory_space<hbm>> -> memref<10000x128xf32, #tpu.memory_space<hbm>>
      tpu.enqueue_indirect_dma source(%dma_start3A_78 : memref<10000x128xf32, #tpu.memory_space<hbm>>) target(%arg15 : memref<80x128xf32, #tpu.memory_space<vmem>>) offsets(%arg11 : memref<80xi32, #tpu.memory_space<vmem>>) semaphore(%arg18 : memref<!tpu.dma_semaphore, #tpu.memory_space<semaphore_mem>>)
      %get3A_79 = arith.constant 0 : index
      %get3A_80 = tpu.vector_load %arg7[%get3A_79] {strides = array<i32>} : memref<80xi32, #tpu.memory_space<vmem>>, vector<16xi32>,
      %gather3A_81 = tpu.vector_load_idx %arg13[%get3A_80] : memref<10000xi32, #tpu.memory_space<vmem>>[vector<16xi32>], vector<16xi32>,
      %swap3A_82 = arith.constant 0 : index
      %swap3A_83 = tpu.vector_load %arg9[%swap3A_82] {strides = array<i32>} : memref<80xi32, #tpu.memory_space<vmem>>, vector<16xi32>,
      tpu.vector_store %arg9[%swap3A_82], %gather3A_81 {strides = array<i32>} : memref<80xi32, #tpu.memory_space<vmem>>, vector<16xi32>,
      %get3A_84 = arith.constant 16 : index
      %get3A_85 = tpu.vector_load %arg7[%get3A_84] {strides = array<i32>} : memref<80xi32, #tpu.memory_space<vmem>>, vector<16xi32>,
      %gather3A_86 = tpu.vector_load_idx %arg13[%get3A_85] : memref<10000xi32, #tpu.memory_space<vmem>>[vector<16xi32>], vector<16xi32>,
      %swap3A_87 = arith.constant 16 : index
      %swap3A_88 = tpu.vector_load %arg9[%swap3A_87] {strides = array<i32>} : memref<80xi32, #tpu.memory_space<vmem>>, vector<16xi32>,
      tpu.vector_store %arg9[%swap3A_87], %gather3A_86 {strides = array<i32>} : memref<80xi32, #tpu.memory_space<vmem>>, vector<16xi32>,
      %get3A_89 = arith.constant 32 : index
      %get3A_90 = tpu.vector_load %arg7[%get3A_89] {strides = array<i32>} : memref<80xi32, #tpu.memory_space<vmem>>, vector<16xi32>,
      %gather3A_91 = tpu.vector_load_idx %arg13[%get3A_90] : memref<10000xi32, #tpu.memory_space<vmem>>[vector<16xi32>], vector<16xi32>,
      %swap3A_92 = arith.constant 32 : index
      %swap3A_93 = tpu.vector_load %arg9[%swap3A_92] {strides = array<i32>} : memref<80xi32, #tpu.memory_space<vmem>>, vector<16xi32>,
      tpu.vector_store %arg9[%swap3A_92], %gather3A_91 {strides = array<i32>} : memref<80xi32, #tpu.memory_space<vmem>>, vector<16xi32>,
      %get3A_94 = arith.constant 48 : index
      %get3A_95 = tpu.vector_load %arg7[%get3A_94] {strides = array<i32>} : memref<80xi32, #tpu.memory_space<vmem>>, vector<16xi32>,
      %gather3A_96 = tpu.vector_load_idx %arg13[%get3A_95] : memref<10000xi32, #tpu.memory_space<vmem>>[vector<16xi32>], vector<16xi32>,
      %swap3A_97 = arith.constant 48 : index
      %swap3A_98 = tpu.vector_load %arg9[%swap3A_97] {strides = array<i32>} : memref<80xi32, #tpu.memory_space<vmem>>, vector<16xi32>,
      tpu.vector_store %arg9[%swap3A_97], %gather3A_96 {strides = array<i32>} : memref<80xi32, #tpu.memory_space<vmem>>, vector<16xi32>,
      %get3A_99 = arith.constant 64 : index
      %get3A_100 = tpu.vector_load %arg7[%get3A_99] {strides = array<i32>} : memref<80xi32, #tpu.memory_space<vmem>>, vector<16xi32>,
      %gather3A_101 = tpu.vector_load_idx %arg13[%get3A_100] : memref<10000xi32, #tpu.memory_space<vmem>>[vector<16xi32>], vector<16xi32>,
      %swap3A_102 = arith.constant 64 : index
      %swap3A_103 = tpu.vector_load %arg9[%swap3A_102] {strides = array<i32>} : memref<80xi32, #tpu.memory_space<vmem>>, vector<16xi32>,
      tpu.vector_store %arg9[%swap3A_102], %gather3A_101 {strides = array<i32>} : memref<80xi32, #tpu.memory_space<vmem>>, vector<16xi32>,
      %dma_wait3A_104 = arith.constant 0 : i32
      %dma_wait3A_105 = arith.constant 0 : i32
      %dma_wait3A_106 = tpu.memref_slice %arg2[%dma_wait3A_104, %dma_wait3A_105] : memref<10000x128xf32, #tpu.memory_space<hbm>> -> memref<10000x128xf32, #tpu.memory_space<hbm>>
      tpu.wait_indirect_dma semaphore(%arg17 : memref<!tpu.dma_semaphore, #tpu.memory_space<semaphore_mem>>) src(%dma_wait3A_106 : memref<10000x128xf32, #tpu.memory_space<hbm>>) dst(%arg14 : memref<80x128xf32, #tpu.memory_space<vmem>>)
      "tpu.region"() ({
        %run_scoped3A = tpu.sem_alloc : memref<!tpu.dma_semaphore, #tpu.memory_space<semaphore_mem>>
        %dma_start3A_135 = arith.constant 0 : i32
        %dma_start3A_136 = arith.constant 0 : i32
        %dma_start3A_137 = tpu.memref_slice %arg16[%dma_start3A_135, %dma_start3A_136] : memref<264x128xf32, #tpu.memory_space<vmem_shared>> -> memref<264x128xf32, #tpu.memory_space<vmem_shared>>
        tpu.enqueue_indirect_dma source(%arg14 : memref<80x128xf32, #tpu.memory_space<vmem>>) target(%dma_start3A_137 : memref<264x128xf32, #tpu.memory_space<vmem_shared>>) offsets(%arg9 : memref<80xi32, #tpu.memory_space<vmem>>) semaphore(%run_scoped3A : memref<!tpu.dma_semaphore, #tpu.memory_space<semaphore_mem>>) {add = true}
        %dma_wait3A_138 = arith.constant 0 : i32
        %dma_wait3A_139 = arith.constant 0 : i32
        %dma_wait3A_140 = tpu.memref_slice %arg16[%dma_wait3A_138, %dma_wait3A_139] : memref<264x128xf32, #tpu.memory_space<vmem_shared>> -> memref<264x128xf32, #tpu.memory_space<vmem_shared>>
        tpu.wait_indirect_dma semaphore(%run_scoped3A : memref<!tpu.dma_semaphore, #tpu.memory_space<semaphore_mem>>) src(%arg14 : memref<80x128xf32, #tpu.memory_space<vmem>>) dst(%dma_wait3A_140 : memref<264x128xf32, #tpu.memory_space<vmem_shared>>)
        tpu.yield
      }) : () -> ()
      %get3A_107 = arith.constant 0 : index
      %get3A_108 = tpu.vector_load %arg10[%get3A_107] {strides = array<i32>} : memref<80xi32, #tpu.memory_space<vmem>>, vector<16xi32>,
      %gather3A_109 = tpu.vector_load_idx %arg13[%get3A_108] : memref<10000xi32, #tpu.memory_space<vmem>>[vector<16xi32>], vector<16xi32>,
      %swap3A_110 = arith.constant 0 : index
      %swap3A_111 = tpu.vector_load %arg12[%swap3A_110] {strides = array<i32>} : memref<80xi32, #tpu.memory_space<vmem>>, vector<16xi32>,
      tpu.vector_store %arg12[%swap3A_110], %gather3A_109 {strides = array<i32>} : memref<80xi32, #tpu.memory_space<vmem>>, vector<16xi32>,
      %get3A_112 = arith.constant 16 : index
      %get3A_113 = tpu.vector_load %arg10[%get3A_112] {strides = array<i32>} : memref<80xi32, #tpu.memory_space<vmem>>, vector<16xi32>,
      %gather3A_114 = tpu.vector_load_idx %arg13[%get3A_113] : memref<10000xi32, #tpu.memory_space<vmem>>[vector<16xi32>], vector<16xi32>,
      %swap3A_115 = arith.constant 16 : index
      %swap3A_116 = tpu.vector_load %arg12[%swap3A_115] {strides = array<i32>} : memref<80xi32, #tpu.memory_space<vmem>>, vector<16xi32>,
      tpu.vector_store %arg12[%swap3A_115], %gather3A_114 {strides = array<i32>} : memref<80xi32, #tpu.memory_space<vmem>>, vector<16xi32>,
      %get3A_117 = arith.constant 32 : index
      %get3A_118 = tpu.vector_load %arg10[%get3A_117] {strides = array<i32>} : memref<80xi32, #tpu.memory_space<vmem>>, vector<16xi32>,
      %gather3A_119 = tpu.vector_load_idx %arg13[%get3A_118] : memref<10000xi32, #tpu.memory_space<vmem>>[vector<16xi32>], vector<16xi32>,
      %swap3A_120 = arith.constant 32 : index
      %swap3A_121 = tpu.vector_load %arg12[%swap3A_120] {strides = array<i32>} : memref<80xi32, #tpu.memory_space<vmem>>, vector<16xi32>,
      tpu.vector_store %arg12[%swap3A_120], %gather3A_119 {strides = array<i32>} : memref<80xi32, #tpu.memory_space<vmem>>, vector<16xi32>,
      %get3A_122 = arith.constant 48 : index
      %get3A_123 = tpu.vector_load %arg10[%get3A_122] {strides = array<i32>} : memref<80xi32, #tpu.memory_space<vmem>>, vector<16xi32>,
      %gather3A_124 = tpu.vector_load_idx %arg13[%get3A_123] : memref<10000xi32, #tpu.memory_space<vmem>>[vector<16xi32>], vector<16xi32>,
      %swap3A_125 = arith.constant 48 : index
      %swap3A_126 = tpu.vector_load %arg12[%swap3A_125] {strides = array<i32>} : memref<80xi32, #tpu.memory_space<vmem>>, vector<16xi32>,
      tpu.vector_store %arg12[%swap3A_125], %gather3A_124 {strides = array<i32>} : memref<80xi32, #tpu.memory_space<vmem>>, vector<16xi32>,
      %get3A_127 = arith.constant 64 : index
      %get3A_128 = tpu.vector_load %arg10[%get3A_127] {strides = array<i32>} : memref<80xi32, #tpu.memory_space<vmem>>, vector<16xi32>,
      %gather3A_129 = tpu.vector_load_idx %arg13[%get3A_128] : memref<10000xi32, #tpu.memory_space<vmem>>[vector<16xi32>], vector<16xi32>,
      %swap3A_130 = arith.constant 64 : index
      %swap3A_131 = tpu.vector_load %arg12[%swap3A_130] {strides = array<i32>} : memref<80xi32, #tpu.memory_space<vmem>>, vector<16xi32>,
      tpu.vector_store %arg12[%swap3A_130], %gather3A_129 {strides = array<i32>} : memref<80xi32, #tpu.memory_space<vmem>>, vector<16xi32>,
      %dma_wait3A_132 = arith.constant 0 : i32
      %dma_wait3A_133 = arith.constant 0 : i32
      %dma_wait3A_134 = tpu.memref_slice %arg2[%dma_wait3A_132, %dma_wait3A_133] : memref<10000x128xf32, #tpu.memory_space<hbm>> -> memref<10000x128xf32, #tpu.memory_space<hbm>>
      tpu.wait_indirect_dma semaphore(%arg18 : memref<!tpu.dma_semaphore, #tpu.memory_space<semaphore_mem>>) src(%dma_wait3A_134 : memref<10000x128xf32, #tpu.memory_space<hbm>>) dst(%arg15 : memref<80x128xf32, #tpu.memory_space<vmem>>)
      "tpu.region"() ({
        %run_scoped3A = tpu.sem_alloc : memref<!tpu.dma_semaphore, #tpu.memory_space<semaphore_mem>>
        %dma_start3A_135 = arith.constant 0 : i32
        %dma_start3A_136 = arith.constant 0 : i32
        %dma_start3A_137 = tpu.memref_slice %arg16[%dma_start3A_135, %dma_start3A_136] : memref<264x128xf32, #tpu.memory_space<vmem_shared>> -> memref<264x128xf32, #tpu.memory_space<vmem_shared>>
        tpu.enqueue_indirect_dma source(%arg15 : memref<80x128xf32, #tpu.memory_space<vmem>>) target(%dma_start3A_137 : memref<264x128xf32, #tpu.memory_space<vmem_shared>>) offsets(%arg12 : memref<80xi32, #tpu.memory_space<vmem>>) semaphore(%run_scoped3A : memref<!tpu.dma_semaphore, #tpu.memory_space<semaphore_mem>>) {add = true}
        %dma_wait3A_138 = arith.constant 0 : i32
        %dma_wait3A_139 = arith.constant 0 : i32
        %dma_wait3A_140 = tpu.memref_slice %arg16[%dma_wait3A_138, %dma_wait3A_139] : memref<264x128xf32, #tpu.memory_space<vmem_shared>> -> memref<264x128xf32, #tpu.memory_space<vmem_shared>>
        tpu.wait_indirect_dma semaphore(%run_scoped3A : memref<!tpu.dma_semaphore, #tpu.memory_space<semaphore_mem>>) src(%arg15 : memref<80x128xf32, #tpu.memory_space<vmem>>) dst(%dma_wait3A_140 : memref<264x128xf32, #tpu.memory_space<vmem_shared>>)
        tpu.yield
      }) : () -> ()
    }
    %scan3A_28 = arith.constant 62 : i32
    %add3A_29 = arith.constant 9920 : i32
    %add3A_30 = arith.addi %mul3A_23, %add3A_29 : i32
    "tpu.region"() ({
      %run_scoped3A = tpu.sem_alloc : memref<!tpu.dma_semaphore, #tpu.memory_space<semaphore_mem>>
      %dma_start3A_63 = tpu.memref_slice %arg3[%add3A_30] : memref<320000xi32, #tpu.memory_space<hbm>> -> memref<80xi32, #tpu.memory_space<hbm>>
      %dma_start3A_64 = tpu.memref_slice %arg3[%add3A_30] : memref<320000xi32, #tpu.memory_space<hbm>> -> memref<80xi32, #tpu.memory_space<hbm>>
      tpu.enqueue_dma source(%dma_start3A_64 : memref<80xi32, #tpu.memory_space<hbm>>) target(%arg7 : memref<80xi32, #tpu.memory_space<vmem>>) target_semaphore(%run_scoped3A : memref<!tpu.dma_semaphore, #tpu.memory_space<semaphore_mem>>)
      %dma_wait3A_65 = tpu.memref_slice %arg3[%add3A_30] : memref<320000xi32, #tpu.memory_space<hbm>> -> memref<80xi32, #tpu.memory_space<hbm>>
      %dma_wait3A_66 = tpu.memref_slice %arg3[%add3A_30] : memref<320000xi32, #tpu.memory_space<hbm>> -> memref<80xi32, #tpu.memory_space<hbm>>
      tpu.wait_dma2 semaphore(%run_scoped3A : memref<!tpu.dma_semaphore, #tpu.memory_space<semaphore_mem>>) src(%dma_wait3A_66 : memref<80xi32, #tpu.memory_space<hbm>>) dst(%arg7 : memref<80xi32, #tpu.memory_space<vmem>>)
      tpu.yield
    }) : () -> ()
    "tpu.region"() ({
      %run_scoped3A = tpu.sem_alloc : memref<!tpu.dma_semaphore, #tpu.memory_space<semaphore_mem>>
      %dma_start3A_63 = tpu.memref_slice %arg4[%add3A_30] : memref<320000xi32, #tpu.memory_space<hbm>> -> memref<80xi32, #tpu.memory_space<hbm>>
      %dma_start3A_64 = tpu.memref_slice %arg4[%add3A_30] : memref<320000xi32, #tpu.memory_space<hbm>> -> memref<80xi32, #tpu.memory_space<hbm>>
      tpu.enqueue_dma source(%dma_start3A_64 : memref<80xi32, #tpu.memory_space<hbm>>) target(%arg8 : memref<80xi32, #tpu.memory_space<vmem>>) target_semaphore(%run_scoped3A : memref<!tpu.dma_semaphore, #tpu.memory_space<semaphore_mem>>)
      %dma_wait3A_65 = tpu.memref_slice %arg4[%add3A_30] : memref<320000xi32, #tpu.memory_space<hbm>> -> memref<80xi32, #tpu.memory_space<hbm>>
      %dma_wait3A_66 = tpu.memref_slice %arg4[%add3A_30] : memref<320000xi32, #tpu.memory_space<hbm>> -> memref<80xi32, #tpu.memory_space<hbm>>
      tpu.wait_dma2 semaphore(%run_scoped3A : memref<!tpu.dma_semaphore, #tpu.memory_space<semaphore_mem>>) src(%dma_wait3A_66 : memref<80xi32, #tpu.memory_space<hbm>>) dst(%arg8 : memref<80xi32, #tpu.memory_space<vmem>>)
      tpu.yield
    }) : () -> ()
    %dma_start3A = arith.constant 0 : i32
    %dma_start3A_31 = arith.constant 0 : i32
    %dma_start3A_32 = tpu.memref_slice %arg2[%dma_start3A, %dma_start3A_31] : memref<10000x128xf32, #tpu.memory_space<hbm>> -> memref<10000x128xf32, #tpu.memory_space<hbm>>
    tpu.enqueue_indirect_dma source(%dma_start3A_32 : memref<10000x128xf32, #tpu.memory_space<hbm>>) target(%arg14 : memref<80x128xf32, #tpu.memory_space<vmem>>) offsets(%arg8 : memref<80xi32, #tpu.memory_space<vmem>>) semaphore(%arg17 : memref<!tpu.dma_semaphore, #tpu.memory_space<semaphore_mem>>)
    %get3A = arith.constant 0 : index
    %get3A_33 = tpu.vector_load %arg7[%get3A] {strides = array<i32>} : memref<80xi32, #tpu.memory_space<vmem>>, vector<16xi32>,
    %gather3A = tpu.vector_load_idx %arg13[%get3A_33] : memref<10000xi32, #tpu.memory_space<vmem>>[vector<16xi32>], vector<16xi32>,
    %swap3A = arith.constant 0 : index
    %swap3A_34 = tpu.vector_load %arg9[%swap3A] {strides = array<i32>} : memref<80xi32, #tpu.memory_space<vmem>>, vector<16xi32>,
    tpu.vector_store %arg9[%swap3A], %gather3A {strides = array<i32>} : memref<80xi32, #tpu.memory_space<vmem>>, vector<16xi32>,
    %get3A_35 = arith.constant 16 : index
    %get3A_36 = tpu.vector_load %arg7[%get3A_35] {strides = array<i32>} : memref<80xi32, #tpu.memory_space<vmem>>, vector<16xi32>,
    %gather3A_37 = tpu.vector_load_idx %arg13[%get3A_36] : memref<10000xi32, #tpu.memory_space<vmem>>[vector<16xi32>], vector<16xi32>,
    %swap3A_38 = arith.constant 16 : index
    %swap3A_39 = tpu.vector_load %arg9[%swap3A_38] {strides = array<i32>} : memref<80xi32, #tpu.memory_space<vmem>>, vector<16xi32>,
    tpu.vector_store %arg9[%swap3A_38], %gather3A_37 {strides = array<i32>} : memref<80xi32, #tpu.memory_space<vmem>>, vector<16xi32>,
    %get3A_40 = arith.constant 32 : index
    %get3A_41 = tpu.vector_load %arg7[%get3A_40] {strides = array<i32>} : memref<80xi32, #tpu.memory_space<vmem>>, vector<16xi32>,
    %gather3A_42 = tpu.vector_load_idx %arg13[%get3A_41] : memref<10000xi32, #tpu.memory_space<vmem>>[vector<16xi32>], vector<16xi32>,
    %swap3A_43 = arith.constant 32 : index
    %swap3A_44 = tpu.vector_load %arg9[%swap3A_43] {strides = array<i32>} : memref<80xi32, #tpu.memory_space<vmem>>, vector<16xi32>,
    tpu.vector_store %arg9[%swap3A_43], %gather3A_42 {strides = array<i32>} : memref<80xi32, #tpu.memory_space<vmem>>, vector<16xi32>,
    %get3A_45 = arith.constant 48 : index
    %get3A_46 = tpu.vector_load %arg7[%get3A_45] {strides = array<i32>} : memref<80xi32, #tpu.memory_space<vmem>>, vector<16xi32>,
    %gather3A_47 = tpu.vector_load_idx %arg13[%get3A_46] : memref<10000xi32, #tpu.memory_space<vmem>>[vector<16xi32>], vector<16xi32>,
    %swap3A_48 = arith.constant 48 : index
    %swap3A_49 = tpu.vector_load %arg9[%swap3A_48] {strides = array<i32>} : memref<80xi32, #tpu.memory_space<vmem>>, vector<16xi32>,
    tpu.vector_store %arg9[%swap3A_48], %gather3A_47 {strides = array<i32>} : memref<80xi32, #tpu.memory_space<vmem>>, vector<16xi32>,
    %get3A_50 = arith.constant 64 : index
    %get3A_51 = tpu.vector_load %arg7[%get3A_50] {strides = array<i32>} : memref<80xi32, #tpu.memory_space<vmem>>, vector<16xi32>,
    %gather3A_52 = tpu.vector_load_idx %arg13[%get3A_51] : memref<10000xi32, #tpu.memory_space<vmem>>[vector<16xi32>], vector<16xi32>,
    %swap3A_53 = arith.constant 64 : index
    %swap3A_54 = tpu.vector_load %arg9[%swap3A_53] {strides = array<i32>} : memref<80xi32, #tpu.memory_space<vmem>>, vector<16xi32>,
    tpu.vector_store %arg9[%swap3A_53], %gather3A_52 {strides = array<i32>} : memref<80xi32, #tpu.memory_space<vmem>>, vector<16xi32>,
    %dma_wait3A = arith.constant 0 : i32
    %dma_wait3A_55 = arith.constant 0 : i32
    %dma_wait3A_56 = tpu.memref_slice %arg2[%dma_wait3A, %dma_wait3A_55] : memref<10000x128xf32, #tpu.memory_space<hbm>> -> memref<10000x128xf32, #tpu.memory_space<hbm>>
    tpu.wait_indirect_dma semaphore(%arg17 : memref<!tpu.dma_semaphore, #tpu.memory_space<semaphore_mem>>) src(%dma_wait3A_56 : memref<10000x128xf32, #tpu.memory_space<hbm>>) dst(%arg14 : memref<80x128xf32, #tpu.memory_space<vmem>>)
    "tpu.region"() ({
      %run_scoped3A = tpu.sem_alloc : memref<!tpu.dma_semaphore, #tpu.memory_space<semaphore_mem>>
      %dma_start3A_63 = arith.constant 0 : i32
      %dma_start3A_64 = arith.constant 0 : i32
      %dma_start3A_65 = tpu.memref_slice %arg16[%dma_start3A_63, %dma_start3A_64] : memref<264x128xf32, #tpu.memory_space<vmem_shared>> -> memref<264x128xf32, #tpu.memory_space<vmem_shared>>
      tpu.enqueue_indirect_dma source(%arg14 : memref<80x128xf32, #tpu.memory_space<vmem>>) target(%dma_start3A_65 : memref<264x128xf32, #tpu.memory_space<vmem_shared>>) offsets(%arg9 : memref<80xi32, #tpu.memory_space<vmem>>) semaphore(%run_scoped3A : memref<!tpu.dma_semaphore, #tpu.memory_space<semaphore_mem>>) {add = true}
      %dma_wait3A_66 = arith.constant 0 : i32
      %dma_wait3A_67 = arith.constant 0 : i32
      %dma_wait3A_68 = tpu.memref_slice %arg16[%dma_wait3A_66, %dma_wait3A_67] : memref<264x128xf32, #tpu.memory_space<vmem_shared>> -> memref<264x128xf32, #tpu.memory_space<vmem_shared>>
      tpu.wait_indirect_dma semaphore(%run_scoped3A : memref<!tpu.dma_semaphore, #tpu.memory_space<semaphore_mem>>) src(%arg14 : memref<80x128xf32, #tpu.memory_space<vmem>>) dst(%dma_wait3A_68 : memref<264x128xf32, #tpu.memory_space<vmem_shared>>)
      tpu.yield
    }) : () -> ()
    %barrier3A_57 = arith.constant 0 : index
    tpu.barrier barrier_id(%barrier3A_57)
    %eq3A_58 = arith.constant 0 : i32
    %eq3A_59 = arith.cmpi eq, %arg1, %eq3A_58 : i32
    %convert_element_type3A_60 = arith.extui %eq3A_59 : i1 to i32
    %cond3A_61 = arith.constant 0 : i32
    %cond3A_62 = arith.cmpi ne, %convert_element_type3A_60, %cond3A_61 : i32
    scf.if %cond3A_62 {
      "tpu.region"() ({
        %run_scoped3A = tpu.sem_alloc : memref<!tpu.dma_semaphore, #tpu.memory_space<semaphore_mem>>
        %dma_start3A_63 = arith.constant 0 : i32
        %dma_start3A_64 = arith.constant 0 : i32
        %dma_start3A_65 = tpu.memref_slice %arg6[%arg0, %dma_start3A_63, %dma_start3A_64] : memref<2x264x128xf32, #tpu.memory_space<hbm>> -> memref<1x264x128xf32, #tpu.memory_space<hbm>>
        %dma_start3A_66 = tpu.memref_squeeze %dma_start3A_65 : memref<1x264x128xf32, #tpu.memory_space<hbm>> -> memref<264x128xf32, #tpu.memory_space<hbm>>
        tpu.enqueue_dma source(%arg16 : memref<264x128xf32, #tpu.memory_space<vmem_shared>>) target(%dma_start3A_66 : memref<264x128xf32, #tpu.memory_space<hbm>>) target_semaphore(%run_scoped3A : memref<!tpu.dma_semaphore, #tpu.memory_space<semaphore_mem>>)
        %dma_wait3A_67 = arith.constant 0 : i32
        %dma_wait3A_68 = arith.constant 0 : i32
        %dma_wait3A_69 = tpu.memref_slice %arg6[%arg0, %dma_wait3A_67, %dma_wait3A_68] : memref<2x264x128xf32, #tpu.memory_space<hbm>> -> memref<1x264x128xf32, #tpu.memory_space<hbm>>
        %dma_wait3A_70 = tpu.memref_squeeze %dma_wait3A_69 : memref<1x264x128xf32, #tpu.memory_space<hbm>> -> memref<264x128xf32, #tpu.memory_space<hbm>>
        tpu.wait_dma2 semaphore(%run_scoped3A : memref<!tpu.dma_semaphore, #tpu.memory_space<semaphore_mem>>) src(%arg16 : memref<264x128xf32, #tpu.memory_space<vmem_shared>>) dst(%dma_wait3A_70 : memref<264x128xf32, #tpu.memory_space<hbm>>)
        tpu.yield
      }) : () -> ()
    } else {
    }
    return
  }
}

module attributes {stable_mosaic.version = 14 : i64} {
  func.func @_proj_kernel(%arg0: i32, %arg1: memref<1000x128xf32, #tpu.memory_space<vmem>>, %arg2: memref<128x512xf32, #tpu.memory_space<vmem>>, %arg3: memref<1x512xf32, #tpu.memory_space<vmem>>, %arg4: memref<1000x128xf32, #tpu.memory_space<vmem>>, %arg5: memref<1000x128xf32, #tpu.memory_space<vmem>>, %arg6: memref<1000x128xf32, #tpu.memory_space<vmem>>, %arg7: memref<1000x128xf32, #tpu.memory_space<vmem>>) attributes {dimension_semantics = [#tpu.dimension_semantics<arbitrary>], iteration_bounds = array<i64: 10>, scalar_prefetch = 0 : i64, scratch_operands = 0 : i64, tpu.core_type = #tpu.core_type<tc>, window_params = [{transform_indices = @transform_0, window_bounds = array<i64: 1000, 128>}, {pipeline_mode = #tpu.pipeline_mode<synchronous>, transform_indices = @transform_1, window_bounds = array<i64: 128, 512>}, {pipeline_mode = #tpu.pipeline_mode<synchronous>, transform_indices = @transform_2, window_bounds = array<i64: 1, 512>}, {transform_indices = @transform_3, window_bounds = array<i64: 1000, 128>}, {transform_indices = @transform_4, window_bounds = array<i64: 1000, 128>}, {transform_indices = @transform_5, window_bounds = array<i64: 1000, 128>}, {transform_indices = @transform_6, window_bounds = array<i64: 1000, 128>}]} {
    %get3A = arith.constant 0 : index
    %get3A_0 = arith.constant 0 : index
    %get3A_1 = vector.load %arg1[%get3A, %get3A_0] : memref<1000x128xf32, #tpu.memory_space<vmem>>, vector<1000x128xf32>
    %get3A_2 = arith.constant 0 : index
    %get3A_3 = arith.constant 0 : index
    %get3A_4 = vector.load %arg2[%get3A_2, %get3A_3] : memref<128x512xf32, #tpu.memory_space<vmem>>, vector<128x512xf32>
    %dot_general3A = arith.constant dense<0.000000e+00> : vector<1000x512xf32>
    %dot_general3A_5 = tpu.matmul %get3A_1, %get3A_4, %dot_general3A {dimension_numbers = #tpu.dot_dimension_numbers<[1], [0], [0], [1], [0, 0, 1, 1], [], []>, transpose_lhs_hint = false} : vector<1000x128xf32>, vector<128x512xf32>, vector<1000x512xf32> -> vector<1000x512xf32>
    %get3A_6 = arith.constant 0 : index
    %get3A_7 = arith.constant 0 : index
    %get3A_8 = vector.load %arg3[%get3A_6, %get3A_7] : memref<1x512xf32, #tpu.memory_space<vmem>>, vector<1x512xf32>
    %add3A = vector.broadcast %get3A_8 : vector<1x512xf32> to vector<1000x512xf32>
    %add3A_9 = arith.addf %dot_general3A_5, %add3A : vector<1000x512xf32>
    %slice3A = vector.extract_strided_slice %add3A_9 {offsets = [0, 0], sizes = [1000, 128], strides = [1, 1]} : vector<1000x512xf32> to vector<1000x128xf32>
    %swap3A = arith.constant 0 : index
    %swap3A_10 = arith.constant 0 : index
    %swap3A_11 = vector.load %arg4[%swap3A, %swap3A_10] : memref<1000x128xf32, #tpu.memory_space<vmem>>, vector<1000x128xf32>
    tpu.vector_store %arg4[%swap3A, %swap3A_10], %slice3A {strides = array<i32>} : memref<1000x128xf32, #tpu.memory_space<vmem>>, vector<1000x128xf32>,
    %slice3A_12 = vector.extract_strided_slice %add3A_9 {offsets = [0, 128], sizes = [1000, 128], strides = [1, 1]} : vector<1000x512xf32> to vector<1000x128xf32>
    %swap3A_13 = arith.constant 0 : index
    %swap3A_14 = arith.constant 0 : index
    %swap3A_15 = vector.load %arg5[%swap3A_13, %swap3A_14] : memref<1000x128xf32, #tpu.memory_space<vmem>>, vector<1000x128xf32>
    tpu.vector_store %arg5[%swap3A_13, %swap3A_14], %slice3A_12 {strides = array<i32>} : memref<1000x128xf32, #tpu.memory_space<vmem>>, vector<1000x128xf32>,
    %slice3A_16 = vector.extract_strided_slice %add3A_9 {offsets = [0, 256], sizes = [1000, 128], strides = [1, 1]} : vector<1000x512xf32> to vector<1000x128xf32>
    %swap3A_17 = arith.constant 0 : index
    %swap3A_18 = arith.constant 0 : index
    %swap3A_19 = vector.load %arg6[%swap3A_17, %swap3A_18] : memref<1000x128xf32, #tpu.memory_space<vmem>>, vector<1000x128xf32>
    tpu.vector_store %arg6[%swap3A_17, %swap3A_18], %slice3A_16 {strides = array<i32>} : memref<1000x128xf32, #tpu.memory_space<vmem>>, vector<1000x128xf32>,
    %slice3A_20 = vector.extract_strided_slice %add3A_9 {offsets = [0, 384], sizes = [1000, 128], strides = [1, 1]} : vector<1000x512xf32> to vector<1000x128xf32>
    %swap3A_21 = arith.constant 0 : index
    %swap3A_22 = arith.constant 0 : index
    %swap3A_23 = vector.load %arg7[%swap3A_21, %swap3A_22] : memref<1000x128xf32, #tpu.memory_space<vmem>>, vector<1000x128xf32>
    tpu.vector_store %arg7[%swap3A_21, %swap3A_22], %slice3A_20 {strides = array<i32>} : memref<1000x128xf32, #tpu.memory_space<vmem>>, vector<1000x128xf32>,
    return
  }
  func.func @transform_0(%arg0: i32) -> (i32, i32) {
    %c0_i32 = arith.constant 0 : i32
    %c0_i32_0 = arith.constant 0 : i32
    return %arg0, %c0_i32 : i32, i32
  }
  func.func @transform_1(%arg0: i32) -> (i32, i32) {
    %c0_i32 = arith.constant 0 : i32
    %c0_i32_0 = arith.constant 0 : i32
    %c0_i32_1 = arith.constant 0 : i32
    return %c0_i32, %c0_i32_0 : i32, i32
  }
  func.func @transform_2(%arg0: i32) -> (i32, i32) {
    %c0_i32 = arith.constant 0 : i32
    %c0_i32_0 = arith.constant 0 : i32
    %c0_i32_1 = arith.constant 0 : i32
    return %c0_i32, %c0_i32_0 : i32, i32
  }
  func.func @transform_3(%arg0: i32) -> (i32, i32) {
    %c0_i32 = arith.constant 0 : i32
    %c0_i32_0 = arith.constant 0 : i32
    return %arg0, %c0_i32 : i32, i32
  }
  func.func @transform_4(%arg0: i32) -> (i32, i32) {
    %c0_i32 = arith.constant 0 : i32
    %c0_i32_0 = arith.constant 0 : i32
    return %arg0, %c0_i32 : i32, i32
  }
  func.func @transform_5(%arg0: i32) -> (i32, i32) {
    %c0_i32 = arith.constant 0 : i32
    %c0_i32_0 = arith.constant 0 : i32
    return %arg0, %c0_i32 : i32, i32
  }
  func.func @transform_6(%arg0: i32) -> (i32, i32) {
    %c0_i32 = arith.constant 0 : i32
    %c0_i32_0 = arith.constant 0 : i32
    return %arg0, %c0_i32 : i32, i32
  }
}

module attributes {stable_mosaic.version = 14 : i64} {
  func.func @_finalize_kernel(%arg0: i32, %arg1: memref<1x1000x128xf32, #tpu.memory_space<vmem>>, %arg2: memref<1x1000x128xf32, #tpu.memory_space<vmem>>, %arg3: memref<1000x1xf32, #tpu.memory_space<vmem>>, %arg4: memref<1000x128xf32, #tpu.memory_space<vmem>>, %arg5: memref<1000x128xf32, #tpu.memory_space<vmem>>) attributes {dimension_semantics = [#tpu.dimension_semantics<arbitrary>], iteration_bounds = array<i64: 10>, scalar_prefetch = 0 : i64, scratch_operands = 0 : i64, tpu.core_type = #tpu.core_type<tc>, window_params = [{transform_indices = @transform_0, window_bounds = array<i64: 1, 1000, 128>}, {transform_indices = @transform_1, window_bounds = array<i64: 1, 1000, 128>}, {transform_indices = @transform_2, window_bounds = array<i64: 1000, 1>}, {transform_indices = @transform_3, window_bounds = array<i64: 1000, 128>}, {transform_indices = @transform_4, window_bounds = array<i64: 1000, 128>}]} {
    %get3A = arith.constant 0 : index
    %get3A_0 = arith.constant 0 : index
    %get3A_1 = arith.constant 0 : index
    %get3A_2 = vector.load %arg1[%get3A, %get3A_0, %get3A_1] : memref<1x1000x128xf32, #tpu.memory_space<vmem>>, vector<1x1000x128xf32>
    %get3A_3 = vector.shape_cast %get3A_2 : vector<1x1000x128xf32> to vector<1000x128xf32>
    %get3A_4 = arith.constant 0 : index
    %get3A_5 = arith.constant 0 : index
    %get3A_6 = arith.constant 0 : index
    %get3A_7 = vector.load %arg2[%get3A_4, %get3A_5, %get3A_6] : memref<1x1000x128xf32, #tpu.memory_space<vmem>>, vector<1x1000x128xf32>
    %get3A_8 = vector.shape_cast %get3A_7 : vector<1x1000x128xf32> to vector<1000x128xf32>
    %add3A = arith.addf %get3A_3, %get3A_8 : vector<1000x128xf32>
    %get3A_9 = arith.constant 0 : index
    %get3A_10 = arith.constant 0 : index
    %get3A_11 = vector.load %arg3[%get3A_9, %get3A_10] : memref<1000x1xf32, #tpu.memory_space<vmem>>, vector<1000x1xf32>
    %add3A_12 = arith.constant 1.000000e-16 : f32
    %add3A_13 = vector.broadcast %add3A_12 : f32 to vector<1000x1xf32>
    %add3A_14 = arith.addf %get3A_11, %add3A_13 : vector<1000x1xf32>
    %div3A = vector.broadcast %add3A_14 : vector<1000x1xf32> to vector<1000x128xf32>
    %div3A_15 = arith.divf %add3A, %div3A : vector<1000x128xf32>
    %get3A_16 = arith.constant 0 : index
    %get3A_17 = arith.constant 0 : index
    %get3A_18 = vector.load %arg4[%get3A_16, %get3A_17] : memref<1000x128xf32, #tpu.memory_space<vmem>>, vector<1000x128xf32>
    %add3A_19 = arith.addf %div3A_15, %get3A_18 : vector<1000x128xf32>
    %swap3A = arith.constant 0 : index
    %swap3A_20 = arith.constant 0 : index
    %swap3A_21 = vector.load %arg5[%swap3A, %swap3A_20] : memref<1000x128xf32, #tpu.memory_space<vmem>>, vector<1000x128xf32>
    tpu.vector_store %arg5[%swap3A, %swap3A_20], %add3A_19 {strides = array<i32>} : memref<1000x128xf32, #tpu.memory_space<vmem>>, vector<1000x128xf32>,
    return
  }
  func.func @transform_0(%arg0: i32) -> (i32, i32, i32) {
    %c0_i32 = arith.constant 0 : i32
    %c0_i32_0 = arith.constant 0 : i32
    %c0_i32_1 = arith.constant 0 : i32
    return %c0_i32, %arg0, %c0_i32_0 : i32, i32, i32
  }
  func.func @transform_1(%arg0: i32) -> (i32, i32, i32) {
    %c1_i32 = arith.constant 1 : i32
    %c0_i32 = arith.constant 0 : i32
    %c0_i32_0 = arith.constant 0 : i32
    return %c1_i32, %arg0, %c0_i32 : i32, i32, i32
  }
  func.func @transform_2(%arg0: i32) -> (i32, i32) {
    %c0_i32 = arith.constant 0 : i32
    %c0_i32_0 = arith.constant 0 : i32
    return %arg0, %c0_i32 : i32, i32
  }
  func.func @transform_3(%arg0: i32) -> (i32, i32) {
    %c0_i32 = arith.constant 0 : i32
    %c0_i32_0 = arith.constant 0 : i32
    return %arg0, %c0_i32 : i32, i32
  }
  func.func @transform_4(%arg0: i32) -> (i32, i32) {
    %c0_i32 = arith.constant 0 : i32
    %c0_i32_0 = arith.constant 0 : i32
    return %arg0, %c0_i32 : i32, i32
  }
}

module attributes {stable_mosaic.version = 14 : i64} {
  func.func @_head_kernel(%arg0: memref<256x128xf32, #tpu.memory_space<vmem>>, %arg1: memref<128x10000xf32, #tpu.memory_space<vmem>>, %arg2: memref<1x10000xf32, #tpu.memory_space<vmem>>, %arg3: memref<256x10000xf32, #tpu.memory_space<vmem>>) attributes {dimension_semantics = [], scalar_prefetch = 0 : i64, scratch_operands = 0 : i64, tpu.core_type = #tpu.core_type<tc>} {
    %get3A = arith.constant 0 : index
    %get3A_0 = arith.constant 0 : index
    %get3A_1 = vector.load %arg0[%get3A, %get3A_0] : memref<256x128xf32, #tpu.memory_space<vmem>>, vector<256x128xf32>
    %get3A_2 = arith.constant 0 : index
    %get3A_3 = arith.constant 0 : index
    %get3A_4 = vector.load %arg1[%get3A_2, %get3A_3] : memref<128x10000xf32, #tpu.memory_space<vmem>>, vector<128x10000xf32>
    %dot_general3A = arith.constant dense<0.000000e+00> : vector<256x10000xf32>
    %dot_general3A_5 = tpu.matmul %get3A_1, %get3A_4, %dot_general3A {dimension_numbers = #tpu.dot_dimension_numbers<[1], [0], [0], [1], [0, 0, 1, 1], [], []>, transpose_lhs_hint = false} : vector<256x128xf32>, vector<128x10000xf32>, vector<256x10000xf32> -> vector<256x10000xf32>
    %get3A_6 = arith.constant 0 : index
    %get3A_7 = arith.constant 0 : index
    %get3A_8 = vector.load %arg2[%get3A_6, %get3A_7] : memref<1x10000xf32, #tpu.memory_space<vmem>>, vector<1x10000xf32>
    %add3A = vector.broadcast %get3A_8 : vector<1x10000xf32> to vector<256x10000xf32>
    %add3A_9 = arith.addf %dot_general3A_5, %add3A : vector<256x10000xf32>
    %reduce_max3A = arith.constant dense<0xFF800000> : vector<256xf32>
    %reduce_max3A_10 = vector.multi_reduction <maximumf>, %add3A_9, %reduce_max3A [1] : vector<256x10000xf32> to vector<256xf32>
    %broadcast_in_dim3A = vector.shape_cast %reduce_max3A_10 : vector<256xf32> to vector<256x1xf32>
    %sub3A = vector.broadcast %broadcast_in_dim3A : vector<256x1xf32> to vector<256x10000xf32>
    %sub3A_11 = arith.subf %add3A_9, %sub3A : vector<256x10000xf32>
    %exp3A = math.exp %sub3A_11 : vector<256x10000xf32>
    %reduce_sum3A = arith.constant dense<0.000000e+00> : vector<256xf32>
    %reduce_sum3A_12 = vector.multi_reduction <add>, %exp3A, %reduce_sum3A [1] : vector<256x10000xf32> to vector<256xf32>
    %broadcast_in_dim3A_13 = vector.shape_cast %reduce_sum3A_12 : vector<256xf32> to vector<256x1xf32>
    %div3A = vector.broadcast %broadcast_in_dim3A_13 : vector<256x1xf32> to vector<256x10000xf32>
    %div3A_14 = arith.divf %exp3A, %div3A : vector<256x10000xf32>
    %swap3A = arith.constant 0 : index
    %swap3A_15 = arith.constant 0 : index
    %swap3A_16 = vector.load %arg3[%swap3A, %swap3A_15] : memref<256x10000xf32, #tpu.memory_space<vmem>>, vector<256x10000xf32>
    tpu.vector_store %arg3[%swap3A, %swap3A_15], %div3A_14 {strides = array<i32>} : memref<256x10000xf32, #tpu.memory_space<vmem>>, vector<256x10000xf32>,
    return
  }
}

</mosaic_0001>

<sc_bundles>
// kernel: kernel.10.cloned.1.call-start
scs
__scs_entry_jumppad:
0x0: {  	(pc) =	sbr.rel $0x88, $3  }
0x1: {  	(tag) =	ssettag $0x0;
	lr =	simm.s32 $0x1  }
0x2: {  	[smem:$0x3F94] =	sst lr;
	_ =	strace $0xD0000000  }
0x3: {  	_ = 	snop  }
0x4: {  	_ = 	snop  }
0x5: {  	_ = 	snop  }
0x6: {  	_ = 	snop  }
0x7: {  	_ = 	snop  }
__scs_overlays_trampoline_lowered:
0x8: {  	[smem:$0x3FA3] =	sst s0  }
0x9: {  	[smem:$0x3FA4] =	sst s1  }
0xa: {  	[smem:$0x3FA5] =	sst s2  }
0xb: {  	[smem:$0x3FA6] =	sst s3  }
0xc: {  	[smem:$0x3FA7] =	sst s4  }
0xd: {  	[smem:$0x3FA8] =	sst s5  }
0xe: {  	[smem:$0x3FA9] =	sst s6  }
0xf: {  	[smem:$0x3FAA] =	sst s7  }
0x10: {  	[smem:$0x3FAB] =	sst s8  }
0x11: {  	[smem:$0x3FAC] =	sst s9;
	s0 =	simm.s32 @!p0 $0x0  }
0x12: {  	s1 =	sld [smem:$0x3F92];
	s0 =	simm.s32 @p0 $0x1  }
0x13: {  	[smem:$0x3FAD] =	sst s0;
	s0 =	simm.s32 @!p1 $0x0  }
0x14: {  	s2 =	sld [smem:$0x3F91];
	s0 =	simm.s32 @p1 $0x1  }
0x15: {  	[smem:$0x3FAE] =	sst s0;
	s0 =	simm.s32 @!p2 $0x0  }
0x16: {  	s3 =	sld [smem:$0x3FDB];
	s0 =	simm.s32 @p2 $0x1  }
0x17: {  	s4 =	simm.s32 $0x1BF5;
	[smem:$0x3FB0] =	sst s0  }
0x18: {  	s0 =	sld [smem:$0x3F93];
	_ =	swait.ge [sflag:s4], $0x0  }
0x19: {  	s7 =	sld [smem:$0x3F94]  }
0x1a: {  	s8 =	sadd.s32 $0xFFFFE003, lr  }
0x1b: {  	s9 =	sadd.s32 $0xFFFFFEF7, lr;
	s5 =	simm.s32 $0xFFFFFFFF;
	p2 =	slt.u32 s8, $0xFFFFF086  }
0x1c: {  	p1 =	slt.u32 s9, $0xF7A;
	s5 =	simm.s32 @!p2 $0x0  }
0x1d: {  	s5 =	simm.s32 @p1 $0x1;
	p0 =	seq.s32 s7, s2  }
0x1e: {  	s7 =	smul.u32 @!p0 $0xF7A, s2;
	p2 =	seq.s32 @!p0 s5, $0x0  }
0x1f: {  	s9 =	smul.u32 $0xF7A, s1;
	s8 =	simm.s32 @!p0 $0x1BF5;
	p2 =	por !p2, p0  }
0x20: {  	[sflag:s8] =	ssyncset.s32 @!p0 $0xFFFFF086;
	s6 =	sadd.s32 @!p0 s3, s7;
	s7 =	simm.s32 @!p0 $0x108  }
0x21: {  	s3 =	sadd.s32 s3, s9;
	s6 =	sadd.s32 @!p0 $0x88, s6;
	s7 =	simm.s32 @p2 $0x1082  }
0x22: {  	[simem:s7], [sflag:s8] =	dma.local @!p0 [hbm:s6], $0xF7A  }
0x23: {  	s9 =	sor.u32 $0xD0000000, s2;
	s6 =	simm.s32 $0x108;
	_ =	swait.ge @!p0 [sflag:s8], $0x0  }
0x24: {  	s3 =	sadd.s32 $0x88, s3;
	s6 =	simm.s32 @!p1 $0x1082;
	[sflag:s4] =	ssyncset.s32 $0xFFFFF086  }
0x25: {  	[simem:s6], [sflag:s4] =	dma.local [hbm:s3], $0xF7A  }
0x26: {  	[smem:$0x3F94] =	sst s1;
	(tag) =	ssettag s2;
	_ =	strace s9  }
0x27: {  	s1 =	sld [smem:$0x3FA4]  }
0x28: {  	s2 =	sld [smem:$0x3FA5]  }
0x29: {  	s4 =	sld [smem:$0x3FA7]  }
0x2a: {  	p0 =	seq.s32 s5, $0x0;
	s5 =	sld [smem:$0x3FA8]  }
0x2b: {  	s6 =	sld [smem:$0x3FA9]  }
0x2c: {  	s7 =	sld [smem:$0x3FAA]  }
0x2d: {  	s3 =	simm.s32 $0x108;
	s8 =	sld [smem:$0x3FAB]  }
0x2e: {  	s3 =	simm.s32 @!p0 $0x1082;
	s9 =	sld [smem:$0x3FAC]  }
0x2f: {  	lr =	sadd.s32 s0, s3;
	s0 =	sld [smem:$0x3FA3]  }
0x30: {  	s3 =	sld [smem:$0x3FA6]  }
0x31: {  	[smem:$0x3FAF] =	sst s10  }
0x32: {  	s10 =	sld [smem:$0x3FAD];
	_ =	sdelay $0x3  }
0x33: {  	p0 =	seq.s32 s10, $0x1;
	s10 =	sld [smem:$0x3FAF];
	_ =	sdelay $0x3  }
0x34: {  	[smem:$0x3FAF] =	sst s10  }
0x35: {  	s10 =	sld [smem:$0x3FAE];
	_ =	sdelay $0x3  }
0x36: {  	p1 =	seq.s32 s10, $0x1;
	s10 =	sld [smem:$0x3FAF];
	_ =	sdelay $0x3  }
0x37: {  	[smem:$0x3FAF] =	sst s10  }
0x38: {  	s10 =	sld [smem:$0x3FB0]  }
0x39: {  	_ = 	snop;
	(pc) =	sbr.ind lr, $3  }
0x3a: {  	_ = 	snop  }
0x3b: {  	_ = 	snop  }
0x3c: {  	p2 =	seq.s32 s10, $0x1;
	s10 =	sld [smem:$0x3FAF]  }
0x3d: {  	_ =	shalt  }
0x3e: {  	_ =	shalt  }
0x3f: {  	_ =	shalt  }
0x40: {  	_ =	shalt  }
0x41: {  	_ =	shalt  }
0x42: {  	_ =	shalt  }
0x43: {  	_ =	shalt  }
0x44: {  	_ =	shalt  }
0x45: {  	_ =	shalt  }
0x46: {  	_ =	shalt  }
0x47: {  	_ =	shalt  }
0x48: {  	_ =	shalt  }
0x49: {  	_ =	shalt  }
0x4a: {  	_ =	shalt  }
0x4b: {  	_ =	shalt  }
0x4c: {  	_ =	shalt  }
0x4d: {  	_ =	shalt  }
0x4e: {  	_ =	shalt  }
0x4f: {  	_ =	shalt  }
0x50: {  	_ =	shalt  }
0x51: {  	_ =	shalt  }
0x52: {  	_ =	shalt  }
0x53: {  	_ =	shalt  }
0x54: {  	_ =	shalt  }
0x55: {  	_ =	shalt  }
0x56: {  	_ =	shalt  }
0x57: {  	_ =	shalt  }
0x58: {  	_ =	shalt  }
0x59: {  	_ =	shalt  }
0x5a: {  	_ =	shalt  }
0x5b: {  	_ =	shalt  }
0x5c: {  	_ =	shalt  }
0x5d: {  	_ =	shalt  }
0x5e: {  	_ =	shalt  }
0x5f: {  	_ =	shalt  }
0x60: {  	_ =	shalt  }
0x61: {  	_ =	shalt  }
0x62: {  	_ =	shalt  }
0x63: {  	_ =	shalt  }
0x64: {  	_ =	shalt  }
0x65: {  	_ =	shalt  }
0x66: {  	_ =	shalt  }
0x67: {  	_ =	shalt  }
0x68: {  	_ =	shalt  }
0x69: {  	_ =	shalt  }
0x6a: {  	_ =	shalt  }
0x6b: {  	_ =	shalt  }
0x6c: {  	_ =	shalt  }
0x6d: {  	_ =	shalt  }
0x6e: {  	_ =	shalt  }
0x6f: {  	_ =	shalt  }
0x70: {  	_ =	shalt  }
0x71: {  	_ =	shalt  }
0x72: {  	_ =	shalt  }
0x73: {  	_ =	shalt  }
0x74: {  	_ =	shalt  }
0x75: {  	_ =	shalt  }
0x76: {  	_ =	shalt  }
0x77: {  	_ =	shalt  }
0x78: {  	_ =	shalt  }
0x79: {  	_ =	shalt  }
0x7a: {  	_ =	shalt  }
0x7b: {  	_ =	shalt  }
0x7c: {  	_ =	shalt  }
0x7d: {  	_ =	shalt  }
0x7e: {  	_ =	shalt  }
0x7f: {  	_ =	shalt  }
0x80: {  	_ =	shalt  }
0x81: {  	_ =	shalt  }
0x82: {  	_ =	shalt  }
0x83: {  	_ =	shalt  }
0x84: {  	_ =	shalt  }
0x85: {  	_ =	shalt  }
0x86: {  	_ =	shalt  }
0x87: {  	_ =	shalt  }
.Lfunc_end0:
.L_simem_size_0:
called_computation.1_lowered:
.L_overlay_start_0:
0x88: {  	s2 =	sld [smem:$0x3FD9]  }
0x89: {  	s3 =	sld [smem:$0x3FFE];
	_ =	sdelay $0x1  }
0x8a: {  	s1 =	srdreg.scid  }
0x8b: {  	s0 =	sand.u32 $0x1, s1  }
0x8c: {  	s17 =	sshll.u32 s0, $0xA;
	s2 =	sadd.s32 s3, s2  }
0x8d: {  	s2 =	sadd.s32 s2, s17  }
0x8e: {  	[smem:$0x3FBB] =	sst s2  }
0x8f: {  	_ = 	snop  }
0x90: {  	s2 =	sld [smem:$0x3FD0];
	(tm) =	ssettm $0x1  }
0x91: {  	s18 =	sld [smem:$0x3FFB];
	_ =	sdelay $0x3  }
0x92: {  	_ =	strace s18  }
0x93: {  	s3 =	sld [smem:$0x3FFC];
	_ =	sdelay $0x3  }
0x94: {  	_ =	strace s3  }
0x95: {  	s3 =	sld [smem:$0x3FFD];
	_ =	sdelay $0x3  }
0x96: {  	_ =	strace s3  }
0x97: {  	_ =	strace $0x8FFFFFFF  }
0x98: {  	s19 =	sld [smem:$0x3FDB];
	_ =	sdelay $0x1  }
0x99: {  	s4 =	simm.s32 $_scs_section_size  }
0x9a: {  	s5 =	simm.s32 $_size__tile_overlayer_lowered;
	s6 =	simm.s32 $_tile_overlayer_lowered  }
0x9b: {  	s22 =	simm.s32 $0x1BFF;
	s21 =	sshll.u32 s6, $0x1;
	s3 =	sadd.s32 s4, s19  }
0x9c: {  	s7 =	simm.s32 $0x0;
	s20 =	sshll.u32 s5, $0x1;
	s5 =	sadd.s32 s21, s3  }
0x9d: {  	[timem:s7], [sflag:s22] =	dma.local [hbm:s5], s20  }
0x9e: {  	_ =	swait.ge [sflag:s22], s20  }
0x9f: {  	s4 =	ssub.s32 $0x0, s20;
	[sflag:s22] =	ssyncset.done $0x0  }
0xa0: {  	[sflag:s22] =	ssyncadd.s32 s4;
	_ =	sdelay $0x1  }
0xa1: {  	s23 =	simm.s32 $0x1B8B  }
0xa2: {  	_ =	swait.ge [sflag:s23], $0x1  }
0xa3: {  	[sflag:s23] =	ssyncset.done $0x0  }
0xa4: {  	s25 =	simm.s32 $0x1B8E;
	s24 =	sld [smem:$0x3FFE];
	[sflag:s23] =	ssyncadd.s32 $0xFFFFFFFF  }
0xa5: {  	s26 =	simm.s32 $execute0_lowered;
	[smem:$0x3FD2] =	sst s25  }
0xa6: {  	s5 =	sshll.u32 s26, $0x1;
	_ =	strace $0x80000049;
	[dreg:$0x1] =	wrdreg $0xFFFFFFFF  }
0xa7: {  	s28 =	simm.s32 $_size_execute0_lowered;
	s3 =	sadd.s32 s3, s5;
	[dreg:$0x0] =	wrdreg $0x0  }
0xa8: {  	s5 =	sshll.u32 s28, $0x1;
	[dreg:$0x2] =	wrdreg s3  }
0xa9: {  	[dreg:$0x3] =	wrdreg s5  }
0xaa: {  	[dreg:$0x4] =	wrdreg $0xC0  }
0xab: {  	_ =	task [dreg:s7], $0x5FFFF  }
0xac: {  	[dreg:$0x1] =	wrdreg $0xFFFFFFFF  }
0xad: {  	[dreg:$0x0] =	wrdreg $0x60  }
0xae: {  	[dreg:$0x2] =	wrdreg s2  }
0xaf: {  	[dreg:$0x3] =	wrdreg s24  }
0xb0: {  	[dreg:$0x4] =	wrdreg $0x7A800  }
0xb1: {  	[dreg:$0x5] =	wrdreg $0x9  }
0xb2: {  	_ =	task.clear_ibuf [dreg:s7], $0x6FFFF;
	_ =	strace $0x90000049  }
0xb3: {  	s29 =	simm.s32 $0x9;
	_ =	strace $0x8000004B  }
0xb4: {  	_ =	swait.ge [sflag:s29], $0x1  }
0xb5: {  	[sflag:s29] =	ssyncadd.s32 $0xFFFFFFFF  }
0xb6: {  	_ =	strace $0x9000004B  }
0xb7: {  	_ =	sfence  }
0xb8: {  	s30 =	sld [smem:$0x0];
	_ =	sdelay $0x2  }
0xb9: {  	s31 =	sshll.u32 s1, $0xD;
	s1 =	sshrl.u32 s1, $0x2  }
0xba: {  	s3 =	sand.u32 $0x4000, s31;
	s1 =	sadd.s32 s1, s30  }
0xbb: {  	s0 =	sor.u32 s3, s0;
	s1 =	sshll.u32 s1, $0x11  }
0xbc: {  	s0 =	sor.u32 s1, s0  }
0xbd: {  	s0 =	sadd.s32 $0x8F2B, s0  }
0xbe: {  	[sflag:s0] =	ssyncadd.remote.s32 $0x1  }
0xbf: {  	_ =	sfence.sel $0xFFFF  }
0xc0: {  	[dreg:$0x0] =	wrdreg $0xFFFFFFFF;
	(pc) =	sbr.abs _section_cstart, $3  }
0xc1: {  	[dreg:$0x1] =	wrdreg $0xFFFFFFFF  }
0xc2: {  	_ =	task.clear_ibuf [dreg:s7], $0x2FFFF;
	_ =	strace $0x9FFFFFFF  }
0xc3: {  	(tm) =	ssettm $0x7FFFFFFF  }
tec
execute0_lowered:
.L_overlay_start_1:
0x0: {  	(tag) =	ssettag $0x1  }
0x1: {  	s1 =	rddreg [dreg:$0x0]  }
0x2: {  	s0 =	rddreg [dreg:$0x1]  }
0x3: {  	s2 =	rddreg [dreg:$0x2];
	s3 =	simm.s32 $0x0;
	s4 =	srdreg.scid  }
0x4: {  	s25 =	stileid.u32;
	s17 =	simm.s32 $0x3;
	s18 =	simm.s32 $0x80  }
0x5: {  	s19 =	simm.s32 $0x50;
	s20 =	simm.s32 $0x2A80;
	s21 =	simm.s32 $0x180  }
0x6: {  	s22 =	simm.s32 $0x200;
	s28 =	simm.s32 $0x280;
	s29 =	simm.s32 $0x0  }
0x7: {  	[smem:$0x7FF] =	sst s3;
	s15 =	sadd.s32 $0xC000, s0;
	s5 =	sand.u32 $0x1, s4  }
0x8: {  	s14 =	sadd.s32 $0x2200, s0;
	s23 =	sadd.s32 $0x95200, s0;
	s24 =	sadd.s32 $0x7800, s2  }
0x9: {  	s12 =	smul.u32 $0x2710, s25;
	p3 =	sgt.s32 s25, $0x1;
	_ =	strace $0x8000004A  }
0xa: {  	s4 =	sshll.u32 s5, $0x4;
	s6 =	smul.u32 $0x1080, s5;
	[dreg:$0x4] =	wrdreg s23  }
0xb: {  	s7 =	ssub.s32 $0x2, s5;
	s10 =	smul.u32 $0x27100, s5;
	[dreg:$0x5] =	wrdreg s24  }
0xc: {  	p1 =	seq.s32 @p3 s25, $0x2;
	p4 =	seq.s32 @!p3 s25, $0x0;
	s23 =	simm.s32 $0x5280  }
0xd: {  	s24 =	simm.s32 $0x1;
	s8 =	sor.u32 s25, s4;
	s9 =	sshrl.u32 s7, $0x1  }
0xe: {  	p0 =	por p1, !p3;
	p5 =	por p4, p3;
	s8 =	smul.u32 $0x2710, s8  }
0xf: {  	s0 =	sadd.s32 s6, s0;
	s11 =	ssub.s32 s7, s9;
	s6 =	sadd.s32 $0x5000, s2  }
0x10: {  	s7 =	sadd.s32 $0x2800, s2;
	s13 =	sadd.s32 s12, s10;
	p2 =	seq.s32 @!p0 s25, $0x3  }
0x11: {  	p0 =	por !p1, !p3;
	p5 =	seq.s32 @!p5 s25, $0x1;
	s10 =	sadd.s32 $0x15E00, s0  }
0x12: {  	s11 =	smax.u32 s11, $0x1;
	s30 =	sshrl.u32 s13, $0x3;
	s16 =	sadd.s32 $0x50, s13  }
0x13: {  	p1 =	por @p3 !p2, p1;
	p2 =	por !p4, p3;
	p4 =	por @!p3 !p5, p4  }
0x14: {  	s8 =	sshrl.u32 s8, $0x3;
	s12 =	sadd.s32 s30, s14;
	s13 =	sadd.s32 s30, s15  }
0x15: {  	s31 =	sshrl.u32 s16, $0x3;
	p1 =	por p1, !p3;
	p3 =	por p4, p3  }
0x16: {  	s16 =	simm.s32 $0x300;
	p4 =	sne.s32 s25, $0x0;
	s26 =	sadd.s32 $0x4D8, s8  }
0x17: {  	s25 =	simm.s32 $0x100;
	s8 =	sadd.s32 s15, s26;
	s9 =	sadd.s32 s14, s26  }
0x18: {  	v0 =	vimm.f32 $0.0e+00;
	s14 =	sadd.s32 s31, s14;
	s15 =	sadd.s32 s31, s15;
	s26 =	simm.s32 $0x2  }
.LBB2_1:
0x19: {  	s30 =	simm.s32 $0x0;
	s31 =	simm.s32 $0x200  }
.LBB2_2:
0x1a: {  	p5 =	sne.s32 s31, $0x9E00;
	[tilespmem:s30+$0x2AF0] =	vst v0  }
0x1b: {  	[tilespmem:s30+$0x2A80] =	vst v0  }
0x1c: {  	[tilespmem:s30+$0x2A90] =	vst v0  }
.Ltmp0:
0x1d: {  	[tilespmem:s30+$0x2AA0] =	vst v0;
	(pc) =	sbr.rel @p5 .LBB2_2-.Ltmp0, $4  }
0x1e: {  	[tilespmem:s30+$0x2AB0] =	vst v0  }
0x1f: {  	[tilespmem:s30+$0x2AC0] =	vst v0  }
0x20: {  	[tilespmem:s30+$0x2AD0] =	vst v0  }
0x21: {  	[tilespmem:s30+$0x2AE0] =	vst v0;
	s30 =	sshra.s32 s31, $0x2;
	s31 =	sadd.s32 $0x200, s31  }
0x22: {  	[tilespmem:s30+$0x2AF0] =	vst v0  }
0x23: {  	[tilespmem:s30+$0x2A80] =	vst v0  }
0x24: {  	[tilespmem:s30+$0x2A90] =	vst v0  }
0x25: {  	[tilespmem:s30+$0x2AA0] =	vst v0  }
0x26: {  	[tilespmem:s30+$0x2AB0] =	vst v0  }
0x27: {  	[tilespmem:s30+$0x2AC0] =	vst v0  }
0x28: {  	[tilespmem:s30+$0x2AD0] =	vst v0  }
0x29: {  	[tilespmem:s30+$0x2AE0] =	vst v0;
	s0 =	simm.s32 @!p0 $0x2A80  }
0x2a: {  	[spmem:s6] =	stream.linear.scatter @!p0 [tilespmem:s0], [sflag:$0x3], $0x2800, $0x38;
	[tilespmem:$0x82C0] =	vst v63  }
0x2b: {  	s0 =	simm.s32 @!p0 $0x3  }
0x2c: {  	_ =	swait.ge @!p0 [sflag:s0], $0x2800  }
0x2d: {  	[sflag:s0] =	ssyncset.done @!p0 $0x0  }
0x2e: {  	s4 =	rddreg [dreg:$0x5];
	[sflag:s0] =	ssyncadd.s32 @!p0 $0xFFFFD800;
	s0 =	simm.s32 @!p1 $0x2A80  }
0x2f: {  	[spmem:s4] =	stream.linear.scatter @!p1 [tilespmem:s0], [sflag:$0x3], $0xC00, $0x38;
	[tilespmem:$0x82C0] =	vst v63  }
0x30: {  	s0 =	simm.s32 @!p1 $0x3  }
0x31: {  	_ =	swait.ge @!p1 [sflag:s0], $0xC00  }
0x32: {  	[sflag:s0] =	ssyncset.done @!p1 $0x0  }
0x33: {  	[sflag:s0] =	ssyncadd.s32 @!p1 $0xFFFFF400;
	s0 =	simm.s32 @!p2 $0x2A80  }
0x34: {  	[spmem:s2] =	stream.linear.scatter @!p2 [tilespmem:s0], [sflag:$0x3], $0x2800, $0x38;
	[tilespmem:$0x82C0] =	vst v63  }
0x35: {  	s0 =	simm.s32 @!p2 $0x3  }
0x36: {  	_ =	swait.ge @!p2 [sflag:s0], $0x2800  }
0x37: {  	[sflag:s0] =	ssyncset.done @!p2 $0x0  }
0x38: {  	[sflag:s0] =	ssyncadd.s32 @!p2 $0xFFFFD800;
	s0 =	simm.s32 @!p3 $0x2A80  }
0x39: {  	[spmem:s7] =	stream.linear.scatter @!p3 [tilespmem:s0], [sflag:$0x3], $0x2800, $0x38;
	[tilespmem:$0x82C0] =	vst v63  }
0x3a: {  	s0 =	simm.s32 @!p3 $0x3  }
0x3b: {  	_ =	swait.ge @!p3 [sflag:s0], $0x2800  }
0x3c: {  	[sflag:s0] =	ssyncset.done @!p3 $0x0  }
0x3d: {  	s4 =	simm.s32 $0x0;
	s5 =	rddreg [dreg:$0x4];
	[sflag:s0] =	ssyncadd.s32 @!p3 $0xFFFFD800  }
0x3e: {  	[tilespmem:s16], [sflag:$0x3] =	stream.linear.gather [hbm4b:s5+s4], $0x2780, $0x38;
	[tilespmem:$0x82C0] =	vst v63  }
0x3f: {  	_ =	swait.ge [sflag:s17], $0x2780  }
0x40: {  	[sflag:s17] =	ssyncset.done $0x0  }
0x41: {  	[sflag:s17] =	ssyncadd.s32 $0xFFFFD880  }
0x42: {  	s4 =	sadd.s32 $0x0, s13;
	[bflag:$0x0] =	sbarrier.arrive $0xFFFF  }
0x43: {  	[tilespmem:s3], [sflag:$0x3] =	stream.linear.gather [hbm4b:s4+s3], $0x50, $0x38;
	[tilespmem:$0x82C0] =	vst v63  }
0x44: {  	_ =	swait.ge [sflag:s17], $0x50  }
0x45: {  	[sflag:s17] =	ssyncset.done $0x0  }
0x46: {  	s5 =	sadd.s32 $0x0, s12;
	[sflag:s17] =	ssyncadd.s32 $0xFFFFFFB0  }
0x47: {  	[tilespmem:s18], [sflag:$0x3] =	stream.linear.gather [hbm4b:s5+s3], $0x50, $0x38;
	[tilespmem:$0x82C0] =	vst v63  }
0x48: {  	_ =	swait.ge [sflag:s17], $0x50  }
0x49: {  	[sflag:s17] =	ssyncset.done $0x0  }
0x4a: {  	[sflag:s17] =	ssyncadd.s32 $0xFFFFFFB0  }
0x4b: {  	[tilespmem:s20], [sflag:$0x1] =	stream.indirect.gather [hbm4b:s1+s19], $0x80, s18, s19, $0xb8;
	[tilespmem:$0x82C0] =	vst v63  }
0x4c: {  	s4 =	sadd.s32 $0x0, s15  }
0x4d: {  	[tilespmem:s21], [sflag:$0x3] =	stream.linear.gather [hbm4b:s4+s3], $0x50, $0x38;
	[tilespmem:$0x82C0] =	vst v63  }
0x4e: {  	_ =	swait.ge [sflag:s17], $0x50  }
0x4f: {  	[sflag:s17] =	ssyncset.done $0x0  }
0x50: {  	s5 =	sadd.s32 $0x0, s14;
	[sflag:s17] =	ssyncadd.s32 $0xFFFFFFB0  }
0x51: {  	[tilespmem:s22], [sflag:$0x3] =	stream.linear.gather [hbm4b:s5+s3], $0x50, $0x38;
	[tilespmem:$0x82C0] =	vst v63  }
0x52: {  	_ =	swait.ge [sflag:s17], $0x50  }
0x53: {  	[sflag:s17] =	ssyncset.done $0x0  }
0x54: {  	[sflag:s17] =	ssyncadd.s32 $0xFFFFFFB0  }
0x55: {  	[tilespmem:s23], [sflag:$0x2] =	stream.indirect.gather [hbm4b:s1+s19], $0x80, s22, s19, $0xb8;
	[tilespmem:$0x82C0] =	vst v63  }
0x56: {  	v1 =	vld [tilespmem:$0x0];
	_ =	sdelay $0x5  }
0x57: {  	v2 =	vld [tilespmem:$0x10];
	_ =	sdelay $0x1  }
0x58: {  	v1 =	vld.idx.msk [tilespmem:v1+s16+$0x0], $0xffff;
	_ =	sdelay $0x3  }
0x59: {  	v3 =	vld [tilespmem:$0x20]  }
0x5a: {  	[tilespmem:$0x100] =	vst v1  }
0x5b: {  	v1 =	vld.idx.msk [tilespmem:v2+s16+$0x0], $0xffff;
	_ =	sdelay $0x3  }
0x5c: {  	v2 =	vld [tilespmem:$0x30]  }
0x5d: {  	[tilespmem:$0x110] =	vst v1  }
0x5e: {  	v1 =	vld.idx.msk [tilespmem:v3+s16+$0x0], $0xffff;
	_ =	sdelay $0x3  }
0x5f: {  	v3 =	vld [tilespmem:$0x40]  }
0x60: {  	[tilespmem:$0x120] =	vst v1  }
0x61: {  	v1 =	vld.idx.msk [tilespmem:v2+s16+$0x0], $0xffff;
	_ =	sdelay $0x4  }
0x62: {  	[tilespmem:$0x130] =	vst v1  }
0x63: {  	v1 =	vld.idx.msk [tilespmem:v3+s16+$0x0], $0xffff;
	_ =	sdelay $0x4  }
0x64: {  	[tilespmem:$0x140] =	vst v1  }
0x65: {  	_ =	swait.ge [sflag:s24], $0x2800  }
0x66: {  	[sflag:s24] =	ssyncset.done $0x0  }
0x67: {  	[sflag:s24] =	ssyncadd.s32 $0xFFFFD800  }
0x68: {  	[spmem:s2] =	stream.indirect.scatter.add.f32 [tilespmem:s20], [sflag:$0x3], $0x80, s25, s19, $0xb8;
	[tilespmem:$0x82C0] =	vst v63  }
0x69: {  	_ =	swait.ge [sflag:s17], $0x2800  }
0x6a: {  	[sflag:s17] =	ssyncset.done $0x0  }
0x6b: {  	[sflag:s17] =	ssyncadd.s32 $0xFFFFD800  }
0x6c: {  	v1 =	vld [tilespmem:$0x180];
	_ =	sdelay $0x5  }
0x6d: {  	v2 =	vld [tilespmem:$0x190];
	_ =	sdelay $0x1  }
0x6e: {  	v1 =	vld.idx.msk [tilespmem:v1+s16+$0x0], $0xffff;
	_ =	sdelay $0x3  }
0x6f: {  	v3 =	vld [tilespmem:$0x1A0]  }
0x70: {  	[tilespmem:$0x280] =	vst v1  }
0x71: {  	v1 =	vld.idx.msk [tilespmem:v2+s16+$0x0], $0xffff;
	_ =	sdelay $0x3  }
0x72: {  	v2 =	vld [tilespmem:$0x1B0]  }
0x73: {  	[tilespmem:$0x290] =	vst v1  }
0x74: {  	v1 =	vld.idx.msk [tilespmem:v3+s16+$0x0], $0xffff;
	_ =	sdelay $0x3  }
0x75: {  	v3 =	vld [tilespmem:$0x1C0]  }
0x76: {  	[tilespmem:$0x2A0] =	vst v1  }
0x77: {  	v1 =	vld.idx.msk [tilespmem:v2+s16+$0x0], $0xffff;
	_ =	sdelay $0x4  }
0x78: {  	[tilespmem:$0x2B0] =	vst v1  }
0x79: {  	v1 =	vld.idx.msk [tilespmem:v3+s16+$0x0], $0xffff;
	_ =	sdelay $0x4  }
0x7a: {  	[tilespmem:$0x2C0] =	vst v1  }
0x7b: {  	_ =	swait.ge [sflag:s26], $0x2800  }
0x7c: {  	[sflag:s26] =	ssyncset.done $0x0  }
0x7d: {  	[sflag:s26] =	ssyncadd.s32 $0xFFFFD800  }
0x7e: {  	[spmem:s2] =	stream.indirect.scatter.add.f32 [tilespmem:s23], [sflag:$0x3], $0x80, s28, s19, $0xb8;
	[tilespmem:$0x82C0] =	vst v63  }
0x7f: {  	_ =	swait.ge [sflag:s17], $0x2800  }
0x80: {  	s30 =	simm.s32 $0x14;
	s31 =	simm.s32 $0x28;
	[sflag:s17] =	ssyncset.done $0x0  }
.LBB2_4:
0x81: {  	s4 =	sadd.s32 s30, s13  }
0x82: {  	[sflag:s17] =	ssyncadd.s32 $0xFFFFD800;
	s5 =	smov.u32 s31;
	s0 =	sadd.s32 $0x14, s31  }
0x83: {  	[tilespmem:s3], [sflag:$0x3] =	stream.linear.gather [hbm4b:s4+s3], $0x50, $0x38;
	[tilespmem:$0x82C0] =	vst v63  }
0x84: {  	p5 =	sne.s32 s31, $0x4C4;
	_ =	swait.ge [sflag:s17], $0x50  }
0x85: {  	[sflag:s17] =	ssyncset.done $0x0  }
0x86: {  	s4 =	sadd.s32 s30, s12;
	[sflag:s17] =	ssyncadd.s32 $0xFFFFFFB0  }
0x87: {  	[tilespmem:s18], [sflag:$0x3] =	stream.linear.gather [hbm4b:s4+s3], $0x50, $0x38;
	[tilespmem:$0x82C0] =	vst v63  }
0x88: {  	_ =	swait.ge [sflag:s17], $0x50  }
0x89: {  	[sflag:s17] =	ssyncset.done $0x0  }
0x8a: {  	[sflag:s17] =	ssyncadd.s32 $0xFFFFFFB0  }
0x8b: {  	[tilespmem:s20], [sflag:$0x1] =	stream.indirect.gather [hbm4b:s1+s19], $0x80, s18, s19, $0xb8;
	[tilespmem:$0x82C0] =	vst v63  }
0x8c: {  	s4 =	sadd.s32 s30, s15  }
0x8d: {  	[tilespmem:s21], [sflag:$0x3] =	stream.linear.gather [hbm4b:s4+s3], $0x50, $0x38;
	[tilespmem:$0x82C0] =	vst v63  }
0x8e: {  	_ =	swait.ge [sflag:s17], $0x50  }
0x8f: {  	[sflag:s17] =	ssyncset.done $0x0  }
0x90: {  	s4 =	sadd.s32 s30, s14;
	s30 =	smov.u32 s5;
	[sflag:s17] =	ssyncadd.s32 $0xFFFFFFB0  }
0x91: {  	[tilespmem:s22], [sflag:$0x3] =	stream.linear.gather [hbm4b:s4+s3], $0x50, $0x38;
	[tilespmem:$0x82C0] =	vst v63  }
0x92: {  	_ =	swait.ge [sflag:s17], $0x50  }
0x93: {  	[sflag:s17] =	ssyncset.done $0x0  }
0x94: {  	[sflag:s17] =	ssyncadd.s32 $0xFFFFFFB0  }
0x95: {  	[tilespmem:s23], [sflag:$0x2] =	stream.indirect.gather [hbm4b:s1+s19], $0x80, s22, s19, $0xb8;
	[tilespmem:$0x82C0] =	vst v63  }
0x96: {  	v1 =	vld [tilespmem:$0x0]  }
0x97: {  	v2 =	vld [tilespmem:$0x10]  }
0x98: {  	v3 =	vld [tilespmem:$0x20]  }
0x99: {  	v4 =	vld [tilespmem:$0x30]  }
0x9a: {  	v5 =	vld [tilespmem:$0x40];
	_ =	sdelay $0x3  }
0x9b: {  	v1 =	vld.idx.msk [tilespmem:v1+s16+$0x0], $0xffff;
	_ =	sdelay $0x5  }
0x9c: {  	[tilespmem:$0x100] =	vst v1  }
0x9d: {  	v1 =	vld.idx.msk [tilespmem:v2+s16+$0x0], $0xffff;
	_ =	sdelay $0x5  }
0x9e: {  	[tilespmem:$0x110] =	vst v1  }
0x9f: {  	v1 =	vld.idx.msk [tilespmem:v3+s16+$0x0], $0xffff;
	_ =	sdelay $0x5  }
0xa0: {  	[tilespmem:$0x120] =	vst v1  }
0xa1: {  	v1 =	vld.idx.msk [tilespmem:v4+s16+$0x0], $0xffff;
	_ =	sdelay $0x5  }
0xa2: {  	[tilespmem:$0x130] =	vst v1  }
0xa3: {  	v1 =	vld.idx.msk [tilespmem:v5+s16+$0x0], $0xffff;
	_ =	sdelay $0x5  }
0xa4: {  	[tilespmem:$0x140] =	vst v1  }
0xa5: {  	_ =	swait.ge [sflag:s24], $0x2800  }
0xa6: {  	[sflag:s24] =	ssyncset.done $0x0  }
0xa7: {  	[sflag:s24] =	ssyncadd.s32 $0xFFFFD800  }
0xa8: {  	[spmem:s2] =	stream.indirect.scatter.add.f32 [tilespmem:s20], [sflag:$0x3], $0x80, s25, s19, $0xb8;
	[tilespmem:$0x82C0] =	vst v63  }
0xa9: {  	_ =	swait.ge [sflag:s17], $0x2800  }
0xaa: {  	[sflag:s17] =	ssyncset.done $0x0  }
0xab: {  	[sflag:s17] =	ssyncadd.s32 $0xFFFFD800  }
0xac: {  	v1 =	vld [tilespmem:$0x180]  }
0xad: {  	v2 =	vld [tilespmem:$0x190]  }
0xae: {  	v3 =	vld [tilespmem:$0x1A0]  }
0xaf: {  	v4 =	vld [tilespmem:$0x1B0]  }
0xb0: {  	v5 =	vld [tilespmem:$0x1C0];
	_ =	sdelay $0x3  }
0xb1: {  	v1 =	vld.idx.msk [tilespmem:v1+s16+$0x0], $0xffff;
	_ =	sdelay $0x5  }
0xb2: {  	[tilespmem:$0x280] =	vst v1  }
0xb3: {  	v1 =	vld.idx.msk [tilespmem:v2+s16+$0x0], $0xffff;
	_ =	sdelay $0x5  }
0xb4: {  	[tilespmem:$0x290] =	vst v1  }
0xb5: {  	v1 =	vld.idx.msk [tilespmem:v3+s16+$0x0], $0xffff;
	_ =	sdelay $0x5  }
0xb6: {  	[tilespmem:$0x2A0] =	vst v1  }
0xb7: {  	v1 =	vld.idx.msk [tilespmem:v4+s16+$0x0], $0xffff;
	_ =	sdelay $0x5  }
0xb8: {  	[tilespmem:$0x2B0] =	vst v1  }
0xb9: {  	v1 =	vld.idx.msk [tilespmem:v5+s16+$0x0], $0xffff;
	_ =	sdelay $0x5  }
0xba: {  	[tilespmem:$0x2C0] =	vst v1  }
0xbb: {  	_ =	swait.ge [sflag:s26], $0x2800  }
.Ltmp1:
0xbc: {  	[sflag:s26] =	ssyncset.done $0x0;
	(pc) =	sbr.rel @p5 .LBB2_4-.Ltmp1, $4  }
0xbd: {  	[sflag:s26] =	ssyncadd.s32 $0xFFFFD800  }
0xbe: {  	[spmem:s2] =	stream.indirect.scatter.add.f32 [tilespmem:s23], [sflag:$0x3], $0x80, s28, s19, $0xb8;
	[tilespmem:$0x82C0] =	vst v63  }
0xbf: {  	_ =	swait.ge [sflag:s17], $0x2800  }
0xc0: {  	s31 =	smov.u32 s0;
	[sflag:s17] =	ssyncset.done $0x0  }
0xc1: {  	s0 =	sadd.s32 s30, s13;
	[sflag:s17] =	ssyncadd.s32 $0xFFFFD800  }
0xc2: {  	[tilespmem:s3], [sflag:$0x3] =	stream.linear.gather [hbm4b:s0+s3], $0x50, $0x38;
	[tilespmem:$0x82C0] =	vst v63  }
0xc3: {  	_ =	swait.ge [sflag:s17], $0x50  }
0xc4: {  	[sflag:s17] =	ssyncset.done $0x0  }
0xc5: {  	s4 =	sadd.s32 s30, s12;
	[sflag:s17] =	ssyncadd.s32 $0xFFFFFFB0  }
0xc6: {  	[tilespmem:s18], [sflag:$0x3] =	stream.linear.gather [hbm4b:s4+s3], $0x50, $0x38;
	[tilespmem:$0x82C0] =	vst v63  }
0xc7: {  	_ =	swait.ge [sflag:s17], $0x50  }
0xc8: {  	[sflag:s17] =	ssyncset.done $0x0  }
0xc9: {  	[sflag:s17] =	ssyncadd.s32 $0xFFFFFFB0  }
0xca: {  	[tilespmem:s20], [sflag:$0x1] =	stream.indirect.gather [hbm4b:s1+s19], $0x80, s18, s19, $0xb8;
	[tilespmem:$0x82C0] =	vst v63  }
0xcb: {  	s5 =	sadd.s32 s30, s15  }
0xcc: {  	[tilespmem:s21], [sflag:$0x3] =	stream.linear.gather [hbm4b:s5+s3], $0x50, $0x38;
	[tilespmem:$0x82C0] =	vst v63  }
0xcd: {  	_ =	swait.ge [sflag:s17], $0x50  }
0xce: {  	[sflag:s17] =	ssyncset.done $0x0  }
0xcf: {  	s31 =	sadd.s32 s30, s14;
	[sflag:s17] =	ssyncadd.s32 $0xFFFFFFB0  }
0xd0: {  	[tilespmem:s22], [sflag:$0x3] =	stream.linear.gather [hbm4b:s31+s3], $0x50, $0x38;
	[tilespmem:$0x82C0] =	vst v63  }
0xd1: {  	_ =	swait.ge [sflag:s17], $0x50  }
0xd2: {  	[sflag:s17] =	ssyncset.done $0x0  }
0xd3: {  	[sflag:s17] =	ssyncadd.s32 $0xFFFFFFB0  }
0xd4: {  	[tilespmem:s23], [sflag:$0x2] =	stream.indirect.gather [hbm4b:s1+s19], $0x80, s22, s19, $0xb8;
	[tilespmem:$0x82C0] =	vst v63  }
0xd5: {  	v1 =	vld [tilespmem:$0x0];
	_ =	sdelay $0x5  }
0xd6: {  	v2 =	vld [tilespmem:$0x10];
	_ =	sdelay $0x1  }
0xd7: {  	v1 =	vld.idx.msk [tilespmem:v1+s16+$0x0], $0xffff;
	_ =	sdelay $0x3  }
0xd8: {  	v3 =	vld [tilespmem:$0x20]  }
0xd9: {  	[tilespmem:$0x100] =	vst v1  }
0xda: {  	v1 =	vld.idx.msk [tilespmem:v2+s16+$0x0], $0xffff;
	_ =	sdelay $0x3  }
0xdb: {  	v2 =	vld [tilespmem:$0x30]  }
0xdc: {  	[tilespmem:$0x110] =	vst v1  }
0xdd: {  	v1 =	vld.idx.msk [tilespmem:v3+s16+$0x0], $0xffff;
	_ =	sdelay $0x3  }
0xde: {  	v3 =	vld [tilespmem:$0x40]  }
0xdf: {  	[tilespmem:$0x120] =	vst v1  }
0xe0: {  	v1 =	vld.idx.msk [tilespmem:v2+s16+$0x0], $0xffff;
	_ =	sdelay $0x4  }
0xe1: {  	[tilespmem:$0x130] =	vst v1  }
0xe2: {  	v1 =	vld.idx.msk [tilespmem:v3+s16+$0x0], $0xffff;
	_ =	sdelay $0x4  }
0xe3: {  	[tilespmem:$0x140] =	vst v1  }
0xe4: {  	_ =	swait.ge [sflag:s24], $0x2800  }
0xe5: {  	[sflag:s24] =	ssyncset.done $0x0  }
0xe6: {  	[sflag:s24] =	ssyncadd.s32 $0xFFFFD800  }
0xe7: {  	[spmem:s2] =	stream.indirect.scatter.add.f32 [tilespmem:s20], [sflag:$0x3], $0x80, s25, s19, $0xb8;
	[tilespmem:$0x82C0] =	vst v63  }
0xe8: {  	_ =	swait.ge [sflag:s17], $0x2800  }
0xe9: {  	[sflag:s17] =	ssyncset.done $0x0  }
0xea: {  	[sflag:s17] =	ssyncadd.s32 $0xFFFFD800  }
0xeb: {  	v1 =	vld [tilespmem:$0x180];
	_ =	sdelay $0x5  }
0xec: {  	v2 =	vld [tilespmem:$0x190];
	_ =	sdelay $0x1  }
0xed: {  	v1 =	vld.idx.msk [tilespmem:v1+s16+$0x0], $0xffff;
	_ =	sdelay $0x3  }
0xee: {  	v3 =	vld [tilespmem:$0x1A0]  }
0xef: {  	[tilespmem:$0x280] =	vst v1  }
0xf0: {  	v1 =	vld.idx.msk [tilespmem:v2+s16+$0x0], $0xffff;
	_ =	sdelay $0x3  }
0xf1: {  	v2 =	vld [tilespmem:$0x1B0]  }
0xf2: {  	[tilespmem:$0x290] =	vst v1  }
0xf3: {  	v1 =	vld.idx.msk [tilespmem:v3+s16+$0x0], $0xffff;
	_ =	sdelay $0x3  }
0xf4: {  	v3 =	vld [tilespmem:$0x1C0]  }
0xf5: {  	[tilespmem:$0x2A0] =	vst v1  }
0xf6: {  	v1 =	vld.idx.msk [tilespmem:v2+s16+$0x0], $0xffff;
	_ =	sdelay $0x4  }
0xf7: {  	[tilespmem:$0x2B0] =	vst v1  }
0xf8: {  	v1 =	vld.idx.msk [tilespmem:v3+s16+$0x0], $0xffff;
	_ =	sdelay $0x4  }
0xf9: {  	[tilespmem:$0x2C0] =	vst v1  }
0xfa: {  	_ =	swait.ge [sflag:s26], $0x2800  }
0xfb: {  	[sflag:s26] =	ssyncset.done $0x0  }
0xfc: {  	[sflag:s26] =	ssyncadd.s32 $0xFFFFD800  }
0xfd: {  	[spmem:s2] =	stream.indirect.scatter.add.f32 [tilespmem:s23], [sflag:$0x3], $0x80, s28, s19, $0xb8;
	[tilespmem:$0x82C0] =	vst v63  }
0xfe: {  	_ =	swait.ge [sflag:s17], $0x2800  }
0xff: {  	[sflag:s17] =	ssyncset.done $0x0  }
0x100: {  	[sflag:s17] =	ssyncadd.s32 $0xFFFFD800  }
0x101: {  	[tilespmem:s3], [sflag:$0x3] =	stream.linear.gather [hbm4b:s8+s3], $0x50, $0x38;
	[tilespmem:$0x82C0] =	vst v63  }
0x102: {  	_ =	swait.ge [sflag:s17], $0x50  }
0x103: {  	[sflag:s17] =	ssyncset.done $0x0  }
0x104: {  	[sflag:s17] =	ssyncadd.s32 $0xFFFFFFB0  }
0x105: {  	[tilespmem:s18], [sflag:$0x3] =	stream.linear.gather [hbm4b:s9+s3], $0x50, $0x38;
	[tilespmem:$0x82C0] =	vst v63  }
0x106: {  	_ =	swait.ge [sflag:s17], $0x50  }
0x107: {  	[sflag:s17] =	ssyncset.done $0x0  }
0x108: {  	[sflag:s17] =	ssyncadd.s32 $0xFFFFFFB0  }
0x109: {  	[tilespmem:s20], [sflag:$0x1] =	stream.indirect.gather [hbm4b:s1+s19], $0x80, s18, s19, $0xb8;
	[tilespmem:$0x82C0] =	vst v63  }
0x10a: {  	v1 =	vld [tilespmem:$0x0];
	_ =	sdelay $0x5  }
0x10b: {  	v2 =	vld [tilespmem:$0x10];
	_ =	sdelay $0x1  }
0x10c: {  	v1 =	vld.idx.msk [tilespmem:v1+s16+$0x0], $0xffff;
	_ =	sdelay $0x3  }
0x10d: {  	v3 =	vld [tilespmem:$0x20]  }
0x10e: {  	[tilespmem:$0x100] =	vst v1  }
0x10f: {  	v1 =	vld.idx.msk [tilespmem:v2+s16+$0x0], $0xffff;
	_ =	sdelay $0x3  }
0x110: {  	v2 =	vld [tilespmem:$0x30]  }
0x111: {  	[tilespmem:$0x110] =	vst v1  }
0x112: {  	v1 =	vld.idx.msk [tilespmem:v3+s16+$0x0], $0xffff;
	_ =	sdelay $0x3  }
0x113: {  	v3 =	vld [tilespmem:$0x40]  }
0x114: {  	[tilespmem:$0x120] =	vst v1  }
0x115: {  	v1 =	vld.idx.msk [tilespmem:v2+s16+$0x0], $0xffff;
	_ =	sdelay $0x4  }
0x116: {  	[tilespmem:$0x130] =	vst v1  }
0x117: {  	v1 =	vld.idx.msk [tilespmem:v3+s16+$0x0], $0xffff;
	_ =	sdelay $0x4  }
0x118: {  	[tilespmem:$0x140] =	vst v1  }
0x119: {  	_ =	swait.ge [sflag:s24], $0x2800  }
0x11a: {  	[sflag:s24] =	ssyncset.done $0x0  }
0x11b: {  	[sflag:s24] =	ssyncadd.s32 $0xFFFFD800  }
0x11c: {  	[spmem:s2] =	stream.indirect.scatter.add.f32 [tilespmem:s20], [sflag:$0x3], $0x80, s25, s19, $0xb8;
	[tilespmem:$0x82C0] =	vst v63  }
0x11d: {  	_ =	swait.ge [sflag:s17], $0x2800  }
0x11e: {  	[sflag:s17] =	ssyncset.done $0x0  }
0x11f: {  	s29 =	sadd.s32 $0x1, s29;
	s0 =	sshrl.u32 @!p4 s2, $0x3;
	[sflag:s17] =	ssyncadd.s32 $0xFFFFD800  }
0x120: {  	p5 =	sne.s32 s29, s11;
	s4 =	simm.s32 @!p4 $0x1C03;
	[bflag:$0x0] =	sbarrier.arrive $0xFFFF  }
0x121: {  	[hbm:s10], [sflag:s4] =	dma.local @!p4 [spmem:s0], $0x1080  }
.Ltmp2:
0x122: {  	_ = 	snop;
	(pc) =	sbr.rel @p5 .LBB2_1-.Ltmp2, $4  }
0x123: {  	s0 =	simm.s32 @!p4 $0x3  }
0x124: {  	_ =	swait.ge @!p4 [sflag:s0], $0x1080  }
0x125: {  	[sflag:s0] =	ssyncset.done @!p4 $0x0  }
0x126: {  	[sflag:s0] =	ssyncadd.s32 @!p4 $0xFFFFEF80  }
0x127: {  	_ =	sfence.sel $0x180000  }
0x128: {  	[bflag:$0x0] =	sbarrier.arrive $0xFFFF  }
0x129: {  	_ =	strace $0x9000004A  }
0x12a: {  	[bflag:$0x2] =	sbarrier.arrive $0xFFFF  }
0x12b: {  	s0 =	rddreg [dreg:$0x3]  }
0x12c: {  	s0 =	sadd.s32 @!p4 $0x100000, s0  }
0x12d: {  	[sflag:s0] =	ssyncadd.tile.s32 @!p4 $0x1;
	_ =	shalt  }
.Lfunc_end2:
_tile_overlayer_lowered:
.L_overlay_start_2:
0x12e: {  	(tag) =	ssettag $0x2  }
0x12f: {  	s0 =	rddreg [dreg:$0x0];
	s2 =	stileid.u32  }
0x130: {  	s1 =	rddreg [dreg:$0x1];
	p0 =	sne.s32 s2, $0x0  }
0x131: {  	s3 =	rddreg [dreg:$0x2];
	[bflag:$0x3] =	sbarrier.arrive $0xFFFF;
	s2 =	simm.s32 @!p0 $0x1C03  }
0x132: {  	[timem:s3], [sflag:s2] =	dma.local @!p0 [hbm:s0], s1  }
0x133: {  	s0 =	simm.s32 @!p0 $0x3  }
0x134: {  	_ =	swait.ge @!p0 [sflag:s0], s1  }
0x135: {  	s1 =	ssub.s32 @!p0 $0x0, s1;
	[sflag:s0] =	ssyncset.done @!p0 $0x0  }
0x136: {  	[sflag:s0] =	ssyncadd.s32 @!p0 s1  }
0x137: {  	[bflag:$0x3] =	sbarrier.arrive $0xFFFF  }
0x138: {  	_ =	shalt  }

// kernel: kernel.7.cloned.1.call-start
scs
__scs_entry_jumppad:
0x0: {  	(pc) =	sbr.rel $0x88, $3  }
0x1: {  	(tag) =	ssettag $0x0;
	lr =	simm.s32 $0x1  }
0x2: {  	[smem:$0x3F94] =	sst lr;
	_ =	strace $0xD0000000  }
0x3: {  	_ = 	snop  }
0x4: {  	_ = 	snop  }
0x5: {  	_ = 	snop  }
0x6: {  	_ = 	snop  }
0x7: {  	_ = 	snop  }
__scs_overlays_trampoline_lowered:
0x8: {  	[smem:$0x3FA3] =	sst s0  }
0x9: {  	[smem:$0x3FA4] =	sst s1  }
0xa: {  	[smem:$0x3FA5] =	sst s2  }
0xb: {  	[smem:$0x3FA6] =	sst s3  }
0xc: {  	[smem:$0x3FA7] =	sst s4  }
0xd: {  	[smem:$0x3FA8] =	sst s5  }
0xe: {  	[smem:$0x3FA9] =	sst s6  }
0xf: {  	[smem:$0x3FAA] =	sst s7  }
0x10: {  	[smem:$0x3FAB] =	sst s8  }
0x11: {  	[smem:$0x3FAC] =	sst s9;
	s0 =	simm.s32 @!p0 $0x0  }
0x12: {  	s1 =	sld [smem:$0x3F92];
	s0 =	simm.s32 @p0 $0x1  }
0x13: {  	[smem:$0x3FAD] =	sst s0;
	s0 =	simm.s32 @!p1 $0x0  }
0x14: {  	s2 =	sld [smem:$0x3F91];
	s0 =	simm.s32 @p1 $0x1  }
0x15: {  	[smem:$0x3FAE] =	sst s0;
	s0 =	simm.s32 @!p2 $0x0  }
0x16: {  	s3 =	sld [smem:$0x3FDB];
	s0 =	simm.s32 @p2 $0x1  }
0x17: {  	s4 =	simm.s32 $0x1BF5;
	[smem:$0x3FB0] =	sst s0  }
0x18: {  	s0 =	sld [smem:$0x3F93];
	_ =	swait.ge [sflag:s4], $0x0  }
0x19: {  	s7 =	sld [smem:$0x3F94]  }
0x1a: {  	s8 =	sadd.s32 $0xFFFFE003, lr  }
0x1b: {  	s9 =	sadd.s32 $0xFFFFFEF7, lr;
	s5 =	simm.s32 $0xFFFFFFFF;
	p2 =	slt.u32 s8, $0xFFFFF086  }
0x1c: {  	p1 =	slt.u32 s9, $0xF7A;
	s5 =	simm.s32 @!p2 $0x0  }
0x1d: {  	s5 =	simm.s32 @p1 $0x1;
	p0 =	seq.s32 s7, s2  }
0x1e: {  	s7 =	smul.u32 @!p0 $0xF7A, s2;
	p2 =	seq.s32 @!p0 s5, $0x0  }
0x1f: {  	s9 =	smul.u32 $0xF7A, s1;
	s8 =	simm.s32 @!p0 $0x1BF5;
	p2 =	por !p2, p0  }
0x20: {  	[sflag:s8] =	ssyncset.s32 @!p0 $0xFFFFF086;
	s6 =	sadd.s32 @!p0 s3, s7;
	s7 =	simm.s32 @!p0 $0x108  }
0x21: {  	s3 =	sadd.s32 s3, s9;
	s6 =	sadd.s32 @!p0 $0x88, s6;
	s7 =	simm.s32 @p2 $0x1082  }
0x22: {  	[simem:s7], [sflag:s8] =	dma.local @!p0 [hbm:s6], $0xF7A  }
0x23: {  	s9 =	sor.u32 $0xD0000000, s2;
	s6 =	simm.s32 $0x108;
	_ =	swait.ge @!p0 [sflag:s8], $0x0  }
0x24: {  	s3 =	sadd.s32 $0x88, s3;
	s6 =	simm.s32 @!p1 $0x1082;
	[sflag:s4] =	ssyncset.s32 $0xFFFFF086  }
0x25: {  	[simem:s6], [sflag:s4] =	dma.local [hbm:s3], $0xF7A  }
0x26: {  	[smem:$0x3F94] =	sst s1;
	(tag) =	ssettag s2;
	_ =	strace s9  }
0x27: {  	s1 =	sld [smem:$0x3FA4]  }
0x28: {  	s2 =	sld [smem:$0x3FA5]  }
0x29: {  	s4 =	sld [smem:$0x3FA7]  }
0x2a: {  	p0 =	seq.s32 s5, $0x0;
	s5 =	sld [smem:$0x3FA8]  }
0x2b: {  	s6 =	sld [smem:$0x3FA9]  }
0x2c: {  	s7 =	sld [smem:$0x3FAA]  }
0x2d: {  	s3 =	simm.s32 $0x108;
	s8 =	sld [smem:$0x3FAB]  }
0x2e: {  	s3 =	simm.s32 @!p0 $0x1082;
	s9 =	sld [smem:$0x3FAC]  }
0x2f: {  	lr =	sadd.s32 s0, s3;
	s0 =	sld [smem:$0x3FA3]  }
0x30: {  	s3 =	sld [smem:$0x3FA6]  }
0x31: {  	[smem:$0x3FAF] =	sst s10  }
0x32: {  	s10 =	sld [smem:$0x3FAD];
	_ =	sdelay $0x3  }
0x33: {  	p0 =	seq.s32 s10, $0x1;
	s10 =	sld [smem:$0x3FAF];
	_ =	sdelay $0x3  }
0x34: {  	[smem:$0x3FAF] =	sst s10  }
0x35: {  	s10 =	sld [smem:$0x3FAE];
	_ =	sdelay $0x3  }
0x36: {  	p1 =	seq.s32 s10, $0x1;
	s10 =	sld [smem:$0x3FAF];
	_ =	sdelay $0x3  }
0x37: {  	[smem:$0x3FAF] =	sst s10  }
0x38: {  	s10 =	sld [smem:$0x3FB0]  }
0x39: {  	_ = 	snop;
	(pc) =	sbr.ind lr, $3  }
0x3a: {  	_ = 	snop  }
0x3b: {  	_ = 	snop  }
0x3c: {  	p2 =	seq.s32 s10, $0x1;
	s10 =	sld [smem:$0x3FAF]  }
0x3d: {  	_ =	shalt  }
0x3e: {  	_ =	shalt  }
0x3f: {  	_ =	shalt  }
0x40: {  	_ =	shalt  }
0x41: {  	_ =	shalt  }
0x42: {  	_ =	shalt  }
0x43: {  	_ =	shalt  }
0x44: {  	_ =	shalt  }
0x45: {  	_ =	shalt  }
0x46: {  	_ =	shalt  }
0x47: {  	_ =	shalt  }
0x48: {  	_ =	shalt  }
0x49: {  	_ =	shalt  }
0x4a: {  	_ =	shalt  }
0x4b: {  	_ =	shalt  }
0x4c: {  	_ =	shalt  }
0x4d: {  	_ =	shalt  }
0x4e: {  	_ =	shalt  }
0x4f: {  	_ =	shalt  }
0x50: {  	_ =	shalt  }
0x51: {  	_ =	shalt  }
0x52: {  	_ =	shalt  }
0x53: {  	_ =	shalt  }
0x54: {  	_ =	shalt  }
0x55: {  	_ =	shalt  }
0x56: {  	_ =	shalt  }
0x57: {  	_ =	shalt  }
0x58: {  	_ =	shalt  }
0x59: {  	_ =	shalt  }
0x5a: {  	_ =	shalt  }
0x5b: {  	_ =	shalt  }
0x5c: {  	_ =	shalt  }
0x5d: {  	_ =	shalt  }
0x5e: {  	_ =	shalt  }
0x5f: {  	_ =	shalt  }
0x60: {  	_ =	shalt  }
0x61: {  	_ =	shalt  }
0x62: {  	_ =	shalt  }
0x63: {  	_ =	shalt  }
0x64: {  	_ =	shalt  }
0x65: {  	_ =	shalt  }
0x66: {  	_ =	shalt  }
0x67: {  	_ =	shalt  }
0x68: {  	_ =	shalt  }
0x69: {  	_ =	shalt  }
0x6a: {  	_ =	shalt  }
0x6b: {  	_ =	shalt  }
0x6c: {  	_ =	shalt  }
0x6d: {  	_ =	shalt  }
0x6e: {  	_ =	shalt  }
0x6f: {  	_ =	shalt  }
0x70: {  	_ =	shalt  }
0x71: {  	_ =	shalt  }
0x72: {  	_ =	shalt  }
0x73: {  	_ =	shalt  }
0x74: {  	_ =	shalt  }
0x75: {  	_ =	shalt  }
0x76: {  	_ =	shalt  }
0x77: {  	_ =	shalt  }
0x78: {  	_ =	shalt  }
0x79: {  	_ =	shalt  }
0x7a: {  	_ =	shalt  }
0x7b: {  	_ =	shalt  }
0x7c: {  	_ =	shalt  }
0x7d: {  	_ =	shalt  }
0x7e: {  	_ =	shalt  }
0x7f: {  	_ =	shalt  }
0x80: {  	_ =	shalt  }
0x81: {  	_ =	shalt  }
0x82: {  	_ =	shalt  }
0x83: {  	_ =	shalt  }
0x84: {  	_ =	shalt  }
0x85: {  	_ =	shalt  }
0x86: {  	_ =	shalt  }
0x87: {  	_ =	shalt  }
.Lfunc_end0:
.L_simem_size_0:
called_computation_lowered:
.L_overlay_start_0:
0x88: {  	s2 =	sld [smem:$0x3FD9]  }
0x89: {  	s3 =	sld [smem:$0x3FFE];
	_ =	sdelay $0x1  }
0x8a: {  	s1 =	srdreg.scid  }
0x8b: {  	s0 =	sand.u32 $0x1, s1  }
0x8c: {  	s17 =	sshll.u32 s0, $0xA;
	s2 =	sadd.s32 s3, s2  }
0x8d: {  	s2 =	sadd.s32 s2, s17  }
0x8e: {  	[smem:$0x3FBB] =	sst s2  }
0x8f: {  	_ = 	snop  }
0x90: {  	s2 =	sld [smem:$0x3FD0];
	(tm) =	ssettm $0x1  }
0x91: {  	s18 =	sld [smem:$0x3FFB];
	_ =	sdelay $0x3  }
0x92: {  	_ =	strace s18  }
0x93: {  	s3 =	sld [smem:$0x3FFC];
	_ =	sdelay $0x3  }
0x94: {  	_ =	strace s3  }
0x95: {  	s3 =	sld [smem:$0x3FFD];
	_ =	sdelay $0x3  }
0x96: {  	_ =	strace s3  }
0x97: {  	_ =	strace $0x8FFFFFFF  }
0x98: {  	s19 =	sld [smem:$0x3FDB];
	_ =	sdelay $0x1  }
0x99: {  	s4 =	simm.s32 $_scs_section_size  }
0x9a: {  	s5 =	simm.s32 $_size__tile_overlayer_lowered;
	s6 =	simm.s32 $_tile_overlayer_lowered  }
0x9b: {  	s22 =	simm.s32 $0x1BFF;
	s21 =	sshll.u32 s6, $0x1;
	s3 =	sadd.s32 s4, s19  }
0x9c: {  	s7 =	simm.s32 $0x0;
	s20 =	sshll.u32 s5, $0x1;
	s5 =	sadd.s32 s21, s3  }
0x9d: {  	[timem:s7], [sflag:s22] =	dma.local [hbm:s5], s20  }
0x9e: {  	_ =	swait.ge [sflag:s22], s20  }
0x9f: {  	s4 =	ssub.s32 $0x0, s20;
	[sflag:s22] =	ssyncset.done $0x0  }
0xa0: {  	[sflag:s22] =	ssyncadd.s32 s4;
	_ =	sdelay $0x1  }
0xa1: {  	s23 =	simm.s32 $0x1B8B  }
0xa2: {  	_ =	swait.ge [sflag:s23], $0x1  }
0xa3: {  	[sflag:s23] =	ssyncset.done $0x0  }
0xa4: {  	s25 =	simm.s32 $0x1B8E;
	s24 =	sld [smem:$0x3FFE];
	[sflag:s23] =	ssyncadd.s32 $0xFFFFFFFF  }
0xa5: {  	s26 =	simm.s32 $execute0_lowered;
	[smem:$0x3FD2] =	sst s25  }
0xa6: {  	s5 =	sshll.u32 s26, $0x1;
	_ =	strace $0x80000046;
	[dreg:$0x1] =	wrdreg $0xFFFFFFFF  }
0xa7: {  	s28 =	simm.s32 $_size_execute0_lowered;
	s3 =	sadd.s32 s3, s5;
	[dreg:$0x0] =	wrdreg $0x0  }
0xa8: {  	s5 =	sshll.u32 s28, $0x1;
	[dreg:$0x2] =	wrdreg s3  }
0xa9: {  	[dreg:$0x3] =	wrdreg s5  }
0xaa: {  	[dreg:$0x4] =	wrdreg $0xC0  }
0xab: {  	_ =	task [dreg:s7], $0x5FFFF  }
0xac: {  	[dreg:$0x1] =	wrdreg $0xFFFFFFFF  }
0xad: {  	[dreg:$0x0] =	wrdreg $0x60  }
0xae: {  	[dreg:$0x2] =	wrdreg s24  }
0xaf: {  	[dreg:$0x3] =	wrdreg s2  }
0xb0: {  	[dreg:$0x4] =	wrdreg $0xA1800  }
0xb1: {  	[dreg:$0x5] =	wrdreg $0x9  }
0xb2: {  	_ =	task.clear_ibuf [dreg:s7], $0x6FFFF;
	_ =	strace $0x90000046  }
0xb3: {  	s29 =	simm.s32 $0x9;
	_ =	strace $0x80000048  }
0xb4: {  	_ =	swait.ge [sflag:s29], $0x1  }
0xb5: {  	[sflag:s29] =	ssyncadd.s32 $0xFFFFFFFF  }
0xb6: {  	_ =	strace $0x90000048  }
0xb7: {  	_ =	sfence  }
0xb8: {  	s30 =	sld [smem:$0x0];
	_ =	sdelay $0x2  }
0xb9: {  	s31 =	sshll.u32 s1, $0xD;
	s1 =	sshrl.u32 s1, $0x2  }
0xba: {  	s3 =	sand.u32 $0x4000, s31;
	s1 =	sadd.s32 s1, s30  }
0xbb: {  	s0 =	sor.u32 s3, s0;
	s1 =	sshll.u32 s1, $0x11  }
0xbc: {  	s0 =	sor.u32 s1, s0  }
0xbd: {  	s0 =	sadd.s32 $0x8F2B, s0  }
0xbe: {  	[sflag:s0] =	ssyncadd.remote.s32 $0x1  }
0xbf: {  	_ =	sfence.sel $0xFFFF  }
0xc0: {  	[dreg:$0x0] =	wrdreg $0xFFFFFFFF;
	(pc) =	sbr.abs _section_cstart, $3  }
0xc1: {  	[dreg:$0x1] =	wrdreg $0xFFFFFFFF  }
0xc2: {  	_ =	task.clear_ibuf [dreg:s7], $0x2FFFF;
	_ =	strace $0x9FFFFFFF  }
0xc3: {  	(tm) =	ssettm $0x7FFFFFFF  }
tec
execute0_lowered:
.L_overlay_start_1:
0x0: {  	(tag) =	ssettag $0x1  }
0x1: {  	s0 =	srdreg.scid;
	s7 =	stileid.u32  }
0x2: {  	s1 =	sand.u32 $0x1, s0;
	s11 =	smul.u32 $0x1400, s7  }
0x3: {  	s3 =	sshll.u32 s7, $0x7;
	s18 =	sor.u32 $0x10, s7;
	s19 =	smul.u32 $0x138800, s1  }
0x4: {  	s15 =	sor.u32 $0x20, s7;
	s16 =	sor.u32 $0x30, s7;
	s12 =	smul.u32 $0x1400, s18  }
0x5: {  	s9 =	sor.u32 $0x40, s7;
	s10 =	sor.u32 $0x50, s7;
	s13 =	smul.u32 $0x1400, s15  }
0x6: {  	s8 =	sor.u32 $0x60, s7;
	s6 =	sor.u32 $0x70, s7;
	s14 =	smul.u32 $0x1400, s16  }
0x7: {  	s17 =	sor.u32 $0x80, s7;
	s4 =	sor.u32 $0xA0, s7;
	s20 =	smul.u32 $0x1400, s10  }
0x8: {  	s5 =	sor.u32 $0xB0, s7;
	p0 =	sgt.u32 s7, $0x9;
	s21 =	smul.u32 $0x1400, s8  }
0x9: {  	s0 =	sshll.u32 s1, $0x4;
	s3 =	sand.u32 $0x380, s3;
	s22 =	smul.u32 $0x1400, s6  }
0xa: {  	s1 =	ssub.s32 $0x2, s1;
	[smem:$0x7F5] =	sst s4;
	s25 =	smul.u32 $0x1400, s17  }
0xb: {  	[smem:$0x7F6] =	sst s5;
	s30 =	smul.u32 $0x1400, s5;
	s0 =	sor.u32 s7, s0  }
0xc: {  	s6 =	smul.u32 $0x5000, s6;
	[smem:$0x7F8] =	sst s0;
	s2 =	sshrl.u32 s0, $0x3  }
0xd: {  	s0 =	sshrl.u32 s1, $0x1;
	s23 =	sadd.s32 s11, s19;
	s24 =	sadd.s32 s19, s12  }
0xe: {  	s28 =	sadd.s32 s19, s14;
	s20 =	sadd.s32 s19, s20;
	s21 =	sadd.s32 s19, s21  }
0xf: {  	s11 =	sor.u32 $0xC0, s7;
	s22 =	sadd.s32 s19, s22;
	s2 =	smul.u32 $0x13C00, s2  }
0x10: {  	s12 =	sor.u32 $0xD0, s7;
	s25 =	sadd.s32 s19, s25;
	s31 =	smul.u32 $0x1400, s11  }
0x11: {  	s14 =	sor.u32 $0xF0, s7;
	s5 =	smul.u32 $0x1400, s12;
	s26 =	sor.u32 s3, s2  }
0x12: {  	s2 =	smul.u32 $0x1400, s9;
	s3 =	sor.u32 $0x90, s7;
	[smem:$0x7F3] =	sst s26  }
0x13: {  	s1 =	ssub.s32 s1, s0;
	[smem:$0x7F4] =	sst s3;
	s0 =	smul.u32 $0x1400, s3  }
0x14: {  	s26 =	sadd.s32 s19, s13;
	s3 =	smul.u32 $0x1400, s4;
	s13 =	sor.u32 $0xE0, s7  }
0x15: {  	s30 =	sadd.s32 s19, s30;
	s29 =	sadd.s32 s19, s2;
	s2 =	smul.u32 $0x1400, s13  }
0x16: {  	[smem:$0x7FA] =	sst s1;
	s4 =	sadd.s32 s19, s0;
	s0 =	smul.u32 $0x1400, s14  }
0x17: {  	s1 =	simm.s32 $0x0;
	s31 =	sadd.s32 s19, s31;
	s5 =	sadd.s32 s19, s5  }
0x18: {  	s3 =	sadd.s32 s19, s3;
	s2 =	sadd.s32 s19, s2;
	s0 =	sadd.s32 s19, s0  }
0x19: {  	s19 =	sshrl.u32 s23, $0x3;
	s23 =	sshrl.u32 s24, $0x3;
	s24 =	rddreg [dreg:$0x1]  }
0x1a: {  	s20 =	sshrl.u32 s20, $0x3;
	[smem:$0x7FF] =	sst s1;
	s19 =	sadd.s32 s24, s19  }
0x1b: {  	s4 =	sshrl.u32 s4, $0x3;
	s23 =	sadd.s32 s24, s23;
	[dreg:$0x4] =	wrdreg s19  }
0x1c: {  	s3 =	sshrl.u32 s3, $0x3;
	s4 =	sadd.s32 s24, s4;
	[dreg:$0x5] =	wrdreg s23  }
0x1d: {  	s2 =	sshrl.u32 s2, $0x3;
	s3 =	sadd.s32 s24, s3;
	[dreg:$0xd] =	wrdreg s4  }
0x1e: {  	s26 =	sshrl.u32 s26, $0x3;
	s2 =	sadd.s32 s24, s2;
	[dreg:$0xe] =	wrdreg s3  }
0x1f: {  	s14 =	smul.u32 $0x5000, s14;
	s0 =	sshrl.u32 s0, $0x3;
	[dreg:$0x12] =	wrdreg s2  }
0x20: {  	s19 =	sadd.s32 s24, s26;
	s23 =	sshrl.u32 s28, $0x3;
	s2 =	rddreg [dreg:$0x0]  }
0x21: {  	s26 =	sshrl.u32 s29, $0x3;
	s0 =	sadd.s32 s24, s0;
	[dreg:$0x6] =	wrdreg s19  }
0x22: {  	s28 =	simm.s32 $0x5200;
	s19 =	sadd.s32 s24, s23;
	[dreg:$0x13] =	wrdreg s0  }
0x23: {  	s29 =	simm.s32 $0x6600;
	s26 =	sadd.s32 s24, s26;
	[dreg:$0x7] =	wrdreg s19  }
0x24: {  	s23 =	sshrl.u32 s21, $0x3;
	[dreg:$0x8] =	wrdreg s26;
	s19 =	sadd.s32 s24, s20  }
0x25: {  	s26 =	sshrl.u32 s22, $0x3;
	s22 =	sshrl.u32 s25, $0x3;
	s25 =	sshrl.u32 s31, $0x3  }
0x26: {  	s20 =	sadd.s32 $0x15E00, s2;
	[dreg:$0x9] =	wrdreg s19;
	s19 =	sadd.s32 s24, s23  }
0x27: {  	s21 =	sadd.s32 s24, s26;
	s23 =	sshrl.u32 s30, $0x3;
	[dreg:$0xa] =	wrdreg s19  }
0x28: {  	s26 =	sshrl.u32 s5, $0x3;
	[dreg:$0xb] =	wrdreg s21;
	s19 =	sadd.s32 s24, s22  }
0x29: {  	s5 =	smul.u32 $0x5000, s18;
	s3 =	sadd.s32 s24, s23;
	[dreg:$0xc] =	wrdreg s19  }
0x2a: {  	s18 =	smul.u32 $0x5000, s9;
	s4 =	sadd.s32 s24, s26;
	[dreg:$0xf] =	wrdreg s3  }
0x2b: {  	s31 =	simm.s32 $0x2;
	s9 =	smul.u32 $0x5000, s8;
	[dreg:$0x11] =	wrdreg s4  }
0x2c: {  	s26 =	smul.u32 $0x5000, s15;
	s3 =	sadd.s32 s24, s25;
	s19 =	rddreg [dreg:$0x2]  }
0x2d: {  	s24 =	sld [smem:$0x7F3];
	s25 =	smul.u32 $0x5000, s7;
	s0 =	sshrl.u32 s5, $0x2  }
0x2e: {  	s15 =	smul.u32 $0x5000, s16;
	[dreg:$0x10] =	wrdreg s3;
	s0 =	sadd.s32 s0, s19  }
0x2f: {  	s4 =	sshrl.u32 s25, $0x2;
	s25 =	sshrl.u32 s26, $0x2;
	s26 =	smul.u32 $0x5000, s10  }
0x30: {  	_ =	strace $0x80000047;
	s10 =	sshrl.u32 s15, $0x2;
	s15 =	smul.u32 $0x5000, s17  }
0x31: {  	[dreg:$0x15] =	wrdreg s0;
	s0 =	sshrl.u32 s9, $0x2;
	s9 =	smul.u32 $0x5000, s11  }
0x32: {  	s30 =	simm.s32 $0x7A00;
	s21 =	sadd.s32 $0x3D000, s2;
	s11 =	smul.u32 $0x5000, s12  }
0x33: {  	s22 =	sadd.s32 $0x64200, s2;
	s23 =	sadd.s32 $0xC000, s2;
	s12 =	smul.u32 $0x5000, s13  }
0x34: {  	s3 =	sshrl.u32 s24, $0x3;
	s16 =	sadd.s32 s4, s19;
	s17 =	sld [smem:$0x7F4]  }
0x35: {  	s24 =	sadd.s32 $0x2200, s2;
	s4 =	sadd.s32 s25, s19;
	[dreg:$0x14] =	wrdreg s16  }
0x36: {  	s8 =	sadd.s32 s10, s19;
	s0 =	sadd.s32 s0, s19;
	[dreg:$0x16] =	wrdreg s4  }
0x37: {  	s25 =	sshrl.u32 s6, $0x2;
	s3 =	sadd.s32 s3, s2;
	[dreg:$0x19] =	wrdreg s0  }
0x38: {  	s2 =	sshrl.u32 s18, $0x2;
	s16 =	sshrl.u32 s26, $0x2;
	s18 =	sld [smem:$0x7F5]  }
0x39: {  	s26 =	sld [smem:$0x7F6];
	s2 =	sadd.s32 s2, s19;
	s4 =	sadd.s32 s16, s19  }
0x3a: {  	s16 =	sshrl.u32 s14, $0x2;
	s14 =	simm.s32 $0x3;
	[dreg:$0x17] =	wrdreg s2  }
0x3b: {  	s5 =	smul.u32 $0x5000, s17;
	[dreg:$0x18] =	wrdreg s4;
	s4 =	sadd.s32 s25, s19  }
0x3c: {  	s2 =	sshrl.u32 s15, $0x2;
	s17 =	sadd.s32 s16, s19;
	[dreg:$0x1a] =	wrdreg s4  }
0x3d: {  	s15 =	sshrl.u32 s11, $0x2;
	s25 =	sadd.s32 $0x8B400, s3;
	[smem:$0x7F7] =	sst s17  }
0x3e: {  	s16 =	simm.s32 $0x28;
	s0 =	smul.u32 $0x5000, s18;
	s18 =	sld [smem:$0x7F8]  }
0x3f: {  	s11 =	simm.s32 $0x2A00;
	s6 =	smul.u32 $0x5000, s26;
	[smem:$0x7F9] =	sst s25  }
0x40: {  	s2 =	sadd.s32 s2, s19;
	s26 =	sld [smem:$0x7FA];
	s25 =	simm.s32 $0x180  }
0x41: {  	s17 =	simm.s32 $0x0;
	[dreg:$0x1b] =	wrdreg s2;
	s10 =	sshrl.u32 s5, $0x2  }
0x42: {  	s2 =	sshrl.u32 s9, $0x2;
	s5 =	sadd.s32 s15, s19;
	s15 =	simm.s32 $0x80  }
0x43: {  	s0 =	sshrl.u32 s0, $0x2;
	s4 =	sadd.s32 s10, s19;
	[smem:$0x7FC] =	sst s5  }
0x44: {  	s13 =	sshrl.u32 s6, $0x2;
	s2 =	sadd.s32 s2, s19;
	[dreg:$0x1c] =	wrdreg s4  }
0x45: {  	s0 =	sadd.s32 s0, s19;
	s4 =	sadd.s32 s13, s19;
	[dreg:$0x1f] =	wrdreg s2  }
0x46: {  	s10 =	smul.u32 $0x2710, s18;
	[dreg:$0x1d] =	wrdreg s0;
	s0 =	sshrl.u32 s12, $0x2  }
0x47: {  	[dreg:$0x1e] =	wrdreg s4;
	s6 =	sadd.s32 s0, s19;
	s0 =	smax.u32 s26, $0x1  }
0x48: {  	s13 =	simm.s32 $0x200;
	s18 =	simm.s32 $0x1600;
	[smem:$0x7FB] =	sst s0  }
0x49: {  	v0 =	vimm.f32 $0.0e+00;
	s12 =	simm.s32 $0x100;
	s26 =	simm.s32 $0x3E00;
	[smem:$0x7FD] =	sst s6  }
.LBB2_1:
0x4a: {  	s0 =	simm.s32 $0x0;
	s2 =	simm.s32 $0x200  }
.LBB2_2:
0x4b: {  	p1 =	sne.s32 s2, $0x4E00;
	[tilespmem:s0+$0x270] =	vst v0  }
0x4c: {  	[tilespmem:s0+$0x200] =	vst v0  }
0x4d: {  	[tilespmem:s0+$0x210] =	vst v0  }
.Ltmp0:
0x4e: {  	[tilespmem:s0+$0x220] =	vst v0;
	(pc) =	sbr.rel @p1 .LBB2_2-.Ltmp0, $4  }
0x4f: {  	[tilespmem:s0+$0x230] =	vst v0  }
0x50: {  	[tilespmem:s0+$0x240] =	vst v0  }
0x51: {  	[tilespmem:s0+$0x250] =	vst v0  }
0x52: {  	[tilespmem:s0+$0x260] =	vst v0;
	s0 =	sshra.s32 s2, $0x2;
	s2 =	sadd.s32 $0x200, s2  }
0x53: {  	[tilespmem:s0+$0x270] =	vst v0  }
0x54: {  	[tilespmem:s0+$0x200] =	vst v0  }
0x55: {  	[tilespmem:s0+$0x210] =	vst v0  }
0x56: {  	[tilespmem:s0+$0x220] =	vst v0  }
0x57: {  	[tilespmem:s0+$0x230] =	vst v0  }
0x58: {  	[tilespmem:s0+$0x240] =	vst v0  }
0x59: {  	[tilespmem:s0+$0x250] =	vst v0  }
0x5a: {  	[tilespmem:s0+$0x260] =	vst v0;
	s3 =	rddreg [dreg:$0x14]  }
0x5b: {  	[spmem:s3] =	stream.linear.scatter [tilespmem:s13], [sflag:$0x3], $0x1400, $0x38;
	[tilespmem:$0x1DA00] =	vst v63  }
0x5c: {  	_ =	swait.ge [sflag:s14], $0x1400  }
0x5d: {  	[sflag:s14] =	ssyncset.done $0x0  }
0x5e: {  	s7 =	rddreg [dreg:$0x15];
	[sflag:s14] =	ssyncadd.s32 $0xFFFFEC00  }
0x5f: {  	[spmem:s7] =	stream.linear.scatter [tilespmem:s13], [sflag:$0x3], $0x1400, $0x38;
	[tilespmem:$0x1DA00] =	vst v63  }
0x60: {  	_ =	swait.ge [sflag:s14], $0x1400  }
0x61: {  	[sflag:s14] =	ssyncset.done $0x0  }
0x62: {  	s9 =	rddreg [dreg:$0x16];
	[sflag:s14] =	ssyncadd.s32 $0xFFFFEC00  }
0x63: {  	[spmem:s9] =	stream.linear.scatter [tilespmem:s13], [sflag:$0x3], $0x1400, $0x38;
	[tilespmem:$0x1DA00] =	vst v63  }
0x64: {  	_ =	swait.ge [sflag:s14], $0x1400  }
0x65: {  	[sflag:s14] =	ssyncset.done $0x0  }
0x66: {  	[sflag:s14] =	ssyncadd.s32 $0xFFFFEC00  }
0x67: {  	[spmem:s8] =	stream.linear.scatter [tilespmem:s13], [sflag:$0x3], $0x1400, $0x38;
	[tilespmem:$0x1DA00] =	vst v63  }
0x68: {  	_ =	swait.ge [sflag:s14], $0x1400  }
0x69: {  	[sflag:s14] =	ssyncset.done $0x0  }
0x6a: {  	s2 =	rddreg [dreg:$0x17];
	[sflag:s14] =	ssyncadd.s32 $0xFFFFEC00  }
0x6b: {  	[spmem:s2] =	stream.linear.scatter [tilespmem:s13], [sflag:$0x3], $0x1400, $0x38;
	[tilespmem:$0x1DA00] =	vst v63  }
0x6c: {  	_ =	swait.ge [sflag:s14], $0x1400  }
0x6d: {  	[sflag:s14] =	ssyncset.done $0x0  }
0x6e: {  	s3 =	rddreg [dreg:$0x18];
	[sflag:s14] =	ssyncadd.s32 $0xFFFFEC00  }
0x6f: {  	[spmem:s3] =	stream.linear.scatter [tilespmem:s13], [sflag:$0x3], $0x1400, $0x38;
	[tilespmem:$0x1DA00] =	vst v63  }
0x70: {  	_ =	swait.ge [sflag:s14], $0x1400  }
0x71: {  	[sflag:s14] =	ssyncset.done $0x0  }
0x72: {  	s7 =	rddreg [dreg:$0x19];
	[sflag:s14] =	ssyncadd.s32 $0xFFFFEC00  }
0x73: {  	[spmem:s7] =	stream.linear.scatter [tilespmem:s13], [sflag:$0x3], $0x1400, $0x38;
	[tilespmem:$0x1DA00] =	vst v63  }
0x74: {  	_ =	swait.ge [sflag:s14], $0x1400  }
0x75: {  	[sflag:s14] =	ssyncset.done $0x0  }
0x76: {  	s9 =	smov.u32 s8;
	s8 =	rddreg [dreg:$0x1a];
	[sflag:s14] =	ssyncadd.s32 $0xFFFFEC00  }
0x77: {  	[spmem:s8] =	stream.linear.scatter [tilespmem:s13], [sflag:$0x3], $0x1400, $0x38;
	[tilespmem:$0x1DA00] =	vst v63  }
0x78: {  	_ =	swait.ge [sflag:s14], $0x1400  }
0x79: {  	[sflag:s14] =	ssyncset.done $0x0  }
0x7a: {  	s2 =	rddreg [dreg:$0x1b];
	[sflag:s14] =	ssyncadd.s32 $0xFFFFEC00  }
0x7b: {  	[spmem:s2] =	stream.linear.scatter [tilespmem:s13], [sflag:$0x3], $0x1400, $0x38;
	[tilespmem:$0x1DA00] =	vst v63  }
0x7c: {  	_ =	swait.ge [sflag:s14], $0x1400  }
0x7d: {  	[sflag:s14] =	ssyncset.done $0x0  }
0x7e: {  	s3 =	rddreg [dreg:$0x1c];
	[sflag:s14] =	ssyncadd.s32 $0xFFFFEC00  }
0x7f: {  	[spmem:s3] =	stream.linear.scatter [tilespmem:s13], [sflag:$0x3], $0x1400, $0x38;
	[tilespmem:$0x1DA00] =	vst v63  }
0x80: {  	_ =	swait.ge [sflag:s14], $0x1400  }
0x81: {  	[sflag:s14] =	ssyncset.done $0x0  }
0x82: {  	s7 =	rddreg [dreg:$0x1d];
	[sflag:s14] =	ssyncadd.s32 $0xFFFFEC00  }
0x83: {  	[spmem:s7] =	stream.linear.scatter [tilespmem:s13], [sflag:$0x3], $0x1400, $0x38;
	[tilespmem:$0x1DA00] =	vst v63  }
0x84: {  	_ =	swait.ge [sflag:s14], $0x1400  }
0x85: {  	[sflag:s14] =	ssyncset.done $0x0  }
0x86: {  	[sflag:s14] =	ssyncadd.s32 $0xFFFFEC00  }
0x87: {  	[spmem:s4] =	stream.linear.scatter [tilespmem:s13], [sflag:$0x3], $0x1400, $0x38;
	[tilespmem:$0x1DA00] =	vst v63  }
0x88: {  	_ =	swait.ge [sflag:s14], $0x1400  }
0x89: {  	[sflag:s14] =	ssyncset.done $0x0  }
0x8a: {  	s8 =	rddreg [dreg:$0x1f];
	[sflag:s14] =	ssyncadd.s32 $0xFFFFEC00  }
0x8b: {  	[spmem:s8] =	stream.linear.scatter [tilespmem:s13], [sflag:$0x3], $0x1400, $0x38;
	[tilespmem:$0x1DA00] =	vst v63  }
0x8c: {  	_ =	swait.ge [sflag:s14], $0x1400  }
0x8d: {  	[sflag:s14] =	ssyncset.done $0x0  }
0x8e: {  	[sflag:s14] =	ssyncadd.s32 $0xFFFFEC00  }
0x8f: {  	[spmem:s5] =	stream.linear.scatter [tilespmem:s13], [sflag:$0x3], $0x1400, $0x38;
	[tilespmem:$0x1DA00] =	vst v63  }
0x90: {  	_ =	swait.ge [sflag:s14], $0x1400  }
0x91: {  	[sflag:s14] =	ssyncset.done $0x0  }
0x92: {  	[sflag:s14] =	ssyncadd.s32 $0xFFFFEC00  }
0x93: {  	[spmem:s6] =	stream.linear.scatter [tilespmem:s13], [sflag:$0x3], $0x1400, $0x38;
	[tilespmem:$0x1DA00] =	vst v63  }
0x94: {  	_ =	swait.ge [sflag:s14], $0x1400  }
0x95: {  	s2 =	sld [smem:$0x7F7]  }
0x96: {  	[sflag:s14] =	ssyncset.done $0x0  }
0x97: {  	s0 =	simm.s32 @!p0 $0x200;
	[sflag:s14] =	ssyncadd.s32 $0xFFFFEC00  }
0x98: {  	[spmem:s2] =	stream.linear.scatter @!p0 [tilespmem:s0], [sflag:$0x3], $0x1400, $0x38;
	[tilespmem:$0x1DA00] =	vst v63  }
0x99: {  	s0 =	simm.s32 @!p0 $0x3  }
0x9a: {  	_ =	swait.ge @!p0 [sflag:s0], $0x1400  }
0x9b: {  	[sflag:s0] =	ssyncset.done @!p0 $0x0  }
0x9c: {  	s2 =	simm.s32 $0x0;
	[sflag:s0] =	ssyncadd.s32 @!p0 $0xFFFFEC00;
	s0 =	simm.s32 $0x40  }
.LBB2_4:
0x9d: {  	p1 =	sne.s32 s0, $0x9C00;
	[tilespmem:s2+$0x7A00] =	vst v0;
	s2 =	smov.u32 s0;
	s0 =	sadd.s32 $0x40, s0  }
.Ltmp1:
0x9e: {  	(pc) =	sbr.rel @p1 .LBB2_4-.Ltmp1, $2  }
0x9f: {  	_ =	sdelay $0x2  }
0xa0: {  	s2 =	sshra.s32 s2, $0x2  }
0xa1: {  	[tilespmem:s2+$0x7A00] =	vst v0  }
0xa2: {  	s0 =	simm.s32 $0x0;
	[bflag:$0x0] =	sbarrier.arrive $0xFFFF  }
.LBB2_6:
0xa3: {  	s2 =	smul.u32 $0x50, s0;
	_ =	sdelay $0x1  }
0xa4: {  	s2 =	sadd.s32 s10, s2  }
0xa5: {  	s3 =	sshrl.u32 s2, $0x3  }
0xa6: {  	s4 =	sadd.s32 s23, s3  }
0xa7: {  	[tilespmem:s1], [sflag:$0x3] =	stream.linear.gather [hbm4b:s4+s1], $0x28, $0x38;
	[tilespmem:$0x1DA00] =	vst v63  }
0xa8: {  	_ =	swait.ge [sflag:s14], $0x28  }
0xa9: {  	[sflag:s14] =	ssyncset.done $0x0  }
0xaa: {  	s3 =	sadd.s32 s24, s3;
	[sflag:s14] =	ssyncadd.s32 $0xFFFFFFD8  }
0xab: {  	[tilespmem:s15], [sflag:$0x3] =	stream.linear.gather [hbm4b:s3+s1], $0x28, $0x38;
	[tilespmem:$0x1DA00] =	vst v63  }
0xac: {  	_ =	swait.ge [sflag:s14], $0x28  }
0xad: {  	[sflag:s14] =	ssyncset.done $0x0  }
0xae: {  	[sflag:s14] =	ssyncadd.s32 $0xFFFFFFD8  }
0xaf: {  	[tilespmem:s13], [sflag:$0x1] =	stream.indirect.gather [hbm4b:s20+s16], $0x80, s15, s16, $0xb8;
	[tilespmem:$0x1DA00] =	vst v63  }
0xb0: {  	s2 =	sadd.s32 $0x28, s2  }
0xb1: {  	[tilespmem:s18], [sflag:$0x1] =	stream.indirect.gather [hbm4b:s21+s16], $0x80, s1, s16, $0xb8;
	[tilespmem:$0x1DA00] =	vst v63  }
0xb2: {  	s2 =	sshrl.u32 s2, $0x3  }
0xb3: {  	[tilespmem:s11], [sflag:$0x1] =	stream.indirect.gather [hbm4b:s22+s16], $0x80, s1, s16, $0xb8;
	[tilespmem:$0x1DA00] =	vst v63  }
0xb4: {  	s8 =	sadd.s32 s23, s2  }
0xb5: {  	[tilespmem:s12], [sflag:$0x3] =	stream.linear.gather [hbm4b:s8+s1], $0x28, $0x38;
	[tilespmem:$0x1DA00] =	vst v63  }
0xb6: {  	_ =	swait.ge [sflag:s14], $0x28  }
0xb7: {  	[sflag:s14] =	ssyncset.done $0x0  }
0xb8: {  	s2 =	sadd.s32 s24, s2;
	[sflag:s14] =	ssyncadd.s32 $0xFFFFFFD8  }
0xb9: {  	[tilespmem:s25], [sflag:$0x3] =	stream.linear.gather [hbm4b:s2+s1], $0x28, $0x38;
	[tilespmem:$0x1DA00] =	vst v63  }
0xba: {  	_ =	swait.ge [sflag:s14], $0x28  }
0xbb: {  	[sflag:s14] =	ssyncset.done $0x0  }
0xbc: {  	[sflag:s14] =	ssyncadd.s32 $0xFFFFFFD8  }
0xbd: {  	[tilespmem:s26], [sflag:$0x2] =	stream.indirect.gather [hbm4b:s20+s16], $0x80, s25, s16, $0xb8;
	[tilespmem:$0x1DA00] =	vst v63  }
0xbe: {  	_ = 	snop  }
0xbf: {  	[tilespmem:s28], [sflag:$0x2] =	stream.indirect.gather [hbm4b:s21+s16], $0x80, s12, s16, $0xb8;
	[tilespmem:$0x1DA00] =	vst v63  }
0xc0: {  	s2 =	simm.s32 $0x1  }
0xc1: {  	[tilespmem:s29], [sflag:$0x2] =	stream.indirect.gather [hbm4b:s22+s16], $0x80, s12, s16, $0xb8;
	[tilespmem:$0x1DA00] =	vst v63  }
0xc2: {  	_ =	swait.ge [sflag:s2], $0x1400  }
0xc3: {  	[sflag:s2] =	ssyncset.done $0x0  }
0xc4: {  	[sflag:s2] =	ssyncadd.s32 $0xFFFFEC00  }
0xc5: {  	_ =	swait.ge [sflag:s2], $0x1400  }
0xc6: {  	[sflag:s2] =	ssyncset.done $0x0  }
0xc7: {  	[sflag:s2] =	ssyncadd.s32 $0xFFFFEC00  }
0xc8: {  	_ =	swait.ge [sflag:s2], $0x1400  }
0xc9: {  	[sflag:s2] =	ssyncset.done $0x0  }
0xca: {  	s3 =	simm.s32 $0x1680;
	[sflag:s2] =	ssyncadd.s32 $0xFFFFEC00  }
0xcb: {  	s4 =	simm.s32 $0x280;
	v1 =	vld [tilespmem:s3+$0xFFFFFF90]  }
0xcc: {  	v2 =	vld [tilespmem:s4+$0xFFFFFF90]  }
0xcd: {  	v3 =	vld [tilespmem:s3+$0xFFFFFF80]  }
0xce: {  	v4 =	vld [tilespmem:s4+$0xFFFFFF80]  }
0xcf: {  	v5 =	vld [tilespmem:s3+$0xFFFFFFA0]  }
0xd0: {  	v6 =	vld [tilespmem:s4+$0xFFFFFFA0]  }
0xd1: {  	v7 =	vld [tilespmem:s3+$0xFFFFFFB0]  }
0xd2: {  	v8 =	vld [tilespmem:s4+$0xFFFFFFB0]  }
0xd3: {  	v1 =	vmul.f32 v1, v2;
	v2 =	vmul.f32 v3, v4;
	v3 =	vld [tilespmem:s3+$0xFFFFFFC0]  }
0xd4: {  	v4 =	vld [tilespmem:s4+$0xFFFFFFC0]  }
0xd5: {  	v1 =	vadd.f32 v1, v2;
	v2 =	vmul.f32 v5, v6;
	v5 =	vld [tilespmem:s3+$0xFFFFFFD0]  }
0xd6: {  	v6 =	vld [tilespmem:s4+$0xFFFFFFD0]  }
0xd7: {  	v1 =	vadd.f32 v2, v1;
	v2 =	vmul.f32 v7, v8;
	v7 =	vld [tilespmem:s3+$0xFFFFFFE0]  }
0xd8: {  	v8 =	vld [tilespmem:s4+$0xFFFFFFE0]  }
0xd9: {  	v1 =	vadd.f32 v2, v1;
	v2 =	vmul.f32 v3, v4;
	v3 =	vld [tilespmem:s3+$0xFFFFFFF0]  }
0xda: {  	v4 =	vld [tilespmem:s4+$0xFFFFFFF0]  }
0xdb: {  	v1 =	vadd.f32 v2, v1;
	v2 =	vmul.f32 v5, v6;
	_ =	sdelay $0x1  }
0xdc: {  	v1 =	vadd.f32 v2, v1;
	v2 =	vmul.f32 v7, v8;
	_ =	sdelay $0x1  }
0xdd: {  	v1 =	vadd.f32 v2, v1;
	v2 =	vmul.f32 v3, v4;
	_ =	sdelay $0x1  }
0xde: {  	v1 =	vadd.f32 v2, v1;
	_ =	sdelay $0x1  }
0xdf: {  	(xrf2) =	vadd.scan.msk.f32 $0xffff, v1;
	_ =	sdelay $0x9  }
0xe0: {  	v1, _, _ =	vpop (xrf2)  }
0xe1: {  	v1 =	vadd.f32 $0.0e+00, v1;
	_ =	sdelay $0x1  }
0xe2: {  	v1 =	vmul.f32 $1.442695020e+00, v1;
	_ =	sdelay $0x1  }
0xe3: {  	v1 =	vbroadcast v1, $0xF;
	_ =	sdelay $0x1  }
0xe4: {  	(erf) = vpow2.f32 v1;
	_ =	sdelay $0x3  }
0xe5: {  	s5 =	simm.s32 $0x2A80  }
0xe6: {  	v1 =	vld [tilespmem:s5+$0xFFFFFFF0]  }
0xe7: {  	v2 =	vld [tilespmem:s5+$0xFFFFFF80]  }
0xe8: {  	v3 =	vld [tilespmem:s5+$0xFFFFFFA0]  }
0xe9: {  	v4 =	vld [tilespmem:s5+$0xFFFFFFC0]  }
0xea: {  	v5 =	vld [tilespmem:s5+$0xFFFFFFB0];
	v6 =	vpop (erf)  }
0xeb: {  	v7 =	vld [tilespmem:s5+$0xFFFFFFE0];
	v1 =	vmul.f32 v1, v6  }
0xec: {  	s6 =	simm.s32 $0x0;
	v8 =	vld [tilespmem:s5+$0xFFFFFFD0];
	v2 =	vmul.f32 v6, v2  }
0xed: {  	v9 =	vld [tilespmem:s5+$0xFFFFFF90];
	v3 =	vmul.f32 v6, v3;
	[tilespmem:s5+$0xFFFFFFF0] =	vst v1;
	v1 =	vmov s6  }
0xee: {  	v4 =	vmul.f32 v4, v6;
	[tilespmem:s5+$0xFFFFFF80] =	vst v2;
	v1 =	vand.u32 $0xFFFFFFFE, v1  }
0xef: {  	v2 =	vmul.f32 v6, v5;
	[tilespmem:s5+$0xFFFFFFA0] =	vst v3;
	v1 =	vbroadcast v1, $0x0  }
0xf0: {  	v3 =	vmul.f32 v7, v6;
	[tilespmem:s5+$0xFFFFFFC0] =	vst v4  }
0xf1: {  	v4 =	vmul.f32 v8, v6;
	[tilespmem:s5+$0xFFFFFFB0] =	vst v2  }
0xf2: {  	v2 =	vmul.f32 v6, v9;
	[tilespmem:s5+$0xFFFFFFE0] =	vst v3  }
0xf3: {  	[tilespmem:s5+$0xFFFFFFD0] =	vst v4  }
0xf4: {  	[tilespmem:s5+$0xFFFFFF90] =	vst v2  }
0xf5: {  	v1 =	vld.idx.msk [tilespmem:v1+s15+$0x0], $0xffff;
	_ =	sdelay $0x7  }
0xf6: {  	[tilespmem:v1+s30+$0x0] =	vst.idx.add.f32.msk $0x1, v6  }
0xf7: {  	v1 =	vld [tilespmem:s4+$0x0]  }
0xf8: {  	v2 =	vld [tilespmem:s3+$0x0]  }
0xf9: {  	v3 =	vld [tilespmem:s3+$0x10]  }
0xfa: {  	v4 =	vld [tilespmem:s4+$0x10]  }
0xfb: {  	v5 =	vld [tilespmem:s3+$0x20]  }
0xfc: {  	v6 =	vld [tilespmem:s4+$0x20]  }
0xfd: {  	v7 =	vld [tilespmem:s3+$0x30]  }
0xfe: {  	v8 =	vld [tilespmem:s4+$0x30]  }
0xff: {  	v1 =	vmul.f32 v2, v1;
	v2 =	vmul.f32 v3, v4;
	v3 =	vld [tilespmem:s3+$0x40]  }
0x100: {  	v4 =	vld [tilespmem:s4+$0x40]  }
0x101: {  	v1 =	vadd.f32 v2, v1;
	v2 =	vmul.f32 v5, v6;
	v5 =	vld [tilespmem:s3+$0x50]  }
0x102: {  	v6 =	vld [tilespmem:s4+$0x50]  }
0x103: {  	v1 =	vadd.f32 v2, v1;
	v2 =	vmul.f32 v7, v8;
	v7 =	vld [tilespmem:s3+$0x60]  }
0x104: {  	v8 =	vld [tilespmem:s4+$0x60]  }
0x105: {  	v1 =	vadd.f32 v2, v1;
	v2 =	vmul.f32 v3, v4;
	v3 =	vld [tilespmem:s3+$0x70]  }
0x106: {  	v4 =	vld [tilespmem:s4+$0x70]  }
0x107: {  	v1 =	vadd.f32 v2, v1;
	v2 =	vmul.f32 v5, v6;
	_ =	sdelay $0x1  }
0x108: {  	v1 =	vadd.f32 v2, v1;
	v2 =	vmul.f32 v7, v8;
	_ =	sdelay $0x1  }
0x109: {  	v1 =	vadd.f32 v2, v1;
	v2 =	vmul.f32 v3, v4;
	_ =	sdelay $0x1  }
0x10a: {  	v1 =	vadd.f32 v2, v1;
	_ =	sdelay $0x1  }
0x10b: {  	(xrf2) =	vadd.scan.msk.f32 $0xffff, v1;
	_ =	sdelay $0x9  }
0x10c: {  	v1, _, _ =	vpop (xrf2)  }
0x10d: {  	v1 =	vadd.f32 $0.0e+00, v1;
	_ =	sdelay $0x1  }
0x10e: {  	v1 =	vmul.f32 $1.442695020e+00, v1;
	_ =	sdelay $0x1  }
0x10f: {  	v1 =	vbroadcast v1, $0xF;
	_ =	sdelay $0x1  }
0x110: {  	(erf) = vpow2.f32 v1  }
0x111: {  	v9 =	vld [tilespmem:s5+$0x0]  }
0x112: {  	v6 =	vld [tilespmem:s5+$0x40]  }
0x113: {  	v5 =	vld [tilespmem:s5+$0x60]  }
0x114: {  	v7 =	vld [tilespmem:s5+$0x10]  }
0x115: {  	v8 =	vld [tilespmem:s5+$0x20]  }
0x116: {  	v4 =	vld [tilespmem:s5+$0x30]  }
0x117: {  	v3 =	vld [tilespmem:s5+$0x50]  }
0x118: {  	v2 =	vld [tilespmem:s5+$0x70]  }
0x119: {  	v1 =	vpop (erf)  }
0x11a: {  	s7 =	simm.s32 $0x3;
	s6 =	simm.s32 $0x2A80;
	v9 =	vmul.f32 v1, v9;
	v7 =	vmul.f32 v1, v7  }
.LBB2_7:
0x11b: {  	v8 =	vmul.f32 v1, v8;
	v4 =	vmul.f32 v1, v4;
	s4 =	sadd.s32 $0x100, s4;
	s3 =	sadd.s32 $0x100, s3;
	s5 =	sadd.s32 $0x100, s5  }
0x11c: {  	p1 =	sne.s32 s7, $0x27;
	v3 =	vmul.f32 v3, v1;
	s8 =	smov.u32 s7;
	s7 =	sadd.s32 $0x2, s7;
	[tilespmem:s6+$0x0] =	vst v9;
	v6 =	vmul.f32 v6, v1  }
0x11d: {  	v2 =	vmul.f32 v2, v1;
	[tilespmem:s6+$0x10] =	vst v7;
	v5 =	vmul.f32 v5, v1  }
0x11e: {  	v7 =	vmov s2;
	s2 =	smov.u32 s8;
	[tilespmem:s6+$0x20] =	vst v8  }
0x11f: {  	[tilespmem:s6+$0x50] =	vst v3  }
0x120: {  	[tilespmem:s6+$0x40] =	vst v6  }
0x121: {  	[tilespmem:s6+$0x70] =	vst v2  }
0x122: {  	[tilespmem:s6+$0x30] =	vst v4  }
0x123: {  	[tilespmem:s6+$0x60] =	vst v5;
	s6 =	smov.u32 s5  }
0x124: {  	v2 =	vld.idx.msk [tilespmem:v7+s15+$0x0], $0xffff;
	_ =	sdelay $0x7  }
0x125: {  	[tilespmem:v2+s30+$0x0] =	vst.idx.add.f32.msk $0x1, v1  }
0x126: {  	v1 =	vld [tilespmem:s3+$0xFFFFFF90]  }
0x127: {  	v2 =	vld [tilespmem:s4+$0xFFFFFF90]  }
0x128: {  	v3 =	vld [tilespmem:s3+$0xFFFFFF80]  }
0x129: {  	v4 =	vld [tilespmem:s4+$0xFFFFFF80]  }
0x12a: {  	v5 =	vld [tilespmem:s3+$0xFFFFFFA0]  }
0x12b: {  	v6 =	vld [tilespmem:s4+$0xFFFFFFA0]  }
0x12c: {  	v1 =	vmul.f32 v1, v2;
	v2 =	vld [tilespmem:s3+$0xFFFFFFB0]  }
0x12d: {  	v7 =	vld [tilespmem:s4+$0xFFFFFFB0]  }
0x12e: {  	v3 =	vmul.f32 v3, v4;
	v4 =	vld [tilespmem:s3+$0xFFFFFFC0]  }
0x12f: {  	v8 =	vld [tilespmem:s4+$0xFFFFFFC0]  }
0x130: {  	v1 =	vadd.f32 v1, v3;
	v3 =	vmul.f32 v5, v6;
	v5 =	vld [tilespmem:s3+$0xFFFFFFD0]  }
0x131: {  	v6 =	vld [tilespmem:s4+$0xFFFFFFD0]  }
0x132: {  	v1 =	vadd.f32 v3, v1;
	v2 =	vmul.f32 v2, v7;
	v3 =	vld [tilespmem:s3+$0xFFFFFFE0]  }
0x133: {  	v7 =	vld [tilespmem:s4+$0xFFFFFFE0]  }
0x134: {  	v1 =	vadd.f32 v2, v1;
	v2 =	vmul.f32 v4, v8;
	v4 =	vld [tilespmem:s3+$0xFFFFFFF0]  }
0x135: {  	v8 =	vld [tilespmem:s4+$0xFFFFFFF0]  }
0x136: {  	v1 =	vadd.f32 v2, v1;
	v2 =	vmul.f32 v5, v6;
	_ =	sdelay $0x1  }
0x137: {  	v1 =	vadd.f32 v2, v1;
	v2 =	vmul.f32 v3, v7;
	_ =	sdelay $0x1  }
0x138: {  	v1 =	vadd.f32 v2, v1;
	v2 =	vmul.f32 v4, v8;
	_ =	sdelay $0x1  }
0x139: {  	v1 =	vadd.f32 v2, v1;
	_ =	sdelay $0x1  }
0x13a: {  	(xrf2) =	vadd.scan.msk.f32 $0xffff, v1;
	_ =	sdelay $0x9  }
0x13b: {  	v1, _, _ =	vpop (xrf2)  }
0x13c: {  	v1 =	vadd.f32 $0.0e+00, v1;
	_ =	sdelay $0x1  }
0x13d: {  	v1 =	vmul.f32 $1.442695020e+00, v1;
	_ =	sdelay $0x1  }
0x13e: {  	v1 =	vbroadcast v1, $0xF;
	_ =	sdelay $0x1  }
0x13f: {  	(erf) = vpow2.f32 v1  }
0x140: {  	v1 =	vld [tilespmem:s5+$0xFFFFFFD0]  }
0x141: {  	v2 =	vld [tilespmem:s5+$0xFFFFFFC0]  }
0x142: {  	v3 =	vld [tilespmem:s5+$0xFFFFFFE0]  }
0x143: {  	v4 =	vld [tilespmem:s5+$0xFFFFFFF0]  }
0x144: {  	v5 =	vld [tilespmem:s5+$0xFFFFFF80]  }
0x145: {  	v6 =	vld [tilespmem:s5+$0xFFFFFFA0]  }
0x146: {  	v7 =	vld [tilespmem:s5+$0xFFFFFF90]  }
0x147: {  	v8 =	vld [tilespmem:s5+$0xFFFFFFB0]  }
0x148: {  	v9 =	vpop (erf)  }
0x149: {  	v5 =	vmul.f32 v9, v5;
	v4 =	vmul.f32 v4, v9  }
0x14a: {  	s8 =	sadd.s32 $0xFFFFFFFF, s2;
	v3 =	vmul.f32 v3, v9;
	v6 =	vmul.f32 v9, v6  }
0x14b: {  	v2 =	vmul.f32 v2, v9;
	v7 =	vmul.f32 v9, v7;
	[tilespmem:s5+$0xFFFFFFF0] =	vst v4;
	v4 =	vmov s8  }
0x14c: {  	v1 =	vmul.f32 v1, v9;
	[tilespmem:s5+$0xFFFFFF80] =	vst v5;
	v5 =	vmul.f32 v9, v8;
	v4 =	vand.u32 $0xFFFFFFFE, v4  }
0x14d: {  	[tilespmem:s5+$0xFFFFFFA0] =	vst v6;
	v4 =	vbroadcast v4, $0x0  }
0x14e: {  	[tilespmem:s5+$0xFFFFFFC0] =	vst v2  }
0x14f: {  	[tilespmem:s5+$0xFFFFFFB0] =	vst v5  }
0x150: {  	[tilespmem:s5+$0xFFFFFFE0] =	vst v3  }
0x151: {  	[tilespmem:s5+$0xFFFFFFD0] =	vst v1  }
0x152: {  	[tilespmem:s5+$0xFFFFFF90] =	vst v7  }
0x153: {  	v1 =	vld.idx.msk [tilespmem:v4+s15+$0x0], $0xffff;
	_ =	sdelay $0x7  }
0x154: {  	[tilespmem:v1+s30+$0x0] =	vst.idx.add.f32.msk $0x1, v9  }
0x155: {  	v1 =	vld [tilespmem:s4+$0x0]  }
0x156: {  	v2 =	vld [tilespmem:s3+$0x0]  }
0x157: {  	v3 =	vld [tilespmem:s3+$0x10]  }
0x158: {  	v4 =	vld [tilespmem:s4+$0x10]  }
0x159: {  	v5 =	vld [tilespmem:s3+$0x20]  }
0x15a: {  	v6 =	vld [tilespmem:s4+$0x20]  }
0x15b: {  	v1 =	vmul.f32 v2, v1;
	v2 =	vld [tilespmem:s3+$0x30]  }
0x15c: {  	v7 =	vld [tilespmem:s4+$0x30]  }
0x15d: {  	v3 =	vmul.f32 v3, v4;
	v4 =	vld [tilespmem:s3+$0x40]  }
0x15e: {  	v8 =	vld [tilespmem:s4+$0x40]  }
0x15f: {  	v1 =	vadd.f32 v3, v1;
	v3 =	vmul.f32 v5, v6;
	v5 =	vld [tilespmem:s3+$0x50]  }
0x160: {  	v6 =	vld [tilespmem:s4+$0x50]  }
0x161: {  	v1 =	vadd.f32 v3, v1;
	v2 =	vmul.f32 v2, v7;
	v3 =	vld [tilespmem:s3+$0x60]  }
0x162: {  	v7 =	vld [tilespmem:s4+$0x60]  }
0x163: {  	v1 =	vadd.f32 v2, v1;
	v2 =	vmul.f32 v4, v8;
	v4 =	vld [tilespmem:s3+$0x70]  }
0x164: {  	v8 =	vld [tilespmem:s4+$0x70]  }
0x165: {  	v1 =	vadd.f32 v2, v1;
	v2 =	vmul.f32 v5, v6;
	_ =	sdelay $0x1  }
0x166: {  	v1 =	vadd.f32 v2, v1;
	v2 =	vmul.f32 v3, v7;
	_ =	sdelay $0x1  }
0x167: {  	v1 =	vadd.f32 v2, v1;
	v2 =	vmul.f32 v4, v8;
	_ =	sdelay $0x1  }
0x168: {  	v1 =	vadd.f32 v2, v1;
	_ =	sdelay $0x1  }
0x169: {  	(xrf2) =	vadd.scan.msk.f32 $0xffff, v1;
	_ =	sdelay $0x9  }
0x16a: {  	v1, _, _ =	vpop (xrf2)  }
0x16b: {  	v1 =	vadd.f32 $0.0e+00, v1;
	_ =	sdelay $0x1  }
0x16c: {  	v1 =	vmul.f32 $1.442695020e+00, v1;
	_ =	sdelay $0x1  }
0x16d: {  	v1 =	vbroadcast v1, $0xF;
	_ =	sdelay $0x1  }
0x16e: {  	(erf) = vpow2.f32 v1  }
0x16f: {  	v2 =	vld [tilespmem:s5+$0x70]  }
0x170: {  	v3 =	vld [tilespmem:s5+$0x50]  }
0x171: {  	v4 =	vld [tilespmem:s5+$0x30]  }
0x172: {  	v7 =	vld [tilespmem:s5+$0x10]  }
0x173: {  	v9 =	vld [tilespmem:s5+$0x0]  }
.Ltmp2:
0x174: {  	v8 =	vld [tilespmem:s5+$0x20];
	(pc) =	sbr.rel @p1 .LBB2_7-.Ltmp2, $4  }
0x175: {  	v6 =	vld [tilespmem:s5+$0x40]  }
0x176: {  	v5 =	vld [tilespmem:s5+$0x60]  }
0x177: {  	v1 =	vpop (erf)  }
0x178: {  	v9 =	vmul.f32 v1, v9;
	v7 =	vmul.f32 v1, v7  }
0x179: {  	_ = 	snop  }
0x17a: {  	v8 =	vmul.f32 v1, v8;
	[tilespmem:s6+$0x0] =	vst v9  }
0x17b: {  	v3 =	vmul.f32 v3, v1;
	[tilespmem:s6+$0x10] =	vst v7  }
0x17c: {  	v2 =	vmul.f32 v2, v1;
	[tilespmem:s6+$0x20] =	vst v8  }
0x17d: {  	v6 =	vmul.f32 v6, v1;
	v7 =	vmov s2;
	[tilespmem:s6+$0x50] =	vst v3  }
0x17e: {  	v3 =	vmul.f32 v1, v4;
	[tilespmem:s6+$0x70] =	vst v2  }
0x17f: {  	v4 =	vmul.f32 v5, v1;
	[tilespmem:s6+$0x40] =	vst v6  }
0x180: {  	[tilespmem:s6+$0x30] =	vst v3  }
0x181: {  	[tilespmem:s6+$0x60] =	vst v4  }
0x182: {  	v2 =	vld.idx.msk [tilespmem:v7+s15+$0x0], $0xffff;
	_ =	sdelay $0x7  }
0x183: {  	[tilespmem:v2+s30+$0x0] =	vst.idx.add.f32.msk $0x1, v1  }
0x184: {  	[spmem:s19] =	stream.indirect.scatter.add.f32 [tilespmem:s11], [sflag:$0x3], $0x80, s15, s16, $0xb8;
	[tilespmem:$0x1DA00] =	vst v63  }
0x185: {  	_ =	swait.ge [sflag:s14], $0x1400  }
0x186: {  	[sflag:s14] =	ssyncset.done $0x0  }
0x187: {  	[sflag:s14] =	ssyncadd.s32 $0xFFFFEC00  }
0x188: {  	_ =	swait.ge [sflag:s31], $0x1400  }
0x189: {  	[sflag:s31] =	ssyncset.done $0x0  }
0x18a: {  	[sflag:s31] =	ssyncadd.s32 $0xFFFFEC00  }
0x18b: {  	_ =	swait.ge [sflag:s31], $0x1400  }
0x18c: {  	[sflag:s31] =	ssyncset.done $0x0  }
0x18d: {  	[sflag:s31] =	ssyncadd.s32 $0xFFFFEC00  }
0x18e: {  	_ =	swait.ge [sflag:s31], $0x1400  }
0x18f: {  	[sflag:s31] =	ssyncset.done $0x0  }
0x190: {  	s2 =	simm.s32 $0x5280;
	[sflag:s31] =	ssyncadd.s32 $0xFFFFEC00  }
0x191: {  	s3 =	simm.s32 $0x3E80;
	v1 =	vld [tilespmem:s2+$0xFFFFFF90]  }
0x192: {  	v2 =	vld [tilespmem:s3+$0xFFFFFF90]  }
0x193: {  	v3 =	vld [tilespmem:s2+$0xFFFFFF80]  }
0x194: {  	v4 =	vld [tilespmem:s3+$0xFFFFFF80]  }
0x195: {  	v5 =	vld [tilespmem:s2+$0xFFFFFFA0]  }
0x196: {  	v6 =	vld [tilespmem:s3+$0xFFFFFFA0]  }
0x197: {  	v7 =	vld [tilespmem:s2+$0xFFFFFFB0]  }
0x198: {  	v8 =	vld [tilespmem:s3+$0xFFFFFFB0]  }
0x199: {  	v1 =	vmul.f32 v1, v2;
	v2 =	vmul.f32 v3, v4;
	v3 =	vld [tilespmem:s2+$0xFFFFFFC0]  }
0x19a: {  	v4 =	vld [tilespmem:s3+$0xFFFFFFC0]  }
0x19b: {  	v1 =	vadd.f32 v1, v2;
	v2 =	vmul.f32 v5, v6;
	v5 =	vld [tilespmem:s2+$0xFFFFFFD0]  }
0x19c: {  	v6 =	vld [tilespmem:s3+$0xFFFFFFD0]  }
0x19d: {  	v1 =	vadd.f32 v2, v1;
	v2 =	vmul.f32 v7, v8;
	v7 =	vld [tilespmem:s2+$0xFFFFFFE0]  }
0x19e: {  	v8 =	vld [tilespmem:s3+$0xFFFFFFE0]  }
0x19f: {  	v1 =	vadd.f32 v2, v1;
	v2 =	vmul.f32 v3, v4;
	v3 =	vld [tilespmem:s2+$0xFFFFFFF0]  }
0x1a0: {  	v4 =	vld [tilespmem:s3+$0xFFFFFFF0]  }
0x1a1: {  	v1 =	vadd.f32 v2, v1;
	v2 =	vmul.f32 v5, v6;
	_ =	sdelay $0x1  }
0x1a2: {  	v1 =	vadd.f32 v2, v1;
	v2 =	vmul.f32 v7, v8;
	_ =	sdelay $0x1  }
0x1a3: {  	v1 =	vadd.f32 v2, v1;
	v2 =	vmul.f32 v3, v4;
	_ =	sdelay $0x1  }
0x1a4: {  	v1 =	vadd.f32 v2, v1;
	_ =	sdelay $0x1  }
0x1a5: {  	(xrf2) =	vadd.scan.msk.f32 $0xffff, v1;
	_ =	sdelay $0x9  }
0x1a6: {  	v1, _, _ =	vpop (xrf2)  }
0x1a7: {  	v1 =	vadd.f32 $0.0e+00, v1;
	_ =	sdelay $0x1  }
0x1a8: {  	v1 =	vmul.f32 $1.442695020e+00, v1;
	_ =	sdelay $0x1  }
0x1a9: {  	v1 =	vbroadcast v1, $0xF;
	_ =	sdelay $0x1  }
0x1aa: {  	(erf) = vpow2.f32 v1;
	_ =	sdelay $0x3  }
0x1ab: {  	s4 =	simm.s32 $0x6680  }
0x1ac: {  	v1 =	vld [tilespmem:s4+$0xFFFFFFF0]  }
0x1ad: {  	v2 =	vld [tilespmem:s4+$0xFFFFFF80]  }
0x1ae: {  	v3 =	vld [tilespmem:s4+$0xFFFFFFA0]  }
0x1af: {  	v4 =	vld [tilespmem:s4+$0xFFFFFFC0]  }
0x1b0: {  	v5 =	vld [tilespmem:s4+$0xFFFFFFB0];
	v6 =	vpop (erf)  }
0x1b1: {  	v7 =	vld [tilespmem:s4+$0xFFFFFFE0];
	v1 =	vmul.f32 v1, v6  }
0x1b2: {  	s5 =	simm.s32 $0x0;
	v8 =	vld [tilespmem:s4+$0xFFFFFFD0];
	v2 =	vmul.f32 v6, v2  }
0x1b3: {  	v9 =	vld [tilespmem:s4+$0xFFFFFF90];
	v3 =	vmul.f32 v6, v3;
	[tilespmem:s4+$0xFFFFFFF0] =	vst v1;
	v1 =	vmov s5  }
0x1b4: {  	v4 =	vmul.f32 v4, v6;
	[tilespmem:s4+$0xFFFFFF80] =	vst v2;
	v1 =	vand.u32 $0xFFFFFFFE, v1  }
0x1b5: {  	v2 =	vmul.f32 v6, v5;
	[tilespmem:s4+$0xFFFFFFA0] =	vst v3;
	v1 =	vbroadcast v1, $0x0  }
0x1b6: {  	v3 =	vmul.f32 v7, v6;
	[tilespmem:s4+$0xFFFFFFC0] =	vst v4  }
0x1b7: {  	v4 =	vmul.f32 v8, v6;
	[tilespmem:s4+$0xFFFFFFB0] =	vst v2  }
0x1b8: {  	v2 =	vmul.f32 v6, v9;
	[tilespmem:s4+$0xFFFFFFE0] =	vst v3  }
0x1b9: {  	[tilespmem:s4+$0xFFFFFFD0] =	vst v4  }
0x1ba: {  	[tilespmem:s4+$0xFFFFFF90] =	vst v2  }
0x1bb: {  	v1 =	vld.idx.msk [tilespmem:v1+s25+$0x0], $0xffff;
	_ =	sdelay $0x7  }
0x1bc: {  	[tilespmem:v1+s30+$0x0] =	vst.idx.add.f32.msk $0x1, v6  }
0x1bd: {  	v1 =	vld [tilespmem:s3+$0x0]  }
0x1be: {  	v2 =	vld [tilespmem:s2+$0x0]  }
0x1bf: {  	v3 =	vld [tilespmem:s2+$0x10]  }
0x1c0: {  	v4 =	vld [tilespmem:s3+$0x10]  }
0x1c1: {  	v5 =	vld [tilespmem:s2+$0x20]  }
0x1c2: {  	v6 =	vld [tilespmem:s3+$0x20]  }
0x1c3: {  	v7 =	vld [tilespmem:s2+$0x30]  }
0x1c4: {  	v8 =	vld [tilespmem:s3+$0x30]  }
0x1c5: {  	v1 =	vmul.f32 v2, v1;
	v2 =	vmul.f32 v3, v4;
	v3 =	vld [tilespmem:s2+$0x40]  }
0x1c6: {  	v4 =	vld [tilespmem:s3+$0x40]  }
0x1c7: {  	v1 =	vadd.f32 v2, v1;
	v2 =	vmul.f32 v5, v6;
	v5 =	vld [tilespmem:s2+$0x50]  }
0x1c8: {  	v6 =	vld [tilespmem:s3+$0x50]  }
0x1c9: {  	v1 =	vadd.f32 v2, v1;
	v2 =	vmul.f32 v7, v8;
	v7 =	vld [tilespmem:s2+$0x60]  }
0x1ca: {  	v8 =	vld [tilespmem:s3+$0x60]  }
0x1cb: {  	v1 =	vadd.f32 v2, v1;
	v2 =	vmul.f32 v3, v4;
	v3 =	vld [tilespmem:s2+$0x70]  }
0x1cc: {  	v4 =	vld [tilespmem:s3+$0x70]  }
0x1cd: {  	v1 =	vadd.f32 v2, v1;
	v2 =	vmul.f32 v5, v6;
	_ =	sdelay $0x1  }
0x1ce: {  	v1 =	vadd.f32 v2, v1;
	v2 =	vmul.f32 v7, v8;
	_ =	sdelay $0x1  }
0x1cf: {  	v1 =	vadd.f32 v2, v1;
	v2 =	vmul.f32 v3, v4;
	_ =	sdelay $0x1  }
0x1d0: {  	v1 =	vadd.f32 v2, v1;
	_ =	sdelay $0x1  }
0x1d1: {  	(xrf2) =	vadd.scan.msk.f32 $0xffff, v1;
	_ =	sdelay $0x9  }
0x1d2: {  	v1, _, _ =	vpop (xrf2)  }
0x1d3: {  	v1 =	vadd.f32 $0.0e+00, v1;
	_ =	sdelay $0x1  }
0x1d4: {  	v1 =	vmul.f32 $1.442695020e+00, v1;
	_ =	sdelay $0x1  }
0x1d5: {  	v1 =	vbroadcast v1, $0xF;
	_ =	sdelay $0x1  }
0x1d6: {  	(erf) = vpow2.f32 v1  }
0x1d7: {  	v9 =	vld [tilespmem:s4+$0x0]  }
0x1d8: {  	v6 =	vld [tilespmem:s4+$0x40]  }
0x1d9: {  	v5 =	vld [tilespmem:s4+$0x60]  }
0x1da: {  	v8 =	vld [tilespmem:s4+$0x10]  }
0x1db: {  	v7 =	vld [tilespmem:s4+$0x20]  }
0x1dc: {  	v4 =	vld [tilespmem:s4+$0x30]  }
0x1dd: {  	v3 =	vld [tilespmem:s4+$0x50]  }
0x1de: {  	v2 =	vld [tilespmem:s4+$0x70]  }
0x1df: {  	v1 =	vpop (erf)  }
0x1e0: {  	s7 =	simm.s32 $0x3;
	s6 =	simm.s32 $0x1;
	s5 =	simm.s32 $0x6680;
	v9 =	vmul.f32 v1, v9;
	v8 =	vmul.f32 v1, v8  }
.LBB2_9:
0x1e1: {  	v7 =	vmul.f32 v1, v7;
	v4 =	vmul.f32 v1, v4;
	s3 =	sadd.s32 $0x100, s3;
	s2 =	sadd.s32 $0x100, s2;
	s4 =	sadd.s32 $0x100, s4  }
0x1e2: {  	p1 =	sne.s32 s7, $0x27;
	v3 =	vmul.f32 v3, v1;
	s8 =	smov.u32 s7;
	s7 =	sadd.s32 $0x2, s7;
	[tilespmem:s5+$0x0] =	vst v9;
	v6 =	vmul.f32 v6, v1  }
0x1e3: {  	v2 =	vmul.f32 v2, v1;
	[tilespmem:s5+$0x10] =	vst v8;
	v5 =	vmul.f32 v5, v1  }
0x1e4: {  	[tilespmem:s5+$0x20] =	vst v7;
	v7 =	vmov s6;
	s6 =	smov.u32 s8  }
0x1e5: {  	[tilespmem:s5+$0x50] =	vst v3  }
0x1e6: {  	[tilespmem:s5+$0x40] =	vst v6  }
0x1e7: {  	[tilespmem:s5+$0x70] =	vst v2  }
0x1e8: {  	[tilespmem:s5+$0x30] =	vst v4  }
0x1e9: {  	[tilespmem:s5+$0x60] =	vst v5;
	s5 =	smov.u32 s4  }
0x1ea: {  	v2 =	vld.idx.msk [tilespmem:v7+s25+$0x0], $0xffff;
	_ =	sdelay $0x7  }
0x1eb: {  	[tilespmem:v2+s30+$0x0] =	vst.idx.add.f32.msk $0x1, v1  }
0x1ec: {  	v1 =	vld [tilespmem:s2+$0xFFFFFF90]  }
0x1ed: {  	v2 =	vld [tilespmem:s3+$0xFFFFFF90]  }
0x1ee: {  	v3 =	vld [tilespmem:s2+$0xFFFFFF80]  }
0x1ef: {  	v4 =	vld [tilespmem:s3+$0xFFFFFF80]  }
0x1f0: {  	v5 =	vld [tilespmem:s2+$0xFFFFFFA0]  }
0x1f1: {  	v6 =	vld [tilespmem:s3+$0xFFFFFFA0]  }
0x1f2: {  	v1 =	vmul.f32 v1, v2;
	v2 =	vld [tilespmem:s2+$0xFFFFFFB0]  }
0x1f3: {  	v7 =	vld [tilespmem:s3+$0xFFFFFFB0]  }
0x1f4: {  	v3 =	vmul.f32 v3, v4;
	v4 =	vld [tilespmem:s2+$0xFFFFFFC0]  }
0x1f5: {  	v8 =	vld [tilespmem:s3+$0xFFFFFFC0]  }
0x1f6: {  	v1 =	vadd.f32 v1, v3;
	v3 =	vmul.f32 v5, v6;
	v5 =	vld [tilespmem:s2+$0xFFFFFFD0]  }
0x1f7: {  	v6 =	vld [tilespmem:s3+$0xFFFFFFD0]  }
0x1f8: {  	v1 =	vadd.f32 v3, v1;
	v2 =	vmul.f32 v2, v7;
	v3 =	vld [tilespmem:s2+$0xFFFFFFE0]  }
0x1f9: {  	v7 =	vld [tilespmem:s3+$0xFFFFFFE0]  }
0x1fa: {  	v1 =	vadd.f32 v2, v1;
	v2 =	vmul.f32 v4, v8;
	v4 =	vld [tilespmem:s2+$0xFFFFFFF0]  }
0x1fb: {  	v8 =	vld [tilespmem:s3+$0xFFFFFFF0]  }
0x1fc: {  	v1 =	vadd.f32 v2, v1;
	v2 =	vmul.f32 v5, v6;
	_ =	sdelay $0x1  }
0x1fd: {  	v1 =	vadd.f32 v2, v1;
	v2 =	vmul.f32 v3, v7;
	_ =	sdelay $0x1  }
0x1fe: {  	v1 =	vadd.f32 v2, v1;
	v2 =	vmul.f32 v4, v8;
	_ =	sdelay $0x1  }
0x1ff: {  	v1 =	vadd.f32 v2, v1;
	_ =	sdelay $0x1  }
0x200: {  	(xrf2) =	vadd.scan.msk.f32 $0xffff, v1;
	_ =	sdelay $0x9  }
0x201: {  	v1, _, _ =	vpop (xrf2)  }
0x202: {  	v1 =	vadd.f32 $0.0e+00, v1;
	_ =	sdelay $0x1  }
0x203: {  	v1 =	vmul.f32 $1.442695020e+00, v1;
	_ =	sdelay $0x1  }
0x204: {  	v1 =	vbroadcast v1, $0xF;
	_ =	sdelay $0x1  }
0x205: {  	(erf) = vpow2.f32 v1  }
0x206: {  	v1 =	vld [tilespmem:s4+$0xFFFFFFD0]  }
0x207: {  	v2 =	vld [tilespmem:s4+$0xFFFFFFC0]  }
0x208: {  	v3 =	vld [tilespmem:s4+$0xFFFFFFE0]  }
0x209: {  	v4 =	vld [tilespmem:s4+$0xFFFFFFF0]  }
0x20a: {  	v5 =	vld [tilespmem:s4+$0xFFFFFF80]  }
0x20b: {  	v6 =	vld [tilespmem:s4+$0xFFFFFFA0]  }
0x20c: {  	v7 =	vld [tilespmem:s4+$0xFFFFFF90]  }
0x20d: {  	v8 =	vld [tilespmem:s4+$0xFFFFFFB0]  }
0x20e: {  	v9 =	vpop (erf)  }
0x20f: {  	v5 =	vmul.f32 v9, v5;
	v4 =	vmul.f32 v4, v9  }
0x210: {  	s8 =	sadd.s32 $0xFFFFFFFF, s6;
	v3 =	vmul.f32 v3, v9;
	v6 =	vmul.f32 v9, v6  }
0x211: {  	v2 =	vmul.f32 v2, v9;
	v7 =	vmul.f32 v9, v7;
	[tilespmem:s4+$0xFFFFFFF0] =	vst v4;
	v4 =	vmov s8  }
0x212: {  	v1 =	vmul.f32 v1, v9;
	[tilespmem:s4+$0xFFFFFF80] =	vst v5;
	v5 =	vmul.f32 v9, v8;
	v4 =	vand.u32 $0xFFFFFFFE, v4  }
0x213: {  	[tilespmem:s4+$0xFFFFFFA0] =	vst v6;
	v4 =	vbroadcast v4, $0x0  }
0x214: {  	[tilespmem:s4+$0xFFFFFFC0] =	vst v2  }
0x215: {  	[tilespmem:s4+$0xFFFFFFB0] =	vst v5  }
0x216: {  	[tilespmem:s4+$0xFFFFFFE0] =	vst v3  }
0x217: {  	[tilespmem:s4+$0xFFFFFFD0] =	vst v1  }
0x218: {  	[tilespmem:s4+$0xFFFFFF90] =	vst v7  }
0x219: {  	v1 =	vld.idx.msk [tilespmem:v4+s25+$0x0], $0xffff;
	_ =	sdelay $0x7  }
0x21a: {  	[tilespmem:v1+s30+$0x0] =	vst.idx.add.f32.msk $0x1, v9  }
0x21b: {  	v1 =	vld [tilespmem:s3+$0x0]  }
0x21c: {  	v2 =	vld [tilespmem:s2+$0x0]  }
0x21d: {  	v3 =	vld [tilespmem:s2+$0x10]  }
0x21e: {  	v4 =	vld [tilespmem:s3+$0x10]  }
0x21f: {  	v5 =	vld [tilespmem:s2+$0x20]  }
0x220: {  	v6 =	vld [tilespmem:s3+$0x20]  }
0x221: {  	v1 =	vmul.f32 v2, v1;
	v2 =	vld [tilespmem:s2+$0x30]  }
0x222: {  	v7 =	vld [tilespmem:s3+$0x30]  }
0x223: {  	v3 =	vmul.f32 v3, v4;
	v4 =	vld [tilespmem:s2+$0x40]  }
0x224: {  	v8 =	vld [tilespmem:s3+$0x40]  }
0x225: {  	v1 =	vadd.f32 v3, v1;
	v3 =	vmul.f32 v5, v6;
	v5 =	vld [tilespmem:s2+$0x50]  }
0x226: {  	v6 =	vld [tilespmem:s3+$0x50]  }
0x227: {  	v1 =	vadd.f32 v3, v1;
	v2 =	vmul.f32 v2, v7;
	v3 =	vld [tilespmem:s2+$0x60]  }
0x228: {  	v7 =	vld [tilespmem:s3+$0x60]  }
0x229: {  	v1 =	vadd.f32 v2, v1;
	v2 =	vmul.f32 v4, v8;
	v4 =	vld [tilespmem:s2+$0x70]  }
0x22a: {  	v8 =	vld [tilespmem:s3+$0x70]  }
0x22b: {  	v1 =	vadd.f32 v2, v1;
	v2 =	vmul.f32 v5, v6;
	_ =	sdelay $0x1  }
0x22c: {  	v1 =	vadd.f32 v2, v1;
	v2 =	vmul.f32 v3, v7;
	_ =	sdelay $0x1  }
0x22d: {  	v1 =	vadd.f32 v2, v1;
	v2 =	vmul.f32 v4, v8;
	_ =	sdelay $0x1  }
0x22e: {  	v1 =	vadd.f32 v2, v1;
	_ =	sdelay $0x1  }
0x22f: {  	(xrf2) =	vadd.scan.msk.f32 $0xffff, v1;
	_ =	sdelay $0x9  }
0x230: {  	v1, _, _ =	vpop (xrf2)  }
0x231: {  	v1 =	vadd.f32 $0.0e+00, v1;
	_ =	sdelay $0x1  }
0x232: {  	v1 =	vmul.f32 $1.442695020e+00, v1;
	_ =	sdelay $0x1  }
0x233: {  	v1 =	vbroadcast v1, $0xF;
	_ =	sdelay $0x1  }
0x234: {  	(erf) = vpow2.f32 v1  }
0x235: {  	v2 =	vld [tilespmem:s4+$0x70]  }
0x236: {  	v3 =	vld [tilespmem:s4+$0x50]  }
0x237: {  	v4 =	vld [tilespmem:s4+$0x30]  }
0x238: {  	v8 =	vld [tilespmem:s4+$0x10]  }
0x239: {  	v9 =	vld [tilespmem:s4+$0x0]  }
.Ltmp3:
0x23a: {  	v7 =	vld [tilespmem:s4+$0x20];
	(pc) =	sbr.rel @p1 .LBB2_9-.Ltmp3, $4  }
0x23b: {  	v6 =	vld [tilespmem:s4+$0x40]  }
0x23c: {  	v5 =	vld [tilespmem:s4+$0x60]  }
0x23d: {  	v1 =	vpop (erf)  }
0x23e: {  	v9 =	vmul.f32 v1, v9;
	v8 =	vmul.f32 v1, v8  }
0x23f: {  	_ = 	snop  }
0x240: {  	v7 =	vmul.f32 v1, v7;
	[tilespmem:s5+$0x0] =	vst v9  }
0x241: {  	v3 =	vmul.f32 v3, v1;
	[tilespmem:s5+$0x10] =	vst v8  }
0x242: {  	v2 =	vmul.f32 v2, v1;
	[tilespmem:s5+$0x20] =	vst v7  }
0x243: {  	v62 =	vmov s6;
	v6 =	vmul.f32 v6, v1;
	[tilespmem:s5+$0x50] =	vst v3  }
0x244: {  	v3 =	vmul.f32 v1, v4;
	[tilespmem:s5+$0x70] =	vst v2  }
0x245: {  	v63 =	vmul.f32 v5, v1;
	[tilespmem:s5+$0x40] =	vst v6  }
0x246: {  	[tilespmem:s5+$0x30] =	vst v3  }
0x247: {  	[tilespmem:s5+$0x60] =	vst v63  }
0x248: {  	v2 =	vld.idx.msk [tilespmem:v62+s25+$0x0], $0xffff;
	_ =	sdelay $0x5  }
0x249: {  	s0 =	sadd.s32 $0x1, s0  }
0x24a: {  	p1 =	sne.s32 s0, $0x7D  }
.Ltmp4:
0x24b: {  	[tilespmem:v2+s30+$0x0] =	vst.idx.add.f32.msk $0x1, v1;
	(pc) =	sbr.rel @p1 .LBB2_6-.Ltmp4, $4  }
0x24c: {  	[spmem:s19] =	stream.indirect.scatter.add.f32 [tilespmem:s29], [sflag:$0x3], $0x80, s25, s16, $0xb8;
	[tilespmem:$0x1DA00] =	vst v63  }
0x24d: {  	_ =	swait.ge [sflag:s14], $0x1400  }
0x24e: {  	[sflag:s14] =	ssyncset.done $0x0  }
0x24f: {  	[sflag:s14] =	ssyncadd.s32 $0xFFFFEC00  }
0x250: {  	s0 =	sld [smem:$0x7F9];
	_ =	sdelay $0x1  }
0x251: {  	s2 =	simm.s32 $0x400  }
0x252: {  	[hbm4b:s0+s15] =	stream.strided.scatter [tilespmem:s30], [sflag:$0x3], $0x2780, s2, s15, $0x38;
	[tilespmem:$0x1DA00] =	vst v63  }
0x253: {  	_ =	swait.ge [sflag:s14], $0x2780  }
0x254: {  	[sflag:s14] =	ssyncset.done $0x0  }
0x255: {  	[sflag:s14] =	ssyncadd.s32 $0xFFFFD880  }
0x256: {  	s3 =	stileid.u32;
	[bflag:$0x0] =	sbarrier.arrive $0xFFFF  }
0x257: {  	s0 =	sshll.u32 s3, $0x6;
	s4 =	rddreg [dreg:$0x14]  }
0x258: {  	s0 =	sor.u32 $0x1C03, s0;
	s3 =	rddreg [dreg:$0x4];
	s2 =	sshrl.u32 s4, $0x3  }
0x259: {  	[hbm:s3], [sflag:s0] =	dma.local [spmem:s2], $0x280  }
0x25a: {  	_ =	swait.ge [sflag:s14], $0x280  }
0x25b: {  	[sflag:s14] =	ssyncset.done $0x0;
	s5 =	rddreg [dreg:$0x15]  }
0x25c: {  	s6 =	rddreg [dreg:$0x5];
	[sflag:s14] =	ssyncadd.s32 $0xFFFFFD80;
	s2 =	sshrl.u32 s5, $0x3  }
0x25d: {  	[hbm:s6], [sflag:s0] =	dma.local [spmem:s2], $0x280  }
0x25e: {  	_ =	swait.ge [sflag:s14], $0x280  }
0x25f: {  	[sflag:s14] =	ssyncset.done $0x0;
	s7 =	rddreg [dreg:$0x16]  }
0x260: {  	s8 =	rddreg [dreg:$0x6];
	[sflag:s14] =	ssyncadd.s32 $0xFFFFFD80;
	s2 =	sshrl.u32 s7, $0x3  }
0x261: {  	[hbm:s8], [sflag:s0] =	dma.local [spmem:s2], $0x280  }
0x262: {  	_ =	swait.ge [sflag:s14], $0x280  }
0x263: {  	[sflag:s14] =	ssyncset.done $0x0  }
0x264: {  	s3 =	sshrl.u32 s9, $0x3;
	s4 =	rddreg [dreg:$0x7];
	[sflag:s14] =	ssyncadd.s32 $0xFFFFFD80  }
0x265: {  	[hbm:s4], [sflag:s0] =	dma.local [spmem:s3], $0x280  }
0x266: {  	_ =	swait.ge [sflag:s14], $0x280  }
0x267: {  	[sflag:s14] =	ssyncset.done $0x0;
	s5 =	rddreg [dreg:$0x17]  }
0x268: {  	s6 =	rddreg [dreg:$0x8];
	[sflag:s14] =	ssyncadd.s32 $0xFFFFFD80;
	s2 =	sshrl.u32 s5, $0x3  }
0x269: {  	[hbm:s6], [sflag:s0] =	dma.local [spmem:s2], $0x280  }
0x26a: {  	_ =	swait.ge [sflag:s14], $0x280  }
0x26b: {  	s8 =	smov.u32 s9;
	[sflag:s14] =	ssyncset.done $0x0;
	s7 =	rddreg [dreg:$0x18]  }
0x26c: {  	s9 =	rddreg [dreg:$0x9];
	[sflag:s14] =	ssyncadd.s32 $0xFFFFFD80;
	s2 =	sshrl.u32 s7, $0x3  }
0x26d: {  	[hbm:s9], [sflag:s0] =	dma.local [spmem:s2], $0x280  }
0x26e: {  	_ =	swait.ge [sflag:s14], $0x280  }
0x26f: {  	[sflag:s14] =	ssyncset.done $0x0;
	s3 =	rddreg [dreg:$0x19]  }
0x270: {  	s4 =	rddreg [dreg:$0xa];
	[sflag:s14] =	ssyncadd.s32 $0xFFFFFD80;
	s2 =	sshrl.u32 s3, $0x3  }
0x271: {  	[hbm:s4], [sflag:s0] =	dma.local [spmem:s2], $0x280  }
0x272: {  	_ =	swait.ge [sflag:s14], $0x280  }
0x273: {  	[sflag:s14] =	ssyncset.done $0x0;
	s5 =	rddreg [dreg:$0x1a]  }
0x274: {  	s6 =	rddreg [dreg:$0xb];
	[sflag:s14] =	ssyncadd.s32 $0xFFFFFD80;
	s2 =	sshrl.u32 s5, $0x3  }
0x275: {  	[hbm:s6], [sflag:s0] =	dma.local [spmem:s2], $0x280  }
0x276: {  	_ =	swait.ge [sflag:s14], $0x280  }
0x277: {  	[sflag:s14] =	ssyncset.done $0x0;
	s7 =	rddreg [dreg:$0x1b]  }
0x278: {  	s9 =	rddreg [dreg:$0xc];
	[sflag:s14] =	ssyncadd.s32 $0xFFFFFD80;
	s2 =	sshrl.u32 s7, $0x3  }
0x279: {  	[hbm:s9], [sflag:s0] =	dma.local [spmem:s2], $0x280  }
0x27a: {  	_ =	swait.ge [sflag:s14], $0x280  }
0x27b: {  	[sflag:s14] =	ssyncset.done $0x0;
	s3 =	rddreg [dreg:$0x1c]  }
0x27c: {  	s4 =	rddreg [dreg:$0xd];
	[sflag:s14] =	ssyncadd.s32 $0xFFFFFD80;
	s2 =	sshrl.u32 s3, $0x3  }
0x27d: {  	[hbm:s4], [sflag:s0] =	dma.local [spmem:s2], $0x280  }
0x27e: {  	_ =	swait.ge [sflag:s14], $0x280  }
0x27f: {  	[sflag:s14] =	ssyncset.done $0x0;
	s5 =	rddreg [dreg:$0x1d]  }
0x280: {  	s6 =	rddreg [dreg:$0xe];
	[sflag:s14] =	ssyncadd.s32 $0xFFFFFD80;
	s2 =	sshrl.u32 s5, $0x3  }
0x281: {  	[hbm:s6], [sflag:s0] =	dma.local [spmem:s2], $0x280  }
0x282: {  	_ =	swait.ge [sflag:s14], $0x280  }
0x283: {  	[sflag:s14] =	ssyncset.done $0x0;
	s4 =	rddreg [dreg:$0x1e]  }
0x284: {  	s9 =	rddreg [dreg:$0xf];
	[sflag:s14] =	ssyncadd.s32 $0xFFFFFD80;
	s7 =	sshrl.u32 s4, $0x3  }
0x285: {  	[hbm:s9], [sflag:s0] =	dma.local [spmem:s7], $0x280  }
0x286: {  	_ =	swait.ge [sflag:s14], $0x280  }
0x287: {  	[sflag:s14] =	ssyncset.done $0x0;
	s5 =	rddreg [dreg:$0x1f]  }
0x288: {  	s6 =	rddreg [dreg:$0x10];
	[sflag:s14] =	ssyncadd.s32 $0xFFFFFD80;
	s2 =	sshrl.u32 s5, $0x3  }
0x289: {  	[hbm:s6], [sflag:s0] =	dma.local [spmem:s2], $0x280  }
0x28a: {  	_ =	swait.ge [sflag:s14], $0x280  }
0x28b: {  	s5 =	sld [smem:$0x7FC];
	_ =	sdelay $0x1  }
0x28c: {  	[sflag:s14] =	ssyncset.done $0x0  }
0x28d: {  	s9 =	rddreg [dreg:$0x11];
	[sflag:s14] =	ssyncadd.s32 $0xFFFFFD80;
	s7 =	sshrl.u32 s5, $0x3  }
0x28e: {  	[hbm:s9], [sflag:s0] =	dma.local [spmem:s7], $0x280  }
0x28f: {  	_ =	swait.ge [sflag:s14], $0x280  }
0x290: {  	s6 =	sld [smem:$0x7FD];
	_ =	sdelay $0x1  }
0x291: {  	[sflag:s14] =	ssyncset.done $0x0  }
0x292: {  	s7 =	rddreg [dreg:$0x12];
	[sflag:s14] =	ssyncadd.s32 $0xFFFFFD80;
	s3 =	sshrl.u32 s6, $0x3  }
0x293: {  	[hbm:s7], [sflag:s0] =	dma.local [spmem:s3], $0x280  }
0x294: {  	_ =	swait.ge [sflag:s14], $0x280  }
0x295: {  	s2 =	sld [smem:$0x7F7];
	_ =	sdelay $0x1  }
0x296: {  	[sflag:s14] =	ssyncset.done $0x0  }
0x297: {  	s3 =	rddreg [dreg:$0x13];
	[sflag:s14] =	ssyncadd.s32 $0xFFFFFD80;
	s2 =	sshrl.u32 @!p0 s2, $0x3  }
0x298: {  	[hbm:s3], [sflag:s0] =	dma.local @!p0 [spmem:s2], $0x280  }
0x299: {  	s0 =	simm.s32 @!p0 $0x3  }
0x29a: {  	_ =	swait.ge @!p0 [sflag:s0], $0x280  }
0x29b: {  	s9 =	sld [smem:$0x7FB];
	_ =	sdelay $0x1  }
0x29c: {  	s17 =	sadd.s32 $0x1, s17  }
0x29d: {  	p1 =	sne.s32 s17, s9  }
.Ltmp5:
0x29e: {  	_ = 	snop;
	(pc) =	sbr.rel @p1 .LBB2_1-.Ltmp5, $3  }
0x29f: {  	_ =	sdelay $0x1  }
0x2a0: {  	[sflag:s0] =	ssyncset.done @!p0 $0x0  }
0x2a1: {  	[sflag:s0] =	ssyncadd.s32 @!p0 $0xFFFFFD80  }
0x2a2: {  	_ =	sfence.sel $0x180000  }
0x2a3: {  	[bflag:$0x0] =	sbarrier.arrive $0xFFFF  }
0x2a4: {  	_ =	strace $0x90000047  }
0x2a5: {  	s0 =	stileid.u32;
	[bflag:$0x2] =	sbarrier.arrive $0xFFFF  }
0x2a6: {  	p0 =	sne.s32 s0, $0x0;
	s0 =	rddreg [dreg:$0x3]  }
0x2a7: {  	s0 =	sadd.s32 @!p0 $0x100000, s0  }
0x2a8: {  	[sflag:s0] =	ssyncadd.tile.s32 @!p0 $0x1;
	_ =	shalt  }
.Lfunc_end2:
_tile_overlayer_lowered:
.L_overlay_start_2:
0x2a9: {  	(tag) =	ssettag $0x2  }
0x2aa: {  	s0 =	rddreg [dreg:$0x0];
	s2 =	stileid.u32  }
0x2ab: {  	s1 =	rddreg [dreg:$0x1];
	p0 =	sne.s32 s2, $0x0  }
0x2ac: {  	s3 =	rddreg [dreg:$0x2];
	[bflag:$0x3] =	sbarrier.arrive $0xFFFF;
	s2 =	simm.s32 @!p0 $0x1C03  }
0x2ad: {  	[timem:s3], [sflag:s2] =	dma.local @!p0 [hbm:s0], s1  }
0x2ae: {  	s0 =	simm.s32 @!p0 $0x3  }
0x2af: {  	_ =	swait.ge @!p0 [sflag:s0], s1  }
0x2b0: {  	s1 =	ssub.s32 @!p0 $0x0, s1;
	[sflag:s0] =	ssyncset.done @!p0 $0x0  }
0x2b1: {  	[sflag:s0] =	ssyncadd.s32 @!p0 s1  }
0x2b2: {  	[bflag:$0x3] =	sbarrier.arrive $0xFFFF  }
0x2b3: {  	_ =	shalt  }

</sc_bundles>
